<compile_context>
chip_gen: v7x
topology: tpu7x:2x2x1
jax: 0.10.2.dev20260603
libtpu: 0.0.44.dev20260713+nightly
codegen_flags: <defaults>
</compile_context>

<pallas_src>
import functools

import jax
import jax.numpy as jnp
from jax import lax
from jax.experimental import pallas as pl
from jax.experimental.pallas import tpu as pltpu
from jax.experimental.pallas import tpu_sc as plsc

N_NODES = 100000
GRAPH_NODES = 20000
E = 160000
B = 8192
FEAT_DIM = 256
HID = 64
HEADS = 4
ATTN_VEC = 128
OUT_DIM = 64
AUG = 80
NSLOT = 2 * HEADS


def _lrelu(x):
    return jnp.where(x >= 0, x, 0.01 * x)


def _k1_body(feat_ref, w_ref, b_ref, a_ref, tf_ref, s_ref):
    tf = jnp.dot(feat_ref[...], w_ref[...].T,
                 preferred_element_type=jnp.float32) + b_ref[...]
    tf_ref[...] = tf
    s_ref[...] = _lrelu(jnp.dot(tf, a_ref[...].T,
                                preferred_element_type=jnp.float32))


def _compute_tf_s(features0, fc0_W, fc0_b, A):
    BN = 1000
    grid = (N_NODES // BN,)
    return pl.pallas_call(
        _k1_body,
        grid=grid,
        in_specs=[
            pl.BlockSpec((BN, FEAT_DIM), lambda i: (i, 0)),
            pl.BlockSpec((HID, FEAT_DIM), lambda i: (0, 0)),
            pl.BlockSpec((1, HID), lambda i: (0, 0)),
            pl.BlockSpec((NSLOT, HID), lambda i: (0, 0)),
        ],
        out_specs=[
            pl.BlockSpec((BN, HID), lambda i: (i, 0)),
            pl.BlockSpec((BN, NSLOT), lambda i: (i, 0)),
        ],
        out_shape=[
            jax.ShapeDtypeStruct((N_NODES, HID), jnp.float32),
            jax.ShapeDtypeStruct((N_NODES, NSLOT), jnp.float32),
        ],
    )(features0, fc0_W, fc0_b.reshape(1, HID), A)


def _k2_body(tf_ref, s_ref, gmax_ref, aug_ref):
    tf = tf_ref[...]
    for j in range(NSLOT):
        exn = jnp.exp(s_ref[:, j:j + 1] - gmax_ref[0, j])
        aug_ref[j, :, 0:HID] = exn * tf
        aug_ref[j, :, HID:HID + 1] = exn
        aug_ref[j, :, HID + 1:AUG] = jnp.zeros_like(aug_ref[j, :, HID + 1:AUG])


def _compute_aug(tf, s, gmax):
    BN = 1000
    grid = (N_NODES // BN,)
    return pl.pallas_call(
        _k2_body,
        grid=grid,
        in_specs=[
            pl.BlockSpec((BN, HID), lambda i: (i, 0)),
            pl.BlockSpec((BN, NSLOT), lambda i: (i, 0)),
            pl.BlockSpec((1, NSLOT), lambda i: (0, 0)),
        ],
        out_specs=pl.BlockSpec((NSLOT, BN, AUG), lambda i: (0, i, 0)),
        out_shape=jax.ShapeDtypeStruct((NSLOT, N_NODES, AUG), jnp.float32),
    )(tf, s, gmax.reshape(1, NSLOT))


def _k3_body(g_ref, w1_ref, b1_ref, o0_ref, o1_ref, sums_ref):
    step = pl.program_id(0)
    outs = []
    for mp, o_ref in ((0, o0_ref), (1, o1_ref)):
        parts = []
        for h in range(HEADS):
            num = g_ref[mp, h, :, 0:HID]
            den = g_ref[mp, h, :, HID:HID + 1]
            parts.append(jnp.where(den != 0.0, num / den, 0.0))
        x = jnp.concatenate(parts, axis=1)
        o = jnp.where(x > 0, x, jnp.exp(x) - 1.0)
        o_ref[...] = o
        outs.append(o)
    t0 = jnp.tanh(jnp.dot(outs[0], w1_ref[...].T,
                          preferred_element_type=jnp.float32) + b1_ref[...])
    t1 = jnp.tanh(jnp.dot(outs[1], w1_ref[...].T,
                          preferred_element_type=jnp.float32) + b1_ref[...])
    part = jnp.stack([jnp.sum(t0, axis=0), jnp.sum(t1, axis=0)], axis=0)

    @pl.when(step == 0)
    def _():
        sums_ref[...] = part

    @pl.when(step != 0)
    def _():
        sums_ref[...] = sums_ref[...] + part


def _tail_part1(gath, fc1_W, fc1_b):
    BB = 512
    grid = (B // BB,)
    return pl.pallas_call(
        _k3_body,
        grid=grid,
        in_specs=[
            pl.BlockSpec((2, HEADS, BB, AUG), lambda i: (0, 0, i, 0)),
            pl.BlockSpec((ATTN_VEC, HEADS * HID), lambda i: (0, 0)),
            pl.BlockSpec((1, ATTN_VEC), lambda i: (0, 0)),
        ],
        out_specs=[
            pl.BlockSpec((BB, HEADS * HID), lambda i: (i, 0)),
            pl.BlockSpec((BB, HEADS * HID), lambda i: (i, 0)),
            pl.BlockSpec((2, ATTN_VEC), lambda i: (0, 0)),
        ],
        out_shape=[
            jax.ShapeDtypeStruct((B, HEADS * HID), jnp.float32),
            jax.ShapeDtypeStruct((B, HEADS * HID), jnp.float32),
            jax.ShapeDtypeStruct((2, ATTN_VEC), jnp.float32),
        ],
    )(gath, fc1_W, fc1_b.reshape(1, ATTN_VEC))


def _k4_body(o0_ref, o1_ref, sums_ref, w2_ref, wo_ref, bo_ref,
             logits_ref, h_ref):
    mean = sums_ref[...] / float(B)
    bvec = jnp.dot(mean, w2_ref[...].T,
                   preferred_element_type=jnp.float32)
    bmax = jnp.max(bvec)
    eb = jnp.exp(bvec - bmax)
    beta = eb / jnp.sum(eb)
    h = beta[0, 0] * o0_ref[...] + beta[1, 0] * o1_ref[...]
    h_ref[...] = h
    logits_ref[...] = jnp.dot(h, wo_ref[...].T,
                              preferred_element_type=jnp.float32) + bo_ref[...]


def _tail_part2(o0, o1, sums, fc2_W, fc_out_W, fc_out_b):
    BB = 1024
    grid = (B // BB,)
    return pl.pallas_call(
        _k4_body,
        grid=grid,
        in_specs=[
            pl.BlockSpec((BB, HEADS * HID), lambda i: (i, 0)),
            pl.BlockSpec((BB, HEADS * HID), lambda i: (i, 0)),
            pl.BlockSpec((2, ATTN_VEC), lambda i: (0, 0)),
            pl.BlockSpec((1, ATTN_VEC), lambda i: (0, 0)),
            pl.BlockSpec((OUT_DIM, HEADS * HID), lambda i: (0, 0)),
            pl.BlockSpec((1, OUT_DIM), lambda i: (0, 0)),
        ],
        out_specs=[
            pl.BlockSpec((BB, OUT_DIM), lambda i: (i, 0)),
            pl.BlockSpec((BB, HEADS * HID), lambda i: (i, 0)),
        ],
        out_shape=[
            jax.ShapeDtypeStruct((B, OUT_DIM), jnp.float32),
            jax.ShapeDtypeStruct((B, HEADS * HID), jnp.float32),
        ],
    )(o0, o1, sums, fc2_W, fc_out_W, fc_out_b.reshape(1, OUT_DIM))


C_EDGE = 80
C_TGT = 128
TILES = 16
EPT = E // TILES
GPT = GRAPH_NODES // TILES
BPT = B // TILES


def _sc_mid_body(aug_hbm, src0_hbm, dst0_hbm, tgt0_hbm,
                 src1_hbm, dst1_hbm, tgt1_hbm, zeros_hbm, out_hbm,
                 idx_v, dst_v, rows_v, tgt_v, outb_v, table_sh, sem):
    c = lax.axis_index("c")
    sid = lax.axis_index("s")
    for j in range(4):
        mp = j // 2
        src_hbm, dst_hbm, tgt_hbm = ((src0_hbm, dst0_hbm, tgt0_hbm)
                                     if mp == 0 else
                                     (src1_hbm, dst1_hbm, tgt1_hbm))
        off = (mp * HEADS + (j % 2)) * N_NODES + 2 * N_NODES * c
        pltpu.sync_copy(zeros_hbm, table_sh.at[pl.ds(sid * GPT, GPT)])
        plsc.subcore_barrier()

        def chunk(i, _):
            base = sid * EPT + i * C_EDGE
            pltpu.sync_copy(src_hbm.at[pl.ds(base, C_EDGE)], idx_v)
            pltpu.sync_copy(dst_hbm.at[pl.ds(base, C_EDGE)], dst_v)
            for k in range(C_EDGE // 16):
                sl = pl.ds(k * 16, 16)
                idx_v[sl] = idx_v[sl] + off
            pltpu.async_copy(aug_hbm.at[idx_v], rows_v, sem).wait()
            pltpu.sync_copy(rows_v, table_sh.at[dst_v], add=True)
            return 0

        lax.fori_loop(0, EPT // C_EDGE, chunk, 0)
        plsc.subcore_barrier()

        for k in range(BPT // C_TGT):
            tbase = sid * BPT + k * C_TGT
            pltpu.sync_copy(tgt_hbm.at[pl.ds(tbase, C_TGT)], tgt_v)
            pltpu.async_copy(table_sh.at[tgt_v], outb_v, sem).wait()
            obase = (mp * HEADS + (j % 2)) * B + 2 * B * c + tbase
            pltpu.sync_copy(outb_v, out_hbm.at[pl.ds(obase, C_TGT)])
        plsc.subcore_barrier()


def _segment_middle(aug, src0, dst0, tgt0, src1, dst1, tgt1):
    aug_flat = aug.reshape(NSLOT * N_NODES, AUG)
    zeros = jnp.zeros((GPT, AUG), jnp.float32)
    mesh = plsc.VectorSubcoreMesh(core_axis_name="c", subcore_axis_name="s")
    f = pl.kernel(
        _sc_mid_body,
        mesh=mesh,
        compiler_params=pltpu.CompilerParams(use_tc_tiling_on_sc=False),
        out_type=jax.ShapeDtypeStruct((NSLOT * B, AUG), jnp.float32),
        scratch_types=[
            pltpu.VMEM((C_EDGE,), jnp.int32),
            pltpu.VMEM((C_EDGE,), jnp.int32),
            pltpu.VMEM((C_EDGE, AUG), jnp.float32),
            pltpu.VMEM((C_TGT,), jnp.int32),
            pltpu.VMEM((C_TGT, AUG), jnp.float32),
            pltpu.VMEM_SHARED((GRAPH_NODES, AUG), jnp.float32),
            pltpu.SemaphoreType.DMA,
        ],
    )
    out = f(aug_flat, src0, dst0, tgt0, src1, dst1, tgt1, zeros)
    return out.reshape(2, HEADS, B, AUG)


def kernel(features0, type_mask, edge_metapath_indices_0, dst_0, target_idx_0,
           edge_metapath_indices_1, dst_1, target_idx_1,
           fc0_W, fc0_b, attn_0, attn_1, fc1_W, fc1_b, fc2_W, fc_out_W,
           fc_out_b):
    A = jnp.concatenate([attn_0[0], attn_1[0]], axis=0)
    tf, s = _compute_tf_s(features0, fc0_W, fc0_b, A)
    gmax = jnp.max(s, axis=0)
    aug = _compute_aug(tf, s, gmax)

    src0 = edge_metapath_indices_0[:, 0]
    src1 = edge_metapath_indices_1[:, 0]
    gath = _segment_middle(aug, src0, dst_0, target_idx_0,
                           src1, dst_1, target_idx_1)
    del type_mask

    o0, o1, sums = _tail_part1(gath, fc1_W, fc1_b)
    logits, h = _tail_part2(o0, o1, sums, fc2_W, fc_out_W, fc_out_b)
    return logits, h

# --- scband reference (transcript-rebuilt; emitter-appended) ---
"""Pipeline reference for scband-magnn-nc-mb-20624432955635 (READ-ONLY COPY).

The authoritative reference and input builder live on the scoring server;
editing this copy changes nothing except your own understanding.
"""

import jax, jax.numpy as jnp
import numpy as np

N_NODES = 100000
GRAPH_NODES = 20000
E = 160000
B = 8192
FEAT_DIM = 256
HID = 64
HEADS = 4
ATTN_VEC = 128
OUT_DIM = 64


def _xavier(key, shape, gain=1.414):
    fan_in = shape[-1]
    fan_out = shape[0] if shape[0] > 1 else shape[1]
    std = gain * np.sqrt(2.0 / (fan_in + fan_out))
    return jax.random.normal(key, shape, dtype=jnp.float32) * std


def setup_inputs(seed: int = 0) -> dict:
    key = jax.random.key(seed)
    ks = jax.random.split(key, 20)
    inp = {}
    inp["features0"] = jax.random.normal(ks[0], (N_NODES, FEAT_DIM), dtype=jnp.float32)
    inp["type_mask"] = jnp.zeros((N_NODES,), dtype=jnp.int32)
    inp["edge_metapath_indices_0"] = jax.random.randint(ks[1], (E, 3), 0, N_NODES, dtype=jnp.int32)
    inp["dst_0"] = jax.random.randint(ks[2], (E,), 0, GRAPH_NODES, dtype=jnp.int32)
    inp["target_idx_0"] = jax.random.randint(ks[3], (B,), 0, GRAPH_NODES, dtype=jnp.int32)
    inp["edge_metapath_indices_1"] = jax.random.randint(ks[4], (E, 3), 0, N_NODES, dtype=jnp.int32)
    inp["dst_1"] = jax.random.randint(ks[5], (E,), 0, GRAPH_NODES, dtype=jnp.int32)
    inp["target_idx_1"] = jax.random.randint(ks[6], (B,), 0, GRAPH_NODES, dtype=jnp.int32)
    inp["fc0_W"] = _xavier(ks[7], (HID, FEAT_DIM))
    inp["fc0_b"] = jnp.zeros((HID,), dtype=jnp.float32)
    inp["attn_0"] = _xavier(ks[8], (1, HEADS, HID))
    inp["attn_1"] = _xavier(ks[9], (1, HEADS, HID))
    inp["fc1_W"] = _xavier(ks[10], (ATTN_VEC, HEADS * HID))
    inp["fc1_b"] = jnp.zeros((ATTN_VEC,), dtype=jnp.float32)
    inp["fc2_W"] = _xavier(ks[11], (1, ATTN_VEC))
    inp["fc_out_W"] = _xavier(ks[12], (OUT_DIM, HEADS * HID))
    inp["fc_out_b"] = jnp.zeros((OUT_DIM,), dtype=jnp.float32)
    return inp


def _leaky_relu(x, alpha=0.01):
    return jnp.where(x >= 0, x, alpha * x)


def _metapath_layer(features_t, emi, dst, target_idx, attn):
    # MAGNN_metapath_specific, rnn_type='neighbor', use_minibatch=True, eval-mode dropout
    edata = jnp.take(features_t, emi, axis=0)           # E x L x HID (embedding gather)
    hidden = edata[:, 0]                                 # 'neighbor' aggregator
    hidden = jnp.concatenate([hidden] * HEADS, axis=1)   # E x HEADS*HID
    eft = hidden.reshape(-1, HEADS, HID)                 # E x HEADS x HID
    a = _leaky_relu(jnp.sum(eft * attn, axis=-1))        # E x HEADS
    # dgl edge_softmax over incoming edges of each dst node
    m = jax.ops.segment_max(a, dst, num_segments=GRAPH_NODES)
    m = jnp.where(jnp.isfinite(m), m, 0.0)
    ex = jnp.exp(a - m[dst])
    denom = jax.ops.segment_sum(ex, dst, num_segments=GRAPH_NODES)
    att = ex / denom[dst]
    ft = eft * att[:, :, None]
    node_ft = jax.ops.segment_sum(ft, dst, num_segments=GRAPH_NODES)  # G x HEADS x HID
    return node_ft[target_idx]                           # B x HEADS x HID


def _forward(features0, fc0_W, fc0_b, attn_0, attn_1, fc1_W, fc1_b, fc2_W, fc_out_W, fc_out_b,
             idx0, emi0, dst0, tgt0, emi1, dst1, tgt1, n_total):
    # node-type-specific transformation (single node type -> type 0)
    tf = jnp.zeros((n_total, HID), dtype=jnp.float32)
    tf = tf.at[idx0].set(features0 @ fc0_W.T + fc0_b)
    # metapath-specific layers + ELU
    out0 = jax.nn.elu(_metapath_layer(tf, emi0, dst0, tgt0, attn_0).reshape(-1, HEADS * HID))
    out1 = jax.nn.elu(_metapath_layer(tf, emi1, dst1, tgt1, attn_1).reshape(-1, HEADS * HID))
    # metapath-level attention
    betas = []
    for mo in (out0, out1):
        fc1 = jnp.tanh(mo @ fc1_W.T + fc1_b)
        betas.append(jnp.mean(fc1, axis=0) @ fc2_W.T)
    beta = jax.nn.softmax(jnp.concatenate(betas, axis=0), axis=0)[:, None, None]
    h = jnp.sum(beta * jnp.stack([out0, out1], axis=0), axis=0)   # B x HEADS*HID
    logits = h @ fc_out_W.T + fc_out_b                            # B x OUT_DIM
    return logits, h


def reference(features0, type_mask, edge_metapath_indices_0, dst_0, target_idx_0,
              edge_metapath_indices_1, dst_1, target_idx_1,
              fc0_W, fc0_b, attn_0, attn_1, fc1_W, fc1_b, fc2_W, fc_out_W, fc_out_b):
    idx0 = jnp.where(type_mask == 0, size=type_mask.shape[0])[0]
    return _forward(features0, fc0_W, fc0_b, attn_0, attn_1, fc1_W, fc1_b, fc2_W, fc_out_W, fc_out_b,
                    idx0, edge_metapath_indices_0, dst_0, target_idx_0,
                    edge_metapath_indices_1, dst_1, target_idx_1, type_mask.shape[0])

if __name__ == "__main__":
    import jax
    _d = setup_inputs()
    print(jax.jit(kernel)(*tuple(_d.values())))

</pallas_src>

<mosaic_0001>
#map = affine_map<(d0, d1) -> (0, 0)>
#map1 = affine_map<(d0, d1) -> (0)>
module attributes {stable_mosaic.version = 14 : i64} {
  func.func @_sc_mid_body(%arg0: i32, %arg1: i32, %arg2: memref<800000x80xf32, #tpu.memory_space<hbm>>, %arg3: memref<160000xi32, #tpu.memory_space<hbm>>, %arg4: memref<160000xi32, #tpu.memory_space<hbm>>, %arg5: memref<8192xi32, #tpu.memory_space<hbm>>, %arg6: memref<160000xi32, #tpu.memory_space<hbm>>, %arg7: memref<160000xi32, #tpu.memory_space<hbm>>, %arg8: memref<8192xi32, #tpu.memory_space<hbm>>, %arg9: memref<1250x80xf32, #tpu.memory_space<hbm>>, %arg10: memref<65536x80xf32, #tpu.memory_space<hbm>>, %arg11: memref<80xi32, #tpu.memory_space<vmem>>, %arg12: memref<80xi32, #tpu.memory_space<vmem>>, %arg13: memref<80x80xf32, #tpu.memory_space<vmem>>, %arg14: memref<128xi32, #tpu.memory_space<vmem>>, %arg15: memref<128x80xf32, #tpu.memory_space<vmem>>, %arg16: memref<20000x80xf32, #tpu.memory_space<vmem_shared>>, %arg17: memref<!tpu.dma_semaphore, #tpu.memory_space<semaphore_mem>>) attributes {dimension_semantics = [#tpu.dimension_semantics<core_parallel>, #tpu.dimension_semantics<subcore_parallel>], iteration_bounds = array<i64: 2, 16>, scalar_prefetch = 0 : i64, scratch_operands = 7 : i64, tpu.core_type = #tpu.core_type<sc_vector_subcore>, window_params = [{transform_indices = #map}, {transform_indices = #map1}, {transform_indices = #map1}, {transform_indices = #map1}, {transform_indices = #map1}, {transform_indices = #map1}, {transform_indices = #map1}, {transform_indices = #map}, {transform_indices = #map}]} {
    %mul3A = arith.constant 200000 : i32
    %mul3A_0 = arith.muli %mul3A, %arg0 : i32
    %add3A = arith.constant 0 : i32
    %add3A_1 = arith.addi %add3A, %mul3A_0 : i32
    %mul3A_2 = arith.constant 1250 : i32
    %mul3A_3 = arith.muli %arg1, %mul3A_2 : i32
    "tpu.region"() ({
      %run_scoped3A = tpu.sem_alloc : memref<!tpu.dma_semaphore, #tpu.memory_space<semaphore_mem>>
      %dma_start3A_298 = arith.constant 0 : i32
      %dma_start3A_299 = tpu.memref_slice %arg16[%mul3A_3, %dma_start3A_298] : memref<20000x80xf32, #tpu.memory_space<vmem_shared>> -> memref<1250x80xf32, #tpu.memory_space<vmem_shared>>
      tpu.enqueue_dma source(%arg9 : memref<1250x80xf32, #tpu.memory_space<hbm>>) target(%dma_start3A_299 : memref<1250x80xf32, #tpu.memory_space<vmem_shared>>) target_semaphore(%run_scoped3A : memref<!tpu.dma_semaphore, #tpu.memory_space<semaphore_mem>>)
      %dma_wait3A_300 = arith.constant 0 : i32
      %dma_wait3A_301 = tpu.memref_slice %arg16[%mul3A_3, %dma_wait3A_300] : memref<20000x80xf32, #tpu.memory_space<vmem_shared>> -> memref<1250x80xf32, #tpu.memory_space<vmem_shared>>
      tpu.wait_dma2 semaphore(%run_scoped3A : memref<!tpu.dma_semaphore, #tpu.memory_space<semaphore_mem>>) src(%arg9 : memref<1250x80xf32, #tpu.memory_space<hbm>>) dst(%dma_wait3A_301 : memref<1250x80xf32, #tpu.memory_space<vmem_shared>>)
      tpu.yield
    }) : () -> ()
    %barrier3A = arith.constant 0 : index
    tpu.barrier barrier_id(%barrier3A)
    %scan3A = arith.constant 0 : i32
    %scan3A_4 = arith.constant 0 : i32
    %scan3A_5 = arith.constant 125 : i32
    %scan3A_6 = arith.addi %scan3A_4, %scan3A_5 : i32
    %scan3A_7 = arith.constant 1 : i32
    %scan3A_8 = scf.for %scan3A_298 = %scan3A_4 to %scan3A_6 step %scan3A_7 iter_args(%scan3A_299 = %scan3A) -> (i32)  : i32 {
      %mul3A_300 = arith.constant 10000 : i32
      %mul3A_301 = arith.muli %arg1, %mul3A_300 : i32
      %mul3A_302 = arith.constant 80 : i32
      %mul3A_303 = arith.muli %scan3A_298, %mul3A_302 : i32
      %add3A_304 = arith.addi %mul3A_301, %mul3A_303 : i32
      "tpu.region"() ({
        %run_scoped3A = tpu.sem_alloc : memref<!tpu.dma_semaphore, #tpu.memory_space<semaphore_mem>>
        %dma_start3A_355 = tpu.memref_slice %arg3[%add3A_304] : memref<160000xi32, #tpu.memory_space<hbm>> -> memref<80xi32, #tpu.memory_space<hbm>>
        %dma_start3A_356 = tpu.memref_slice %arg3[%add3A_304] : memref<160000xi32, #tpu.memory_space<hbm>> -> memref<80xi32, #tpu.memory_space<hbm>>
        tpu.enqueue_dma source(%dma_start3A_356 : memref<80xi32, #tpu.memory_space<hbm>>) target(%arg11 : memref<80xi32, #tpu.memory_space<vmem>>) target_semaphore(%run_scoped3A : memref<!tpu.dma_semaphore, #tpu.memory_space<semaphore_mem>>)
        %dma_wait3A_357 = tpu.memref_slice %arg3[%add3A_304] : memref<160000xi32, #tpu.memory_space<hbm>> -> memref<80xi32, #tpu.memory_space<hbm>>
        %dma_wait3A_358 = tpu.memref_slice %arg3[%add3A_304] : memref<160000xi32, #tpu.memory_space<hbm>> -> memref<80xi32, #tpu.memory_space<hbm>>
        tpu.wait_dma2 semaphore(%run_scoped3A : memref<!tpu.dma_semaphore, #tpu.memory_space<semaphore_mem>>) src(%dma_wait3A_358 : memref<80xi32, #tpu.memory_space<hbm>>) dst(%arg11 : memref<80xi32, #tpu.memory_space<vmem>>)
        tpu.yield
      }) : () -> ()
      "tpu.region"() ({
        %run_scoped3A = tpu.sem_alloc : memref<!tpu.dma_semaphore, #tpu.memory_space<semaphore_mem>>
        %dma_start3A_355 = tpu.memref_slice %arg4[%add3A_304] : memref<160000xi32, #tpu.memory_space<hbm>> -> memref<80xi32, #tpu.memory_space<hbm>>
        %dma_start3A_356 = tpu.memref_slice %arg4[%add3A_304] : memref<160000xi32, #tpu.memory_space<hbm>> -> memref<80xi32, #tpu.memory_space<hbm>>
        tpu.enqueue_dma source(%dma_start3A_356 : memref<80xi32, #tpu.memory_space<hbm>>) target(%arg12 : memref<80xi32, #tpu.memory_space<vmem>>) target_semaphore(%run_scoped3A : memref<!tpu.dma_semaphore, #tpu.memory_space<semaphore_mem>>)
        %dma_wait3A_357 = tpu.memref_slice %arg4[%add3A_304] : memref<160000xi32, #tpu.memory_space<hbm>> -> memref<80xi32, #tpu.memory_space<hbm>>
        %dma_wait3A_358 = tpu.memref_slice %arg4[%add3A_304] : memref<160000xi32, #tpu.memory_space<hbm>> -> memref<80xi32, #tpu.memory_space<hbm>>
        tpu.wait_dma2 semaphore(%run_scoped3A : memref<!tpu.dma_semaphore, #tpu.memory_space<semaphore_mem>>) src(%dma_wait3A_358 : memref<80xi32, #tpu.memory_space<hbm>>) dst(%arg12 : memref<80xi32, #tpu.memory_space<vmem>>)
        tpu.yield
      }) : () -> ()
      %get3A = arith.constant 0 : index
      %get3A_305 = tpu.vector_load %arg11[%get3A] {strides = array<i32>} : memref<80xi32, #tpu.memory_space<vmem>>, vector<16xi32>,
      %get3A_306 = vector.shape_cast %get3A_305 : vector<16xi32> to vector<16xi32>
      %add3A_307 = vector.broadcast %add3A_1 : i32 to vector<16xi32>
      %add3A_308 = arith.addi %get3A_306, %add3A_307 : vector<16xi32>
      %swap3A = arith.constant 0 : index
      %swap3A_309 = tpu.vector_load %arg11[%swap3A] {strides = array<i32>} : memref<80xi32, #tpu.memory_space<vmem>>, vector<16xi32>,
      %swap3A_310 = vector.shape_cast %swap3A_309 : vector<16xi32> to vector<16xi32>
      %swap3A_311 = vector.shape_cast %add3A_308 : vector<16xi32> to vector<16xi32>
      tpu.vector_store %arg11[%swap3A], %swap3A_311 {strides = array<i32>} : memref<80xi32, #tpu.memory_space<vmem>>, vector<16xi32>,
      %get3A_312 = arith.constant 16 : index
      %get3A_313 = tpu.vector_load %arg11[%get3A_312] {strides = array<i32>} : memref<80xi32, #tpu.memory_space<vmem>>, vector<16xi32>,
      %get3A_314 = vector.shape_cast %get3A_313 : vector<16xi32> to vector<16xi32>
      %add3A_315 = vector.broadcast %add3A_1 : i32 to vector<16xi32>
      %add3A_316 = arith.addi %get3A_314, %add3A_315 : vector<16xi32>
      %swap3A_317 = arith.constant 16 : index
      %swap3A_318 = tpu.vector_load %arg11[%swap3A_317] {strides = array<i32>} : memref<80xi32, #tpu.memory_space<vmem>>, vector<16xi32>,
      %swap3A_319 = vector.shape_cast %swap3A_318 : vector<16xi32> to vector<16xi32>
      %swap3A_320 = vector.shape_cast %add3A_316 : vector<16xi32> to vector<16xi32>
      tpu.vector_store %arg11[%swap3A_317], %swap3A_320 {strides = array<i32>} : memref<80xi32, #tpu.memory_space<vmem>>, vector<16xi32>,
      %get3A_321 = arith.constant 32 : index
      %get3A_322 = tpu.vector_load %arg11[%get3A_321] {strides = array<i32>} : memref<80xi32, #tpu.memory_space<vmem>>, vector<16xi32>,
      %get3A_323 = vector.shape_cast %get3A_322 : vector<16xi32> to vector<16xi32>
      %add3A_324 = vector.broadcast %add3A_1 : i32 to vector<16xi32>
      %add3A_325 = arith.addi %get3A_323, %add3A_324 : vector<16xi32>
      %swap3A_326 = arith.constant 32 : index
      %swap3A_327 = tpu.vector_load %arg11[%swap3A_326] {strides = array<i32>} : memref<80xi32, #tpu.memory_space<vmem>>, vector<16xi32>,
      %swap3A_328 = vector.shape_cast %swap3A_327 : vector<16xi32> to vector<16xi32>
      %swap3A_329 = vector.shape_cast %add3A_325 : vector<16xi32> to vector<16xi32>
      tpu.vector_store %arg11[%swap3A_326], %swap3A_329 {strides = array<i32>} : memref<80xi32, #tpu.memory_space<vmem>>, vector<16xi32>,
      %get3A_330 = arith.constant 48 : index
      %get3A_331 = tpu.vector_load %arg11[%get3A_330] {strides = array<i32>} : memref<80xi32, #tpu.memory_space<vmem>>, vector<16xi32>,
      %get3A_332 = vector.shape_cast %get3A_331 : vector<16xi32> to vector<16xi32>
      %add3A_333 = vector.broadcast %add3A_1 : i32 to vector<16xi32>
      %add3A_334 = arith.addi %get3A_332, %add3A_333 : vector<16xi32>
      %swap3A_335 = arith.constant 48 : index
      %swap3A_336 = tpu.vector_load %arg11[%swap3A_335] {strides = array<i32>} : memref<80xi32, #tpu.memory_space<vmem>>, vector<16xi32>,
      %swap3A_337 = vector.shape_cast %swap3A_336 : vector<16xi32> to vector<16xi32>
      %swap3A_338 = vector.shape_cast %add3A_334 : vector<16xi32> to vector<16xi32>
      tpu.vector_store %arg11[%swap3A_335], %swap3A_338 {strides = array<i32>} : memref<80xi32, #tpu.memory_space<vmem>>, vector<16xi32>,
      %get3A_339 = arith.constant 64 : index
      %get3A_340 = tpu.vector_load %arg11[%get3A_339] {strides = array<i32>} : memref<80xi32, #tpu.memory_space<vmem>>, vector<16xi32>,
      %get3A_341 = vector.shape_cast %get3A_340 : vector<16xi32> to vector<16xi32>
      %add3A_342 = vector.broadcast %add3A_1 : i32 to vector<16xi32>
      %add3A_343 = arith.addi %get3A_341, %add3A_342 : vector<16xi32>
      %swap3A_344 = arith.constant 64 : index
      %swap3A_345 = tpu.vector_load %arg11[%swap3A_344] {strides = array<i32>} : memref<80xi32, #tpu.memory_space<vmem>>, vector<16xi32>,
      %swap3A_346 = vector.shape_cast %swap3A_345 : vector<16xi32> to vector<16xi32>
      %swap3A_347 = vector.shape_cast %add3A_343 : vector<16xi32> to vector<16xi32>
      tpu.vector_store %arg11[%swap3A_344], %swap3A_347 {strides = array<i32>} : memref<80xi32, #tpu.memory_space<vmem>>, vector<16xi32>,
      %dma_start3A_348 = arith.constant 0 : i32
      %dma_start3A_349 = arith.constant 0 : i32
      %dma_start3A_350 = tpu.memref_slice %arg2[%dma_start3A_348, %dma_start3A_349] : memref<800000x80xf32, #tpu.memory_space<hbm>> -> memref<800000x80xf32, #tpu.memory_space<hbm>>
      tpu.enqueue_indirect_dma source(%dma_start3A_350 : memref<800000x80xf32, #tpu.memory_space<hbm>>) target(%arg13 : memref<80x80xf32, #tpu.memory_space<vmem>>) offsets(%arg11 : memref<80xi32, #tpu.memory_space<vmem>>) semaphore(%arg17 : memref<!tpu.dma_semaphore, #tpu.memory_space<semaphore_mem>>)
      %dma_wait3A_351 = arith.constant 0 : i32
      %dma_wait3A_352 = arith.constant 0 : i32
      %dma_wait3A_353 = tpu.memref_slice %arg2[%dma_wait3A_351, %dma_wait3A_352] : memref<800000x80xf32, #tpu.memory_space<hbm>> -> memref<800000x80xf32, #tpu.memory_space<hbm>>
      tpu.wait_indirect_dma semaphore(%arg17 : memref<!tpu.dma_semaphore, #tpu.memory_space<semaphore_mem>>) src(%dma_wait3A_353 : memref<800000x80xf32, #tpu.memory_space<hbm>>) dst(%arg13 : memref<80x80xf32, #tpu.memory_space<vmem>>)
      "tpu.region"() ({
        %run_scoped3A = tpu.sem_alloc : memref<!tpu.dma_semaphore, #tpu.memory_space<semaphore_mem>>
        %dma_start3A_355 = arith.constant 0 : i32
        %dma_start3A_356 = arith.constant 0 : i32
        %dma_start3A_357 = tpu.memref_slice %arg16[%dma_start3A_355, %dma_start3A_356] : memref<20000x80xf32, #tpu.memory_space<vmem_shared>> -> memref<20000x80xf32, #tpu.memory_space<vmem_shared>>
        tpu.enqueue_indirect_dma source(%arg13 : memref<80x80xf32, #tpu.memory_space<vmem>>) target(%dma_start3A_357 : memref<20000x80xf32, #tpu.memory_space<vmem_shared>>) offsets(%arg12 : memref<80xi32, #tpu.memory_space<vmem>>) semaphore(%run_scoped3A : memref<!tpu.dma_semaphore, #tpu.memory_space<semaphore_mem>>) {add = true}
        %dma_wait3A_358 = arith.constant 0 : i32
        %dma_wait3A_359 = arith.constant 0 : i32
        %dma_wait3A_360 = tpu.memref_slice %arg16[%dma_wait3A_358, %dma_wait3A_359] : memref<20000x80xf32, #tpu.memory_space<vmem_shared>> -> memref<20000x80xf32, #tpu.memory_space<vmem_shared>>
        tpu.wait_indirect_dma semaphore(%run_scoped3A : memref<!tpu.dma_semaphore, #tpu.memory_space<semaphore_mem>>) src(%arg13 : memref<80x80xf32, #tpu.memory_space<vmem>>) dst(%dma_wait3A_360 : memref<20000x80xf32, #tpu.memory_space<vmem_shared>>)
        tpu.yield
      }) : () -> ()
      %scan3A_354 = arith.constant 0 : i32
      scf.yield %scan3A_354 : i32
    }
    %scan3A_9 = arith.constant 125 : i32
    %barrier3A_10 = arith.constant 0 : index
    tpu.barrier barrier_id(%barrier3A_10)
    %mul3A_11 = arith.constant 512 : i32
    %mul3A_12 = arith.muli %arg1, %mul3A_11 : i32
    %add3A_13 = arith.constant 0 : i32
    %add3A_14 = arith.addi %mul3A_12, %add3A_13 : i32
    "tpu.region"() ({
      %run_scoped3A = tpu.sem_alloc : memref<!tpu.dma_semaphore, #tpu.memory_space<semaphore_mem>>
      %dma_start3A_298 = tpu.memref_slice %arg5[%add3A_14] : memref<8192xi32, #tpu.memory_space<hbm>> -> memref<128xi32, #tpu.memory_space<hbm>>
      %dma_start3A_299 = tpu.memref_slice %arg5[%add3A_14] : memref<8192xi32, #tpu.memory_space<hbm>> -> memref<128xi32, #tpu.memory_space<hbm>>
      tpu.enqueue_dma source(%dma_start3A_299 : memref<128xi32, #tpu.memory_space<hbm>>) target(%arg14 : memref<128xi32, #tpu.memory_space<vmem>>) target_semaphore(%run_scoped3A : memref<!tpu.dma_semaphore, #tpu.memory_space<semaphore_mem>>)
      %dma_wait3A_300 = tpu.memref_slice %arg5[%add3A_14] : memref<8192xi32, #tpu.memory_space<hbm>> -> memref<128xi32, #tpu.memory_space<hbm>>
      %dma_wait3A_301 = tpu.memref_slice %arg5[%add3A_14] : memref<8192xi32, #tpu.memory_space<hbm>> -> memref<128xi32, #tpu.memory_space<hbm>>
      tpu.wait_dma2 semaphore(%run_scoped3A : memref<!tpu.dma_semaphore, #tpu.memory_space<semaphore_mem>>) src(%dma_wait3A_301 : memref<128xi32, #tpu.memory_space<hbm>>) dst(%arg14 : memref<128xi32, #tpu.memory_space<vmem>>)
      tpu.yield
    }) : () -> ()
    %dma_start3A = arith.constant 0 : i32
    %dma_start3A_15 = arith.constant 0 : i32
    %dma_start3A_16 = tpu.memref_slice %arg16[%dma_start3A, %dma_start3A_15] : memref<20000x80xf32, #tpu.memory_space<vmem_shared>> -> memref<20000x80xf32, #tpu.memory_space<vmem_shared>>
    tpu.enqueue_indirect_dma source(%dma_start3A_16 : memref<20000x80xf32, #tpu.memory_space<vmem_shared>>) target(%arg15 : memref<128x80xf32, #tpu.memory_space<vmem>>) offsets(%arg14 : memref<128xi32, #tpu.memory_space<vmem>>) semaphore(%arg17 : memref<!tpu.dma_semaphore, #tpu.memory_space<semaphore_mem>>)
    %dma_wait3A = arith.constant 0 : i32
    %dma_wait3A_17 = arith.constant 0 : i32
    %dma_wait3A_18 = tpu.memref_slice %arg16[%dma_wait3A, %dma_wait3A_17] : memref<20000x80xf32, #tpu.memory_space<vmem_shared>> -> memref<20000x80xf32, #tpu.memory_space<vmem_shared>>
    tpu.wait_indirect_dma semaphore(%arg17 : memref<!tpu.dma_semaphore, #tpu.memory_space<semaphore_mem>>) src(%dma_wait3A_18 : memref<20000x80xf32, #tpu.memory_space<vmem_shared>>) dst(%arg15 : memref<128x80xf32, #tpu.memory_space<vmem>>)
    %mul3A_19 = arith.constant 16384 : i32
    %mul3A_20 = arith.muli %mul3A_19, %arg0 : i32
    %add3A_21 = arith.constant 0 : i32
    %add3A_22 = arith.addi %add3A_21, %mul3A_20 : i32
    %add3A_23 = arith.addi %add3A_22, %add3A_14 : i32
    "tpu.region"() ({
      %run_scoped3A = tpu.sem_alloc : memref<!tpu.dma_semaphore, #tpu.memory_space<semaphore_mem>>
      %dma_start3A_298 = arith.constant 0 : i32
      %dma_start3A_299 = tpu.memref_slice %arg10[%add3A_23, %dma_start3A_298] : memref<65536x80xf32, #tpu.memory_space<hbm>> -> memref<128x80xf32, #tpu.memory_space<hbm>>
      %dma_start3A_300 = arith.constant 0 : i32
      %dma_start3A_301 = tpu.memref_slice %arg10[%add3A_23, %dma_start3A_300] : memref<65536x80xf32, #tpu.memory_space<hbm>> -> memref<128x80xf32, #tpu.memory_space<hbm>>
      tpu.enqueue_dma source(%arg15 : memref<128x80xf32, #tpu.memory_space<vmem>>) target(%dma_start3A_301 : memref<128x80xf32, #tpu.memory_space<hbm>>) target_semaphore(%run_scoped3A : memref<!tpu.dma_semaphore, #tpu.memory_space<semaphore_mem>>)
      %dma_wait3A_302 = arith.constant 0 : i32
      %dma_wait3A_303 = tpu.memref_slice %arg10[%add3A_23, %dma_wait3A_302] : memref<65536x80xf32, #tpu.memory_space<hbm>> -> memref<128x80xf32, #tpu.memory_space<hbm>>
      %dma_wait3A_304 = arith.constant 0 : i32
      %dma_wait3A_305 = tpu.memref_slice %arg10[%add3A_23, %dma_wait3A_304] : memref<65536x80xf32, #tpu.memory_space<hbm>> -> memref<128x80xf32, #tpu.memory_space<hbm>>
      tpu.wait_dma2 semaphore(%run_scoped3A : memref<!tpu.dma_semaphore, #tpu.memory_space<semaphore_mem>>) src(%arg15 : memref<128x80xf32, #tpu.memory_space<vmem>>) dst(%dma_wait3A_305 : memref<128x80xf32, #tpu.memory_space<hbm>>)
      tpu.yield
    }) : () -> ()
    %mul3A_24 = arith.constant 512 : i32
    %mul3A_25 = arith.muli %arg1, %mul3A_24 : i32
    %add3A_26 = arith.constant 128 : i32
    %add3A_27 = arith.addi %mul3A_25, %add3A_26 : i32
    "tpu.region"() ({
      %run_scoped3A = tpu.sem_alloc : memref<!tpu.dma_semaphore, #tpu.memory_space<semaphore_mem>>
      %dma_start3A_298 = tpu.memref_slice %arg5[%add3A_27] : memref<8192xi32, #tpu.memory_space<hbm>> -> memref<128xi32, #tpu.memory_space<hbm>>
      %dma_start3A_299 = tpu.memref_slice %arg5[%add3A_27] : memref<8192xi32, #tpu.memory_space<hbm>> -> memref<128xi32, #tpu.memory_space<hbm>>
      tpu.enqueue_dma source(%dma_start3A_299 : memref<128xi32, #tpu.memory_space<hbm>>) target(%arg14 : memref<128xi32, #tpu.memory_space<vmem>>) target_semaphore(%run_scoped3A : memref<!tpu.dma_semaphore, #tpu.memory_space<semaphore_mem>>)
      %dma_wait3A_300 = tpu.memref_slice %arg5[%add3A_27] : memref<8192xi32, #tpu.memory_space<hbm>> -> memref<128xi32, #tpu.memory_space<hbm>>
      %dma_wait3A_301 = tpu.memref_slice %arg5[%add3A_27] : memref<8192xi32, #tpu.memory_space<hbm>> -> memref<128xi32, #tpu.memory_space<hbm>>
      tpu.wait_dma2 semaphore(%run_scoped3A : memref<!tpu.dma_semaphore, #tpu.memory_space<semaphore_mem>>) src(%dma_wait3A_301 : memref<128xi32, #tpu.memory_space<hbm>>) dst(%arg14 : memref<128xi32, #tpu.memory_space<vmem>>)
      tpu.yield
    }) : () -> ()
    %dma_start3A_28 = arith.constant 0 : i32
    %dma_start3A_29 = arith.constant 0 : i32
    %dma_start3A_30 = tpu.memref_slice %arg16[%dma_start3A_28, %dma_start3A_29] : memref<20000x80xf32, #tpu.memory_space<vmem_shared>> -> memref<20000x80xf32, #tpu.memory_space<vmem_shared>>
    tpu.enqueue_indirect_dma source(%dma_start3A_30 : memref<20000x80xf32, #tpu.memory_space<vmem_shared>>) target(%arg15 : memref<128x80xf32, #tpu.memory_space<vmem>>) offsets(%arg14 : memref<128xi32, #tpu.memory_space<vmem>>) semaphore(%arg17 : memref<!tpu.dma_semaphore, #tpu.memory_space<semaphore_mem>>)
    %dma_wait3A_31 = arith.constant 0 : i32
    %dma_wait3A_32 = arith.constant 0 : i32
    %dma_wait3A_33 = tpu.memref_slice %arg16[%dma_wait3A_31, %dma_wait3A_32] : memref<20000x80xf32, #tpu.memory_space<vmem_shared>> -> memref<20000x80xf32, #tpu.memory_space<vmem_shared>>
    tpu.wait_indirect_dma semaphore(%arg17 : memref<!tpu.dma_semaphore, #tpu.memory_space<semaphore_mem>>) src(%dma_wait3A_33 : memref<20000x80xf32, #tpu.memory_space<vmem_shared>>) dst(%arg15 : memref<128x80xf32, #tpu.memory_space<vmem>>)
    %mul3A_34 = arith.constant 16384 : i32
    %mul3A_35 = arith.muli %mul3A_34, %arg0 : i32
    %add3A_36 = arith.constant 0 : i32
    %add3A_37 = arith.addi %add3A_36, %mul3A_35 : i32
    %add3A_38 = arith.addi %add3A_37, %add3A_27 : i32
    "tpu.region"() ({
      %run_scoped3A = tpu.sem_alloc : memref<!tpu.dma_semaphore, #tpu.memory_space<semaphore_mem>>
      %dma_start3A_298 = arith.constant 0 : i32
      %dma_start3A_299 = tpu.memref_slice %arg10[%add3A_38, %dma_start3A_298] : memref<65536x80xf32, #tpu.memory_space<hbm>> -> memref<128x80xf32, #tpu.memory_space<hbm>>
      %dma_start3A_300 = arith.constant 0 : i32
      %dma_start3A_301 = tpu.memref_slice %arg10[%add3A_38, %dma_start3A_300] : memref<65536x80xf32, #tpu.memory_space<hbm>> -> memref<128x80xf32, #tpu.memory_space<hbm>>
      tpu.enqueue_dma source(%arg15 : memref<128x80xf32, #tpu.memory_space<vmem>>) target(%dma_start3A_301 : memref<128x80xf32, #tpu.memory_space<hbm>>) target_semaphore(%run_scoped3A : memref<!tpu.dma_semaphore, #tpu.memory_space<semaphore_mem>>)
      %dma_wait3A_302 = arith.constant 0 : i32
      %dma_wait3A_303 = tpu.memref_slice %arg10[%add3A_38, %dma_wait3A_302] : memref<65536x80xf32, #tpu.memory_space<hbm>> -> memref<128x80xf32, #tpu.memory_space<hbm>>
      %dma_wait3A_304 = arith.constant 0 : i32
      %dma_wait3A_305 = tpu.memref_slice %arg10[%add3A_38, %dma_wait3A_304] : memref<65536x80xf32, #tpu.memory_space<hbm>> -> memref<128x80xf32, #tpu.memory_space<hbm>>
      tpu.wait_dma2 semaphore(%run_scoped3A : memref<!tpu.dma_semaphore, #tpu.memory_space<semaphore_mem>>) src(%arg15 : memref<128x80xf32, #tpu.memory_space<vmem>>) dst(%dma_wait3A_305 : memref<128x80xf32, #tpu.memory_space<hbm>>)
      tpu.yield
    }) : () -> ()
    %mul3A_39 = arith.constant 512 : i32
    %mul3A_40 = arith.muli %arg1, %mul3A_39 : i32
    %add3A_41 = arith.constant 256 : i32
    %add3A_42 = arith.addi %mul3A_40, %add3A_41 : i32
    "tpu.region"() ({
      %run_scoped3A = tpu.sem_alloc : memref<!tpu.dma_semaphore, #tpu.memory_space<semaphore_mem>>
      %dma_start3A_298 = tpu.memref_slice %arg5[%add3A_42] : memref<8192xi32, #tpu.memory_space<hbm>> -> memref<128xi32, #tpu.memory_space<hbm>>
      %dma_start3A_299 = tpu.memref_slice %arg5[%add3A_42] : memref<8192xi32, #tpu.memory_space<hbm>> -> memref<128xi32, #tpu.memory_space<hbm>>
      tpu.enqueue_dma source(%dma_start3A_299 : memref<128xi32, #tpu.memory_space<hbm>>) target(%arg14 : memref<128xi32, #tpu.memory_space<vmem>>) target_semaphore(%run_scoped3A : memref<!tpu.dma_semaphore, #tpu.memory_space<semaphore_mem>>)
      %dma_wait3A_300 = tpu.memref_slice %arg5[%add3A_42] : memref<8192xi32, #tpu.memory_space<hbm>> -> memref<128xi32, #tpu.memory_space<hbm>>
      %dma_wait3A_301 = tpu.memref_slice %arg5[%add3A_42] : memref<8192xi32, #tpu.memory_space<hbm>> -> memref<128xi32, #tpu.memory_space<hbm>>
      tpu.wait_dma2 semaphore(%run_scoped3A : memref<!tpu.dma_semaphore, #tpu.memory_space<semaphore_mem>>) src(%dma_wait3A_301 : memref<128xi32, #tpu.memory_space<hbm>>) dst(%arg14 : memref<128xi32, #tpu.memory_space<vmem>>)
      tpu.yield
    }) : () -> ()
    %dma_start3A_43 = arith.constant 0 : i32
    %dma_start3A_44 = arith.constant 0 : i32
    %dma_start3A_45 = tpu.memref_slice %arg16[%dma_start3A_43, %dma_start3A_44] : memref<20000x80xf32, #tpu.memory_space<vmem_shared>> -> memref<20000x80xf32, #tpu.memory_space<vmem_shared>>
    tpu.enqueue_indirect_dma source(%dma_start3A_45 : memref<20000x80xf32, #tpu.memory_space<vmem_shared>>) target(%arg15 : memref<128x80xf32, #tpu.memory_space<vmem>>) offsets(%arg14 : memref<128xi32, #tpu.memory_space<vmem>>) semaphore(%arg17 : memref<!tpu.dma_semaphore, #tpu.memory_space<semaphore_mem>>)
    %dma_wait3A_46 = arith.constant 0 : i32
    %dma_wait3A_47 = arith.constant 0 : i32
    %dma_wait3A_48 = tpu.memref_slice %arg16[%dma_wait3A_46, %dma_wait3A_47] : memref<20000x80xf32, #tpu.memory_space<vmem_shared>> -> memref<20000x80xf32, #tpu.memory_space<vmem_shared>>
    tpu.wait_indirect_dma semaphore(%arg17 : memref<!tpu.dma_semaphore, #tpu.memory_space<semaphore_mem>>) src(%dma_wait3A_48 : memref<20000x80xf32, #tpu.memory_space<vmem_shared>>) dst(%arg15 : memref<128x80xf32, #tpu.memory_space<vmem>>)
    %mul3A_49 = arith.constant 16384 : i32
    %mul3A_50 = arith.muli %mul3A_49, %arg0 : i32
    %add3A_51 = arith.constant 0 : i32
    %add3A_52 = arith.addi %add3A_51, %mul3A_50 : i32
    %add3A_53 = arith.addi %add3A_52, %add3A_42 : i32
    "tpu.region"() ({
      %run_scoped3A = tpu.sem_alloc : memref<!tpu.dma_semaphore, #tpu.memory_space<semaphore_mem>>
      %dma_start3A_298 = arith.constant 0 : i32
      %dma_start3A_299 = tpu.memref_slice %arg10[%add3A_53, %dma_start3A_298] : memref<65536x80xf32, #tpu.memory_space<hbm>> -> memref<128x80xf32, #tpu.memory_space<hbm>>
      %dma_start3A_300 = arith.constant 0 : i32
      %dma_start3A_301 = tpu.memref_slice %arg10[%add3A_53, %dma_start3A_300] : memref<65536x80xf32, #tpu.memory_space<hbm>> -> memref<128x80xf32, #tpu.memory_space<hbm>>
      tpu.enqueue_dma source(%arg15 : memref<128x80xf32, #tpu.memory_space<vmem>>) target(%dma_start3A_301 : memref<128x80xf32, #tpu.memory_space<hbm>>) target_semaphore(%run_scoped3A : memref<!tpu.dma_semaphore, #tpu.memory_space<semaphore_mem>>)
      %dma_wait3A_302 = arith.constant 0 : i32
      %dma_wait3A_303 = tpu.memref_slice %arg10[%add3A_53, %dma_wait3A_302] : memref<65536x80xf32, #tpu.memory_space<hbm>> -> memref<128x80xf32, #tpu.memory_space<hbm>>
      %dma_wait3A_304 = arith.constant 0 : i32
      %dma_wait3A_305 = tpu.memref_slice %arg10[%add3A_53, %dma_wait3A_304] : memref<65536x80xf32, #tpu.memory_space<hbm>> -> memref<128x80xf32, #tpu.memory_space<hbm>>
      tpu.wait_dma2 semaphore(%run_scoped3A : memref<!tpu.dma_semaphore, #tpu.memory_space<semaphore_mem>>) src(%arg15 : memref<128x80xf32, #tpu.memory_space<vmem>>) dst(%dma_wait3A_305 : memref<128x80xf32, #tpu.memory_space<hbm>>)
      tpu.yield
    }) : () -> ()
    %mul3A_54 = arith.constant 512 : i32
    %mul3A_55 = arith.muli %arg1, %mul3A_54 : i32
    %add3A_56 = arith.constant 384 : i32
    %add3A_57 = arith.addi %mul3A_55, %add3A_56 : i32
    "tpu.region"() ({
      %run_scoped3A = tpu.sem_alloc : memref<!tpu.dma_semaphore, #tpu.memory_space<semaphore_mem>>
      %dma_start3A_298 = tpu.memref_slice %arg5[%add3A_57] : memref<8192xi32, #tpu.memory_space<hbm>> -> memref<128xi32, #tpu.memory_space<hbm>>
      %dma_start3A_299 = tpu.memref_slice %arg5[%add3A_57] : memref<8192xi32, #tpu.memory_space<hbm>> -> memref<128xi32, #tpu.memory_space<hbm>>
      tpu.enqueue_dma source(%dma_start3A_299 : memref<128xi32, #tpu.memory_space<hbm>>) target(%arg14 : memref<128xi32, #tpu.memory_space<vmem>>) target_semaphore(%run_scoped3A : memref<!tpu.dma_semaphore, #tpu.memory_space<semaphore_mem>>)
      %dma_wait3A_300 = tpu.memref_slice %arg5[%add3A_57] : memref<8192xi32, #tpu.memory_space<hbm>> -> memref<128xi32, #tpu.memory_space<hbm>>
      %dma_wait3A_301 = tpu.memref_slice %arg5[%add3A_57] : memref<8192xi32, #tpu.memory_space<hbm>> -> memref<128xi32, #tpu.memory_space<hbm>>
      tpu.wait_dma2 semaphore(%run_scoped3A : memref<!tpu.dma_semaphore, #tpu.memory_space<semaphore_mem>>) src(%dma_wait3A_301 : memref<128xi32, #tpu.memory_space<hbm>>) dst(%arg14 : memref<128xi32, #tpu.memory_space<vmem>>)
      tpu.yield
    }) : () -> ()
    %dma_start3A_58 = arith.constant 0 : i32
    %dma_start3A_59 = arith.constant 0 : i32
    %dma_start3A_60 = tpu.memref_slice %arg16[%dma_start3A_58, %dma_start3A_59] : memref<20000x80xf32, #tpu.memory_space<vmem_shared>> -> memref<20000x80xf32, #tpu.memory_space<vmem_shared>>
    tpu.enqueue_indirect_dma source(%dma_start3A_60 : memref<20000x80xf32, #tpu.memory_space<vmem_shared>>) target(%arg15 : memref<128x80xf32, #tpu.memory_space<vmem>>) offsets(%arg14 : memref<128xi32, #tpu.memory_space<vmem>>) semaphore(%arg17 : memref<!tpu.dma_semaphore, #tpu.memory_space<semaphore_mem>>)
    %dma_wait3A_61 = arith.constant 0 : i32
    %dma_wait3A_62 = arith.constant 0 : i32
    %dma_wait3A_63 = tpu.memref_slice %arg16[%dma_wait3A_61, %dma_wait3A_62] : memref<20000x80xf32, #tpu.memory_space<vmem_shared>> -> memref<20000x80xf32, #tpu.memory_space<vmem_shared>>
    tpu.wait_indirect_dma semaphore(%arg17 : memref<!tpu.dma_semaphore, #tpu.memory_space<semaphore_mem>>) src(%dma_wait3A_63 : memref<20000x80xf32, #tpu.memory_space<vmem_shared>>) dst(%arg15 : memref<128x80xf32, #tpu.memory_space<vmem>>)
    %mul3A_64 = arith.constant 16384 : i32
    %mul3A_65 = arith.muli %mul3A_64, %arg0 : i32
    %add3A_66 = arith.constant 0 : i32
    %add3A_67 = arith.addi %add3A_66, %mul3A_65 : i32
    %add3A_68 = arith.addi %add3A_67, %add3A_57 : i32
    "tpu.region"() ({
      %run_scoped3A = tpu.sem_alloc : memref<!tpu.dma_semaphore, #tpu.memory_space<semaphore_mem>>
      %dma_start3A_298 = arith.constant 0 : i32
      %dma_start3A_299 = tpu.memref_slice %arg10[%add3A_68, %dma_start3A_298] : memref<65536x80xf32, #tpu.memory_space<hbm>> -> memref<128x80xf32, #tpu.memory_space<hbm>>
      %dma_start3A_300 = arith.constant 0 : i32
      %dma_start3A_301 = tpu.memref_slice %arg10[%add3A_68, %dma_start3A_300] : memref<65536x80xf32, #tpu.memory_space<hbm>> -> memref<128x80xf32, #tpu.memory_space<hbm>>
      tpu.enqueue_dma source(%arg15 : memref<128x80xf32, #tpu.memory_space<vmem>>) target(%dma_start3A_301 : memref<128x80xf32, #tpu.memory_space<hbm>>) target_semaphore(%run_scoped3A : memref<!tpu.dma_semaphore, #tpu.memory_space<semaphore_mem>>)
      %dma_wait3A_302 = arith.constant 0 : i32
      %dma_wait3A_303 = tpu.memref_slice %arg10[%add3A_68, %dma_wait3A_302] : memref<65536x80xf32, #tpu.memory_space<hbm>> -> memref<128x80xf32, #tpu.memory_space<hbm>>
      %dma_wait3A_304 = arith.constant 0 : i32
      %dma_wait3A_305 = tpu.memref_slice %arg10[%add3A_68, %dma_wait3A_304] : memref<65536x80xf32, #tpu.memory_space<hbm>> -> memref<128x80xf32, #tpu.memory_space<hbm>>
      tpu.wait_dma2 semaphore(%run_scoped3A : memref<!tpu.dma_semaphore, #tpu.memory_space<semaphore_mem>>) src(%arg15 : memref<128x80xf32, #tpu.memory_space<vmem>>) dst(%dma_wait3A_305 : memref<128x80xf32, #tpu.memory_space<hbm>>)
      tpu.yield
    }) : () -> ()
    %barrier3A_69 = arith.constant 0 : index
    tpu.barrier barrier_id(%barrier3A_69)
    %mul3A_70 = arith.constant 200000 : i32
    %mul3A_71 = arith.muli %mul3A_70, %arg0 : i32
    %add3A_72 = arith.constant 100000 : i32
    %add3A_73 = arith.addi %add3A_72, %mul3A_71 : i32
    %mul3A_74 = arith.constant 1250 : i32
    %mul3A_75 = arith.muli %arg1, %mul3A_74 : i32
    "tpu.region"() ({
      %run_scoped3A = tpu.sem_alloc : memref<!tpu.dma_semaphore, #tpu.memory_space<semaphore_mem>>
      %dma_start3A_298 = arith.constant 0 : i32
      %dma_start3A_299 = tpu.memref_slice %arg16[%mul3A_75, %dma_start3A_298] : memref<20000x80xf32, #tpu.memory_space<vmem_shared>> -> memref<1250x80xf32, #tpu.memory_space<vmem_shared>>
      tpu.enqueue_dma source(%arg9 : memref<1250x80xf32, #tpu.memory_space<hbm>>) target(%dma_start3A_299 : memref<1250x80xf32, #tpu.memory_space<vmem_shared>>) target_semaphore(%run_scoped3A : memref<!tpu.dma_semaphore, #tpu.memory_space<semaphore_mem>>)
      %dma_wait3A_300 = arith.constant 0 : i32
      %dma_wait3A_301 = tpu.memref_slice %arg16[%mul3A_75, %dma_wait3A_300] : memref<20000x80xf32, #tpu.memory_space<vmem_shared>> -> memref<1250x80xf32, #tpu.memory_space<vmem_shared>>
      tpu.wait_dma2 semaphore(%run_scoped3A : memref<!tpu.dma_semaphore, #tpu.memory_space<semaphore_mem>>) src(%arg9 : memref<1250x80xf32, #tpu.memory_space<hbm>>) dst(%dma_wait3A_301 : memref<1250x80xf32, #tpu.memory_space<vmem_shared>>)
      tpu.yield
    }) : () -> ()
    %barrier3A_76 = arith.constant 0 : index
    tpu.barrier barrier_id(%barrier3A_76)
    %scan3A_77 = arith.constant 0 : i32
    %scan3A_78 = arith.constant 0 : i32
    %scan3A_79 = arith.constant 125 : i32
    %scan3A_80 = arith.addi %scan3A_78, %scan3A_79 : i32
    %scan3A_81 = arith.constant 1 : i32
    %scan3A_82 = scf.for %scan3A_298 = %scan3A_78 to %scan3A_80 step %scan3A_81 iter_args(%scan3A_299 = %scan3A_77) -> (i32)  : i32 {
      %mul3A_300 = arith.constant 10000 : i32
      %mul3A_301 = arith.muli %arg1, %mul3A_300 : i32
      %mul3A_302 = arith.constant 80 : i32
      %mul3A_303 = arith.muli %scan3A_298, %mul3A_302 : i32
      %add3A_304 = arith.addi %mul3A_301, %mul3A_303 : i32
      "tpu.region"() ({
        %run_scoped3A = tpu.sem_alloc : memref<!tpu.dma_semaphore, #tpu.memory_space<semaphore_mem>>
        %dma_start3A_355 = tpu.memref_slice %arg3[%add3A_304] : memref<160000xi32, #tpu.memory_space<hbm>> -> memref<80xi32, #tpu.memory_space<hbm>>
        %dma_start3A_356 = tpu.memref_slice %arg3[%add3A_304] : memref<160000xi32, #tpu.memory_space<hbm>> -> memref<80xi32, #tpu.memory_space<hbm>>
        tpu.enqueue_dma source(%dma_start3A_356 : memref<80xi32, #tpu.memory_space<hbm>>) target(%arg11 : memref<80xi32, #tpu.memory_space<vmem>>) target_semaphore(%run_scoped3A : memref<!tpu.dma_semaphore, #tpu.memory_space<semaphore_mem>>)
        %dma_wait3A_357 = tpu.memref_slice %arg3[%add3A_304] : memref<160000xi32, #tpu.memory_space<hbm>> -> memref<80xi32, #tpu.memory_space<hbm>>
        %dma_wait3A_358 = tpu.memref_slice %arg3[%add3A_304] : memref<160000xi32, #tpu.memory_space<hbm>> -> memref<80xi32, #tpu.memory_space<hbm>>
        tpu.wait_dma2 semaphore(%run_scoped3A : memref<!tpu.dma_semaphore, #tpu.memory_space<semaphore_mem>>) src(%dma_wait3A_358 : memref<80xi32, #tpu.memory_space<hbm>>) dst(%arg11 : memref<80xi32, #tpu.memory_space<vmem>>)
        tpu.yield
      }) : () -> ()
      "tpu.region"() ({
        %run_scoped3A = tpu.sem_alloc : memref<!tpu.dma_semaphore, #tpu.memory_space<semaphore_mem>>
        %dma_start3A_355 = tpu.memref_slice %arg4[%add3A_304] : memref<160000xi32, #tpu.memory_space<hbm>> -> memref<80xi32, #tpu.memory_space<hbm>>
        %dma_start3A_356 = tpu.memref_slice %arg4[%add3A_304] : memref<160000xi32, #tpu.memory_space<hbm>> -> memref<80xi32, #tpu.memory_space<hbm>>
        tpu.enqueue_dma source(%dma_start3A_356 : memref<80xi32, #tpu.memory_space<hbm>>) target(%arg12 : memref<80xi32, #tpu.memory_space<vmem>>) target_semaphore(%run_scoped3A : memref<!tpu.dma_semaphore, #tpu.memory_space<semaphore_mem>>)
        %dma_wait3A_357 = tpu.memref_slice %arg4[%add3A_304] : memref<160000xi32, #tpu.memory_space<hbm>> -> memref<80xi32, #tpu.memory_space<hbm>>
        %dma_wait3A_358 = tpu.memref_slice %arg4[%add3A_304] : memref<160000xi32, #tpu.memory_space<hbm>> -> memref<80xi32, #tpu.memory_space<hbm>>
        tpu.wait_dma2 semaphore(%run_scoped3A : memref<!tpu.dma_semaphore, #tpu.memory_space<semaphore_mem>>) src(%dma_wait3A_358 : memref<80xi32, #tpu.memory_space<hbm>>) dst(%arg12 : memref<80xi32, #tpu.memory_space<vmem>>)
        tpu.yield
      }) : () -> ()
      %get3A = arith.constant 0 : index
      %get3A_305 = tpu.vector_load %arg11[%get3A] {strides = array<i32>} : memref<80xi32, #tpu.memory_space<vmem>>, vector<16xi32>,
      %get3A_306 = vector.shape_cast %get3A_305 : vector<16xi32> to vector<16xi32>
      %add3A_307 = vector.broadcast %add3A_73 : i32 to vector<16xi32>
      %add3A_308 = arith.addi %get3A_306, %add3A_307 : vector<16xi32>
      %swap3A = arith.constant 0 : index
      %swap3A_309 = tpu.vector_load %arg11[%swap3A] {strides = array<i32>} : memref<80xi32, #tpu.memory_space<vmem>>, vector<16xi32>,
      %swap3A_310 = vector.shape_cast %swap3A_309 : vector<16xi32> to vector<16xi32>
      %swap3A_311 = vector.shape_cast %add3A_308 : vector<16xi32> to vector<16xi32>
      tpu.vector_store %arg11[%swap3A], %swap3A_311 {strides = array<i32>} : memref<80xi32, #tpu.memory_space<vmem>>, vector<16xi32>,
      %get3A_312 = arith.constant 16 : index
      %get3A_313 = tpu.vector_load %arg11[%get3A_312] {strides = array<i32>} : memref<80xi32, #tpu.memory_space<vmem>>, vector<16xi32>,
      %get3A_314 = vector.shape_cast %get3A_313 : vector<16xi32> to vector<16xi32>
      %add3A_315 = vector.broadcast %add3A_73 : i32 to vector<16xi32>
      %add3A_316 = arith.addi %get3A_314, %add3A_315 : vector<16xi32>
      %swap3A_317 = arith.constant 16 : index
      %swap3A_318 = tpu.vector_load %arg11[%swap3A_317] {strides = array<i32>} : memref<80xi32, #tpu.memory_space<vmem>>, vector<16xi32>,
      %swap3A_319 = vector.shape_cast %swap3A_318 : vector<16xi32> to vector<16xi32>
      %swap3A_320 = vector.shape_cast %add3A_316 : vector<16xi32> to vector<16xi32>
      tpu.vector_store %arg11[%swap3A_317], %swap3A_320 {strides = array<i32>} : memref<80xi32, #tpu.memory_space<vmem>>, vector<16xi32>,
      %get3A_321 = arith.constant 32 : index
      %get3A_322 = tpu.vector_load %arg11[%get3A_321] {strides = array<i32>} : memref<80xi32, #tpu.memory_space<vmem>>, vector<16xi32>,
      %get3A_323 = vector.shape_cast %get3A_322 : vector<16xi32> to vector<16xi32>
      %add3A_324 = vector.broadcast %add3A_73 : i32 to vector<16xi32>
      %add3A_325 = arith.addi %get3A_323, %add3A_324 : vector<16xi32>
      %swap3A_326 = arith.constant 32 : index
      %swap3A_327 = tpu.vector_load %arg11[%swap3A_326] {strides = array<i32>} : memref<80xi32, #tpu.memory_space<vmem>>, vector<16xi32>,
      %swap3A_328 = vector.shape_cast %swap3A_327 : vector<16xi32> to vector<16xi32>
      %swap3A_329 = vector.shape_cast %add3A_325 : vector<16xi32> to vector<16xi32>
      tpu.vector_store %arg11[%swap3A_326], %swap3A_329 {strides = array<i32>} : memref<80xi32, #tpu.memory_space<vmem>>, vector<16xi32>,
      %get3A_330 = arith.constant 48 : index
      %get3A_331 = tpu.vector_load %arg11[%get3A_330] {strides = array<i32>} : memref<80xi32, #tpu.memory_space<vmem>>, vector<16xi32>,
      %get3A_332 = vector.shape_cast %get3A_331 : vector<16xi32> to vector<16xi32>
      %add3A_333 = vector.broadcast %add3A_73 : i32 to vector<16xi32>
      %add3A_334 = arith.addi %get3A_332, %add3A_333 : vector<16xi32>
      %swap3A_335 = arith.constant 48 : index
      %swap3A_336 = tpu.vector_load %arg11[%swap3A_335] {strides = array<i32>} : memref<80xi32, #tpu.memory_space<vmem>>, vector<16xi32>,
      %swap3A_337 = vector.shape_cast %swap3A_336 : vector<16xi32> to vector<16xi32>
      %swap3A_338 = vector.shape_cast %add3A_334 : vector<16xi32> to vector<16xi32>
      tpu.vector_store %arg11[%swap3A_335], %swap3A_338 {strides = array<i32>} : memref<80xi32, #tpu.memory_space<vmem>>, vector<16xi32>,
      %get3A_339 = arith.constant 64 : index
      %get3A_340 = tpu.vector_load %arg11[%get3A_339] {strides = array<i32>} : memref<80xi32, #tpu.memory_space<vmem>>, vector<16xi32>,
      %get3A_341 = vector.shape_cast %get3A_340 : vector<16xi32> to vector<16xi32>
      %add3A_342 = vector.broadcast %add3A_73 : i32 to vector<16xi32>
      %add3A_343 = arith.addi %get3A_341, %add3A_342 : vector<16xi32>
      %swap3A_344 = arith.constant 64 : index
      %swap3A_345 = tpu.vector_load %arg11[%swap3A_344] {strides = array<i32>} : memref<80xi32, #tpu.memory_space<vmem>>, vector<16xi32>,
      %swap3A_346 = vector.shape_cast %swap3A_345 : vector<16xi32> to vector<16xi32>
      %swap3A_347 = vector.shape_cast %add3A_343 : vector<16xi32> to vector<16xi32>
      tpu.vector_store %arg11[%swap3A_344], %swap3A_347 {strides = array<i32>} : memref<80xi32, #tpu.memory_space<vmem>>, vector<16xi32>,
      %dma_start3A_348 = arith.constant 0 : i32
      %dma_start3A_349 = arith.constant 0 : i32
      %dma_start3A_350 = tpu.memref_slice %arg2[%dma_start3A_348, %dma_start3A_349] : memref<800000x80xf32, #tpu.memory_space<hbm>> -> memref<800000x80xf32, #tpu.memory_space<hbm>>
      tpu.enqueue_indirect_dma source(%dma_start3A_350 : memref<800000x80xf32, #tpu.memory_space<hbm>>) target(%arg13 : memref<80x80xf32, #tpu.memory_space<vmem>>) offsets(%arg11 : memref<80xi32, #tpu.memory_space<vmem>>) semaphore(%arg17 : memref<!tpu.dma_semaphore, #tpu.memory_space<semaphore_mem>>)
      %dma_wait3A_351 = arith.constant 0 : i32
      %dma_wait3A_352 = arith.constant 0 : i32
      %dma_wait3A_353 = tpu.memref_slice %arg2[%dma_wait3A_351, %dma_wait3A_352] : memref<800000x80xf32, #tpu.memory_space<hbm>> -> memref<800000x80xf32, #tpu.memory_space<hbm>>
      tpu.wait_indirect_dma semaphore(%arg17 : memref<!tpu.dma_semaphore, #tpu.memory_space<semaphore_mem>>) src(%dma_wait3A_353 : memref<800000x80xf32, #tpu.memory_space<hbm>>) dst(%arg13 : memref<80x80xf32, #tpu.memory_space<vmem>>)
      "tpu.region"() ({
        %run_scoped3A = tpu.sem_alloc : memref<!tpu.dma_semaphore, #tpu.memory_space<semaphore_mem>>
        %dma_start3A_355 = arith.constant 0 : i32
        %dma_start3A_356 = arith.constant 0 : i32
        %dma_start3A_357 = tpu.memref_slice %arg16[%dma_start3A_355, %dma_start3A_356] : memref<20000x80xf32, #tpu.memory_space<vmem_shared>> -> memref<20000x80xf32, #tpu.memory_space<vmem_shared>>
        tpu.enqueue_indirect_dma source(%arg13 : memref<80x80xf32, #tpu.memory_space<vmem>>) target(%dma_start3A_357 : memref<20000x80xf32, #tpu.memory_space<vmem_shared>>) offsets(%arg12 : memref<80xi32, #tpu.memory_space<vmem>>) semaphore(%run_scoped3A : memref<!tpu.dma_semaphore, #tpu.memory_space<semaphore_mem>>) {add = true}
        %dma_wait3A_358 = arith.constant 0 : i32
        %dma_wait3A_359 = arith.constant 0 : i32
        %dma_wait3A_360 = tpu.memref_slice %arg16[%dma_wait3A_358, %dma_wait3A_359] : memref<20000x80xf32, #tpu.memory_space<vmem_shared>> -> memref<20000x80xf32, #tpu.memory_space<vmem_shared>>
        tpu.wait_indirect_dma semaphore(%run_scoped3A : memref<!tpu.dma_semaphore, #tpu.memory_space<semaphore_mem>>) src(%arg13 : memref<80x80xf32, #tpu.memory_space<vmem>>) dst(%dma_wait3A_360 : memref<20000x80xf32, #tpu.memory_space<vmem_shared>>)
        tpu.yield
      }) : () -> ()
      %scan3A_354 = arith.constant 0 : i32
      scf.yield %scan3A_354 : i32
    }
    %scan3A_83 = arith.constant 125 : i32
    %barrier3A_84 = arith.constant 0 : index
    tpu.barrier barrier_id(%barrier3A_84)
    %mul3A_85 = arith.constant 512 : i32
    %mul3A_86 = arith.muli %arg1, %mul3A_85 : i32
    %add3A_87 = arith.constant 0 : i32
    %add3A_88 = arith.addi %mul3A_86, %add3A_87 : i32
    "tpu.region"() ({
      %run_scoped3A = tpu.sem_alloc : memref<!tpu.dma_semaphore, #tpu.memory_space<semaphore_mem>>
      %dma_start3A_298 = tpu.memref_slice %arg5[%add3A_88] : memref<8192xi32, #tpu.memory_space<hbm>> -> memref<128xi32, #tpu.memory_space<hbm>>
      %dma_start3A_299 = tpu.memref_slice %arg5[%add3A_88] : memref<8192xi32, #tpu.memory_space<hbm>> -> memref<128xi32, #tpu.memory_space<hbm>>
      tpu.enqueue_dma source(%dma_start3A_299 : memref<128xi32, #tpu.memory_space<hbm>>) target(%arg14 : memref<128xi32, #tpu.memory_space<vmem>>) target_semaphore(%run_scoped3A : memref<!tpu.dma_semaphore, #tpu.memory_space<semaphore_mem>>)
      %dma_wait3A_300 = tpu.memref_slice %arg5[%add3A_88] : memref<8192xi32, #tpu.memory_space<hbm>> -> memref<128xi32, #tpu.memory_space<hbm>>
      %dma_wait3A_301 = tpu.memref_slice %arg5[%add3A_88] : memref<8192xi32, #tpu.memory_space<hbm>> -> memref<128xi32, #tpu.memory_space<hbm>>
      tpu.wait_dma2 semaphore(%run_scoped3A : memref<!tpu.dma_semaphore, #tpu.memory_space<semaphore_mem>>) src(%dma_wait3A_301 : memref<128xi32, #tpu.memory_space<hbm>>) dst(%arg14 : memref<128xi32, #tpu.memory_space<vmem>>)
      tpu.yield
    }) : () -> ()
    %dma_start3A_89 = arith.constant 0 : i32
    %dma_start3A_90 = arith.constant 0 : i32
    %dma_start3A_91 = tpu.memref_slice %arg16[%dma_start3A_89, %dma_start3A_90] : memref<20000x80xf32, #tpu.memory_space<vmem_shared>> -> memref<20000x80xf32, #tpu.memory_space<vmem_shared>>
    tpu.enqueue_indirect_dma source(%dma_start3A_91 : memref<20000x80xf32, #tpu.memory_space<vmem_shared>>) target(%arg15 : memref<128x80xf32, #tpu.memory_space<vmem>>) offsets(%arg14 : memref<128xi32, #tpu.memory_space<vmem>>) semaphore(%arg17 : memref<!tpu.dma_semaphore, #tpu.memory_space<semaphore_mem>>)
    %dma_wait3A_92 = arith.constant 0 : i32
    %dma_wait3A_93 = arith.constant 0 : i32
    %dma_wait3A_94 = tpu.memref_slice %arg16[%dma_wait3A_92, %dma_wait3A_93] : memref<20000x80xf32, #tpu.memory_space<vmem_shared>> -> memref<20000x80xf32, #tpu.memory_space<vmem_shared>>
    tpu.wait_indirect_dma semaphore(%arg17 : memref<!tpu.dma_semaphore, #tpu.memory_space<semaphore_mem>>) src(%dma_wait3A_94 : memref<20000x80xf32, #tpu.memory_space<vmem_shared>>) dst(%arg15 : memref<128x80xf32, #tpu.memory_space<vmem>>)
    %mul3A_95 = arith.constant 16384 : i32
    %mul3A_96 = arith.muli %mul3A_95, %arg0 : i32
    %add3A_97 = arith.constant 8192 : i32
    %add3A_98 = arith.addi %add3A_97, %mul3A_96 : i32
    %add3A_99 = arith.addi %add3A_98, %add3A_88 : i32
    "tpu.region"() ({
      %run_scoped3A = tpu.sem_alloc : memref<!tpu.dma_semaphore, #tpu.memory_space<semaphore_mem>>
      %dma_start3A_298 = arith.constant 0 : i32
      %dma_start3A_299 = tpu.memref_slice %arg10[%add3A_99, %dma_start3A_298] : memref<65536x80xf32, #tpu.memory_space<hbm>> -> memref<128x80xf32, #tpu.memory_space<hbm>>
      %dma_start3A_300 = arith.constant 0 : i32
      %dma_start3A_301 = tpu.memref_slice %arg10[%add3A_99, %dma_start3A_300] : memref<65536x80xf32, #tpu.memory_space<hbm>> -> memref<128x80xf32, #tpu.memory_space<hbm>>
      tpu.enqueue_dma source(%arg15 : memref<128x80xf32, #tpu.memory_space<vmem>>) target(%dma_start3A_301 : memref<128x80xf32, #tpu.memory_space<hbm>>) target_semaphore(%run_scoped3A : memref<!tpu.dma_semaphore, #tpu.memory_space<semaphore_mem>>)
      %dma_wait3A_302 = arith.constant 0 : i32
      %dma_wait3A_303 = tpu.memref_slice %arg10[%add3A_99, %dma_wait3A_302] : memref<65536x80xf32, #tpu.memory_space<hbm>> -> memref<128x80xf32, #tpu.memory_space<hbm>>
      %dma_wait3A_304 = arith.constant 0 : i32
      %dma_wait3A_305 = tpu.memref_slice %arg10[%add3A_99, %dma_wait3A_304] : memref<65536x80xf32, #tpu.memory_space<hbm>> -> memref<128x80xf32, #tpu.memory_space<hbm>>
      tpu.wait_dma2 semaphore(%run_scoped3A : memref<!tpu.dma_semaphore, #tpu.memory_space<semaphore_mem>>) src(%arg15 : memref<128x80xf32, #tpu.memory_space<vmem>>) dst(%dma_wait3A_305 : memref<128x80xf32, #tpu.memory_space<hbm>>)
      tpu.yield
    }) : () -> ()
    %mul3A_100 = arith.constant 512 : i32
    %mul3A_101 = arith.muli %arg1, %mul3A_100 : i32
    %add3A_102 = arith.constant 128 : i32
    %add3A_103 = arith.addi %mul3A_101, %add3A_102 : i32
    "tpu.region"() ({
      %run_scoped3A = tpu.sem_alloc : memref<!tpu.dma_semaphore, #tpu.memory_space<semaphore_mem>>
      %dma_start3A_298 = tpu.memref_slice %arg5[%add3A_103] : memref<8192xi32, #tpu.memory_space<hbm>> -> memref<128xi32, #tpu.memory_space<hbm>>
      %dma_start3A_299 = tpu.memref_slice %arg5[%add3A_103] : memref<8192xi32, #tpu.memory_space<hbm>> -> memref<128xi32, #tpu.memory_space<hbm>>
      tpu.enqueue_dma source(%dma_start3A_299 : memref<128xi32, #tpu.memory_space<hbm>>) target(%arg14 : memref<128xi32, #tpu.memory_space<vmem>>) target_semaphore(%run_scoped3A : memref<!tpu.dma_semaphore, #tpu.memory_space<semaphore_mem>>)
      %dma_wait3A_300 = tpu.memref_slice %arg5[%add3A_103] : memref<8192xi32, #tpu.memory_space<hbm>> -> memref<128xi32, #tpu.memory_space<hbm>>
      %dma_wait3A_301 = tpu.memref_slice %arg5[%add3A_103] : memref<8192xi32, #tpu.memory_space<hbm>> -> memref<128xi32, #tpu.memory_space<hbm>>
      tpu.wait_dma2 semaphore(%run_scoped3A : memref<!tpu.dma_semaphore, #tpu.memory_space<semaphore_mem>>) src(%dma_wait3A_301 : memref<128xi32, #tpu.memory_space<hbm>>) dst(%arg14 : memref<128xi32, #tpu.memory_space<vmem>>)
      tpu.yield
    }) : () -> ()
    %dma_start3A_104 = arith.constant 0 : i32
    %dma_start3A_105 = arith.constant 0 : i32
    %dma_start3A_106 = tpu.memref_slice %arg16[%dma_start3A_104, %dma_start3A_105] : memref<20000x80xf32, #tpu.memory_space<vmem_shared>> -> memref<20000x80xf32, #tpu.memory_space<vmem_shared>>
    tpu.enqueue_indirect_dma source(%dma_start3A_106 : memref<20000x80xf32, #tpu.memory_space<vmem_shared>>) target(%arg15 : memref<128x80xf32, #tpu.memory_space<vmem>>) offsets(%arg14 : memref<128xi32, #tpu.memory_space<vmem>>) semaphore(%arg17 : memref<!tpu.dma_semaphore, #tpu.memory_space<semaphore_mem>>)
    %dma_wait3A_107 = arith.constant 0 : i32
    %dma_wait3A_108 = arith.constant 0 : i32
    %dma_wait3A_109 = tpu.memref_slice %arg16[%dma_wait3A_107, %dma_wait3A_108] : memref<20000x80xf32, #tpu.memory_space<vmem_shared>> -> memref<20000x80xf32, #tpu.memory_space<vmem_shared>>
    tpu.wait_indirect_dma semaphore(%arg17 : memref<!tpu.dma_semaphore, #tpu.memory_space<semaphore_mem>>) src(%dma_wait3A_109 : memref<20000x80xf32, #tpu.memory_space<vmem_shared>>) dst(%arg15 : memref<128x80xf32, #tpu.memory_space<vmem>>)
    %mul3A_110 = arith.constant 16384 : i32
    %mul3A_111 = arith.muli %mul3A_110, %arg0 : i32
    %add3A_112 = arith.constant 8192 : i32
    %add3A_113 = arith.addi %add3A_112, %mul3A_111 : i32
    %add3A_114 = arith.addi %add3A_113, %add3A_103 : i32
    "tpu.region"() ({
      %run_scoped3A = tpu.sem_alloc : memref<!tpu.dma_semaphore, #tpu.memory_space<semaphore_mem>>
      %dma_start3A_298 = arith.constant 0 : i32
      %dma_start3A_299 = tpu.memref_slice %arg10[%add3A_114, %dma_start3A_298] : memref<65536x80xf32, #tpu.memory_space<hbm>> -> memref<128x80xf32, #tpu.memory_space<hbm>>
      %dma_start3A_300 = arith.constant 0 : i32
      %dma_start3A_301 = tpu.memref_slice %arg10[%add3A_114, %dma_start3A_300] : memref<65536x80xf32, #tpu.memory_space<hbm>> -> memref<128x80xf32, #tpu.memory_space<hbm>>
      tpu.enqueue_dma source(%arg15 : memref<128x80xf32, #tpu.memory_space<vmem>>) target(%dma_start3A_301 : memref<128x80xf32, #tpu.memory_space<hbm>>) target_semaphore(%run_scoped3A : memref<!tpu.dma_semaphore, #tpu.memory_space<semaphore_mem>>)
      %dma_wait3A_302 = arith.constant 0 : i32
      %dma_wait3A_303 = tpu.memref_slice %arg10[%add3A_114, %dma_wait3A_302] : memref<65536x80xf32, #tpu.memory_space<hbm>> -> memref<128x80xf32, #tpu.memory_space<hbm>>
      %dma_wait3A_304 = arith.constant 0 : i32
      %dma_wait3A_305 = tpu.memref_slice %arg10[%add3A_114, %dma_wait3A_304] : memref<65536x80xf32, #tpu.memory_space<hbm>> -> memref<128x80xf32, #tpu.memory_space<hbm>>
      tpu.wait_dma2 semaphore(%run_scoped3A : memref<!tpu.dma_semaphore, #tpu.memory_space<semaphore_mem>>) src(%arg15 : memref<128x80xf32, #tpu.memory_space<vmem>>) dst(%dma_wait3A_305 : memref<128x80xf32, #tpu.memory_space<hbm>>)
      tpu.yield
    }) : () -> ()
    %mul3A_115 = arith.constant 512 : i32
    %mul3A_116 = arith.muli %arg1, %mul3A_115 : i32
    %add3A_117 = arith.constant 256 : i32
    %add3A_118 = arith.addi %mul3A_116, %add3A_117 : i32
    "tpu.region"() ({
      %run_scoped3A = tpu.sem_alloc : memref<!tpu.dma_semaphore, #tpu.memory_space<semaphore_mem>>
      %dma_start3A_298 = tpu.memref_slice %arg5[%add3A_118] : memref<8192xi32, #tpu.memory_space<hbm>> -> memref<128xi32, #tpu.memory_space<hbm>>
      %dma_start3A_299 = tpu.memref_slice %arg5[%add3A_118] : memref<8192xi32, #tpu.memory_space<hbm>> -> memref<128xi32, #tpu.memory_space<hbm>>
      tpu.enqueue_dma source(%dma_start3A_299 : memref<128xi32, #tpu.memory_space<hbm>>) target(%arg14 : memref<128xi32, #tpu.memory_space<vmem>>) target_semaphore(%run_scoped3A : memref<!tpu.dma_semaphore, #tpu.memory_space<semaphore_mem>>)
      %dma_wait3A_300 = tpu.memref_slice %arg5[%add3A_118] : memref<8192xi32, #tpu.memory_space<hbm>> -> memref<128xi32, #tpu.memory_space<hbm>>
      %dma_wait3A_301 = tpu.memref_slice %arg5[%add3A_118] : memref<8192xi32, #tpu.memory_space<hbm>> -> memref<128xi32, #tpu.memory_space<hbm>>
      tpu.wait_dma2 semaphore(%run_scoped3A : memref<!tpu.dma_semaphore, #tpu.memory_space<semaphore_mem>>) src(%dma_wait3A_301 : memref<128xi32, #tpu.memory_space<hbm>>) dst(%arg14 : memref<128xi32, #tpu.memory_space<vmem>>)
      tpu.yield
    }) : () -> ()
    %dma_start3A_119 = arith.constant 0 : i32
    %dma_start3A_120 = arith.constant 0 : i32
    %dma_start3A_121 = tpu.memref_slice %arg16[%dma_start3A_119, %dma_start3A_120] : memref<20000x80xf32, #tpu.memory_space<vmem_shared>> -> memref<20000x80xf32, #tpu.memory_space<vmem_shared>>
    tpu.enqueue_indirect_dma source(%dma_start3A_121 : memref<20000x80xf32, #tpu.memory_space<vmem_shared>>) target(%arg15 : memref<128x80xf32, #tpu.memory_space<vmem>>) offsets(%arg14 : memref<128xi32, #tpu.memory_space<vmem>>) semaphore(%arg17 : memref<!tpu.dma_semaphore, #tpu.memory_space<semaphore_mem>>)
    %dma_wait3A_122 = arith.constant 0 : i32
    %dma_wait3A_123 = arith.constant 0 : i32
    %dma_wait3A_124 = tpu.memref_slice %arg16[%dma_wait3A_122, %dma_wait3A_123] : memref<20000x80xf32, #tpu.memory_space<vmem_shared>> -> memref<20000x80xf32, #tpu.memory_space<vmem_shared>>
    tpu.wait_indirect_dma semaphore(%arg17 : memref<!tpu.dma_semaphore, #tpu.memory_space<semaphore_mem>>) src(%dma_wait3A_124 : memref<20000x80xf32, #tpu.memory_space<vmem_shared>>) dst(%arg15 : memref<128x80xf32, #tpu.memory_space<vmem>>)
    %mul3A_125 = arith.constant 16384 : i32
    %mul3A_126 = arith.muli %mul3A_125, %arg0 : i32
    %add3A_127 = arith.constant 8192 : i32
    %add3A_128 = arith.addi %add3A_127, %mul3A_126 : i32
    %add3A_129 = arith.addi %add3A_128, %add3A_118 : i32
    "tpu.region"() ({
      %run_scoped3A = tpu.sem_alloc : memref<!tpu.dma_semaphore, #tpu.memory_space<semaphore_mem>>
      %dma_start3A_298 = arith.constant 0 : i32
      %dma_start3A_299 = tpu.memref_slice %arg10[%add3A_129, %dma_start3A_298] : memref<65536x80xf32, #tpu.memory_space<hbm>> -> memref<128x80xf32, #tpu.memory_space<hbm>>
      %dma_start3A_300 = arith.constant 0 : i32
      %dma_start3A_301 = tpu.memref_slice %arg10[%add3A_129, %dma_start3A_300] : memref<65536x80xf32, #tpu.memory_space<hbm>> -> memref<128x80xf32, #tpu.memory_space<hbm>>
      tpu.enqueue_dma source(%arg15 : memref<128x80xf32, #tpu.memory_space<vmem>>) target(%dma_start3A_301 : memref<128x80xf32, #tpu.memory_space<hbm>>) target_semaphore(%run_scoped3A : memref<!tpu.dma_semaphore, #tpu.memory_space<semaphore_mem>>)
      %dma_wait3A_302 = arith.constant 0 : i32
      %dma_wait3A_303 = tpu.memref_slice %arg10[%add3A_129, %dma_wait3A_302] : memref<65536x80xf32, #tpu.memory_space<hbm>> -> memref<128x80xf32, #tpu.memory_space<hbm>>
      %dma_wait3A_304 = arith.constant 0 : i32
      %dma_wait3A_305 = tpu.memref_slice %arg10[%add3A_129, %dma_wait3A_304] : memref<65536x80xf32, #tpu.memory_space<hbm>> -> memref<128x80xf32, #tpu.memory_space<hbm>>
      tpu.wait_dma2 semaphore(%run_scoped3A : memref<!tpu.dma_semaphore, #tpu.memory_space<semaphore_mem>>) src(%arg15 : memref<128x80xf32, #tpu.memory_space<vmem>>) dst(%dma_wait3A_305 : memref<128x80xf32, #tpu.memory_space<hbm>>)
      tpu.yield
    }) : () -> ()
    %mul3A_130 = arith.constant 512 : i32
    %mul3A_131 = arith.muli %arg1, %mul3A_130 : i32
    %add3A_132 = arith.constant 384 : i32
    %add3A_133 = arith.addi %mul3A_131, %add3A_132 : i32
    "tpu.region"() ({
      %run_scoped3A = tpu.sem_alloc : memref<!tpu.dma_semaphore, #tpu.memory_space<semaphore_mem>>
      %dma_start3A_298 = tpu.memref_slice %arg5[%add3A_133] : memref<8192xi32, #tpu.memory_space<hbm>> -> memref<128xi32, #tpu.memory_space<hbm>>
      %dma_start3A_299 = tpu.memref_slice %arg5[%add3A_133] : memref<8192xi32, #tpu.memory_space<hbm>> -> memref<128xi32, #tpu.memory_space<hbm>>
      tpu.enqueue_dma source(%dma_start3A_299 : memref<128xi32, #tpu.memory_space<hbm>>) target(%arg14 : memref<128xi32, #tpu.memory_space<vmem>>) target_semaphore(%run_scoped3A : memref<!tpu.dma_semaphore, #tpu.memory_space<semaphore_mem>>)
      %dma_wait3A_300 = tpu.memref_slice %arg5[%add3A_133] : memref<8192xi32, #tpu.memory_space<hbm>> -> memref<128xi32, #tpu.memory_space<hbm>>
      %dma_wait3A_301 = tpu.memref_slice %arg5[%add3A_133] : memref<8192xi32, #tpu.memory_space<hbm>> -> memref<128xi32, #tpu.memory_space<hbm>>
      tpu.wait_dma2 semaphore(%run_scoped3A : memref<!tpu.dma_semaphore, #tpu.memory_space<semaphore_mem>>) src(%dma_wait3A_301 : memref<128xi32, #tpu.memory_space<hbm>>) dst(%arg14 : memref<128xi32, #tpu.memory_space<vmem>>)
      tpu.yield
    }) : () -> ()
    %dma_start3A_134 = arith.constant 0 : i32
    %dma_start3A_135 = arith.constant 0 : i32
    %dma_start3A_136 = tpu.memref_slice %arg16[%dma_start3A_134, %dma_start3A_135] : memref<20000x80xf32, #tpu.memory_space<vmem_shared>> -> memref<20000x80xf32, #tpu.memory_space<vmem_shared>>
    tpu.enqueue_indirect_dma source(%dma_start3A_136 : memref<20000x80xf32, #tpu.memory_space<vmem_shared>>) target(%arg15 : memref<128x80xf32, #tpu.memory_space<vmem>>) offsets(%arg14 : memref<128xi32, #tpu.memory_space<vmem>>) semaphore(%arg17 : memref<!tpu.dma_semaphore, #tpu.memory_space<semaphore_mem>>)
    %dma_wait3A_137 = arith.constant 0 : i32
    %dma_wait3A_138 = arith.constant 0 : i32
    %dma_wait3A_139 = tpu.memref_slice %arg16[%dma_wait3A_137, %dma_wait3A_138] : memref<20000x80xf32, #tpu.memory_space<vmem_shared>> -> memref<20000x80xf32, #tpu.memory_space<vmem_shared>>
    tpu.wait_indirect_dma semaphore(%arg17 : memref<!tpu.dma_semaphore, #tpu.memory_space<semaphore_mem>>) src(%dma_wait3A_139 : memref<20000x80xf32, #tpu.memory_space<vmem_shared>>) dst(%arg15 : memref<128x80xf32, #tpu.memory_space<vmem>>)
    %mul3A_140 = arith.constant 16384 : i32
    %mul3A_141 = arith.muli %mul3A_140, %arg0 : i32
    %add3A_142 = arith.constant 8192 : i32
    %add3A_143 = arith.addi %add3A_142, %mul3A_141 : i32
    %add3A_144 = arith.addi %add3A_143, %add3A_133 : i32
    "tpu.region"() ({
      %run_scoped3A = tpu.sem_alloc : memref<!tpu.dma_semaphore, #tpu.memory_space<semaphore_mem>>
      %dma_start3A_298 = arith.constant 0 : i32
      %dma_start3A_299 = tpu.memref_slice %arg10[%add3A_144, %dma_start3A_298] : memref<65536x80xf32, #tpu.memory_space<hbm>> -> memref<128x80xf32, #tpu.memory_space<hbm>>
      %dma_start3A_300 = arith.constant 0 : i32
      %dma_start3A_301 = tpu.memref_slice %arg10[%add3A_144, %dma_start3A_300] : memref<65536x80xf32, #tpu.memory_space<hbm>> -> memref<128x80xf32, #tpu.memory_space<hbm>>
      tpu.enqueue_dma source(%arg15 : memref<128x80xf32, #tpu.memory_space<vmem>>) target(%dma_start3A_301 : memref<128x80xf32, #tpu.memory_space<hbm>>) target_semaphore(%run_scoped3A : memref<!tpu.dma_semaphore, #tpu.memory_space<semaphore_mem>>)
      %dma_wait3A_302 = arith.constant 0 : i32
      %dma_wait3A_303 = tpu.memref_slice %arg10[%add3A_144, %dma_wait3A_302] : memref<65536x80xf32, #tpu.memory_space<hbm>> -> memref<128x80xf32, #tpu.memory_space<hbm>>
      %dma_wait3A_304 = arith.constant 0 : i32
      %dma_wait3A_305 = tpu.memref_slice %arg10[%add3A_144, %dma_wait3A_304] : memref<65536x80xf32, #tpu.memory_space<hbm>> -> memref<128x80xf32, #tpu.memory_space<hbm>>
      tpu.wait_dma2 semaphore(%run_scoped3A : memref<!tpu.dma_semaphore, #tpu.memory_space<semaphore_mem>>) src(%arg15 : memref<128x80xf32, #tpu.memory_space<vmem>>) dst(%dma_wait3A_305 : memref<128x80xf32, #tpu.memory_space<hbm>>)
      tpu.yield
    }) : () -> ()
    %barrier3A_145 = arith.constant 0 : index
    tpu.barrier barrier_id(%barrier3A_145)
    %mul3A_146 = arith.constant 200000 : i32
    %mul3A_147 = arith.muli %mul3A_146, %arg0 : i32
    %add3A_148 = arith.constant 400000 : i32
    %add3A_149 = arith.addi %add3A_148, %mul3A_147 : i32
    %mul3A_150 = arith.constant 1250 : i32
    %mul3A_151 = arith.muli %arg1, %mul3A_150 : i32
    "tpu.region"() ({
      %run_scoped3A = tpu.sem_alloc : memref<!tpu.dma_semaphore, #tpu.memory_space<semaphore_mem>>
      %dma_start3A_298 = arith.constant 0 : i32
      %dma_start3A_299 = tpu.memref_slice %arg16[%mul3A_151, %dma_start3A_298] : memref<20000x80xf32, #tpu.memory_space<vmem_shared>> -> memref<1250x80xf32, #tpu.memory_space<vmem_shared>>
      tpu.enqueue_dma source(%arg9 : memref<1250x80xf32, #tpu.memory_space<hbm>>) target(%dma_start3A_299 : memref<1250x80xf32, #tpu.memory_space<vmem_shared>>) target_semaphore(%run_scoped3A : memref<!tpu.dma_semaphore, #tpu.memory_space<semaphore_mem>>)
      %dma_wait3A_300 = arith.constant 0 : i32
      %dma_wait3A_301 = tpu.memref_slice %arg16[%mul3A_151, %dma_wait3A_300] : memref<20000x80xf32, #tpu.memory_space<vmem_shared>> -> memref<1250x80xf32, #tpu.memory_space<vmem_shared>>
      tpu.wait_dma2 semaphore(%run_scoped3A : memref<!tpu.dma_semaphore, #tpu.memory_space<semaphore_mem>>) src(%arg9 : memref<1250x80xf32, #tpu.memory_space<hbm>>) dst(%dma_wait3A_301 : memref<1250x80xf32, #tpu.memory_space<vmem_shared>>)
      tpu.yield
    }) : () -> ()
    %barrier3A_152 = arith.constant 0 : index
    tpu.barrier barrier_id(%barrier3A_152)
    %scan3A_153 = arith.constant 0 : i32
    %scan3A_154 = arith.constant 0 : i32
    %scan3A_155 = arith.constant 125 : i32
    %scan3A_156 = arith.addi %scan3A_154, %scan3A_155 : i32
    %scan3A_157 = arith.constant 1 : i32
    %scan3A_158 = scf.for %scan3A_298 = %scan3A_154 to %scan3A_156 step %scan3A_157 iter_args(%scan3A_299 = %scan3A_153) -> (i32)  : i32 {
      %mul3A_300 = arith.constant 10000 : i32
      %mul3A_301 = arith.muli %arg1, %mul3A_300 : i32
      %mul3A_302 = arith.constant 80 : i32
      %mul3A_303 = arith.muli %scan3A_298, %mul3A_302 : i32
      %add3A_304 = arith.addi %mul3A_301, %mul3A_303 : i32
      "tpu.region"() ({
        %run_scoped3A = tpu.sem_alloc : memref<!tpu.dma_semaphore, #tpu.memory_space<semaphore_mem>>
        %dma_start3A_355 = tpu.memref_slice %arg6[%add3A_304] : memref<160000xi32, #tpu.memory_space<hbm>> -> memref<80xi32, #tpu.memory_space<hbm>>
        %dma_start3A_356 = tpu.memref_slice %arg6[%add3A_304] : memref<160000xi32, #tpu.memory_space<hbm>> -> memref<80xi32, #tpu.memory_space<hbm>>
        tpu.enqueue_dma source(%dma_start3A_356 : memref<80xi32, #tpu.memory_space<hbm>>) target(%arg11 : memref<80xi32, #tpu.memory_space<vmem>>) target_semaphore(%run_scoped3A : memref<!tpu.dma_semaphore, #tpu.memory_space<semaphore_mem>>)
        %dma_wait3A_357 = tpu.memref_slice %arg6[%add3A_304] : memref<160000xi32, #tpu.memory_space<hbm>> -> memref<80xi32, #tpu.memory_space<hbm>>
        %dma_wait3A_358 = tpu.memref_slice %arg6[%add3A_304] : memref<160000xi32, #tpu.memory_space<hbm>> -> memref<80xi32, #tpu.memory_space<hbm>>
        tpu.wait_dma2 semaphore(%run_scoped3A : memref<!tpu.dma_semaphore, #tpu.memory_space<semaphore_mem>>) src(%dma_wait3A_358 : memref<80xi32, #tpu.memory_space<hbm>>) dst(%arg11 : memref<80xi32, #tpu.memory_space<vmem>>)
        tpu.yield
      }) : () -> ()
      "tpu.region"() ({
        %run_scoped3A = tpu.sem_alloc : memref<!tpu.dma_semaphore, #tpu.memory_space<semaphore_mem>>
        %dma_start3A_355 = tpu.memref_slice %arg7[%add3A_304] : memref<160000xi32, #tpu.memory_space<hbm>> -> memref<80xi32, #tpu.memory_space<hbm>>
        %dma_start3A_356 = tpu.memref_slice %arg7[%add3A_304] : memref<160000xi32, #tpu.memory_space<hbm>> -> memref<80xi32, #tpu.memory_space<hbm>>
        tpu.enqueue_dma source(%dma_start3A_356 : memref<80xi32, #tpu.memory_space<hbm>>) target(%arg12 : memref<80xi32, #tpu.memory_space<vmem>>) target_semaphore(%run_scoped3A : memref<!tpu.dma_semaphore, #tpu.memory_space<semaphore_mem>>)
        %dma_wait3A_357 = tpu.memref_slice %arg7[%add3A_304] : memref<160000xi32, #tpu.memory_space<hbm>> -> memref<80xi32, #tpu.memory_space<hbm>>
        %dma_wait3A_358 = tpu.memref_slice %arg7[%add3A_304] : memref<160000xi32, #tpu.memory_space<hbm>> -> memref<80xi32, #tpu.memory_space<hbm>>
        tpu.wait_dma2 semaphore(%run_scoped3A : memref<!tpu.dma_semaphore, #tpu.memory_space<semaphore_mem>>) src(%dma_wait3A_358 : memref<80xi32, #tpu.memory_space<hbm>>) dst(%arg12 : memref<80xi32, #tpu.memory_space<vmem>>)
        tpu.yield
      }) : () -> ()
      %get3A = arith.constant 0 : index
      %get3A_305 = tpu.vector_load %arg11[%get3A] {strides = array<i32>} : memref<80xi32, #tpu.memory_space<vmem>>, vector<16xi32>,
      %get3A_306 = vector.shape_cast %get3A_305 : vector<16xi32> to vector<16xi32>
      %add3A_307 = vector.broadcast %add3A_149 : i32 to vector<16xi32>
      %add3A_308 = arith.addi %get3A_306, %add3A_307 : vector<16xi32>
      %swap3A = arith.constant 0 : index
      %swap3A_309 = tpu.vector_load %arg11[%swap3A] {strides = array<i32>} : memref<80xi32, #tpu.memory_space<vmem>>, vector<16xi32>,
      %swap3A_310 = vector.shape_cast %swap3A_309 : vector<16xi32> to vector<16xi32>
      %swap3A_311 = vector.shape_cast %add3A_308 : vector<16xi32> to vector<16xi32>
      tpu.vector_store %arg11[%swap3A], %swap3A_311 {strides = array<i32>} : memref<80xi32, #tpu.memory_space<vmem>>, vector<16xi32>,
      %get3A_312 = arith.constant 16 : index
      %get3A_313 = tpu.vector_load %arg11[%get3A_312] {strides = array<i32>} : memref<80xi32, #tpu.memory_space<vmem>>, vector<16xi32>,
      %get3A_314 = vector.shape_cast %get3A_313 : vector<16xi32> to vector<16xi32>
      %add3A_315 = vector.broadcast %add3A_149 : i32 to vector<16xi32>
      %add3A_316 = arith.addi %get3A_314, %add3A_315 : vector<16xi32>
      %swap3A_317 = arith.constant 16 : index
      %swap3A_318 = tpu.vector_load %arg11[%swap3A_317] {strides = array<i32>} : memref<80xi32, #tpu.memory_space<vmem>>, vector<16xi32>,
      %swap3A_319 = vector.shape_cast %swap3A_318 : vector<16xi32> to vector<16xi32>
      %swap3A_320 = vector.shape_cast %add3A_316 : vector<16xi32> to vector<16xi32>
      tpu.vector_store %arg11[%swap3A_317], %swap3A_320 {strides = array<i32>} : memref<80xi32, #tpu.memory_space<vmem>>, vector<16xi32>,
      %get3A_321 = arith.constant 32 : index
      %get3A_322 = tpu.vector_load %arg11[%get3A_321] {strides = array<i32>} : memref<80xi32, #tpu.memory_space<vmem>>, vector<16xi32>,
      %get3A_323 = vector.shape_cast %get3A_322 : vector<16xi32> to vector<16xi32>
      %add3A_324 = vector.broadcast %add3A_149 : i32 to vector<16xi32>
      %add3A_325 = arith.addi %get3A_323, %add3A_324 : vector<16xi32>
      %swap3A_326 = arith.constant 32 : index
      %swap3A_327 = tpu.vector_load %arg11[%swap3A_326] {strides = array<i32>} : memref<80xi32, #tpu.memory_space<vmem>>, vector<16xi32>,
      %swap3A_328 = vector.shape_cast %swap3A_327 : vector<16xi32> to vector<16xi32>
      %swap3A_329 = vector.shape_cast %add3A_325 : vector<16xi32> to vector<16xi32>
      tpu.vector_store %arg11[%swap3A_326], %swap3A_329 {strides = array<i32>} : memref<80xi32, #tpu.memory_space<vmem>>, vector<16xi32>,
      %get3A_330 = arith.constant 48 : index
      %get3A_331 = tpu.vector_load %arg11[%get3A_330] {strides = array<i32>} : memref<80xi32, #tpu.memory_space<vmem>>, vector<16xi32>,
      %get3A_332 = vector.shape_cast %get3A_331 : vector<16xi32> to vector<16xi32>
      %add3A_333 = vector.broadcast %add3A_149 : i32 to vector<16xi32>
      %add3A_334 = arith.addi %get3A_332, %add3A_333 : vector<16xi32>
      %swap3A_335 = arith.constant 48 : index
      %swap3A_336 = tpu.vector_load %arg11[%swap3A_335] {strides = array<i32>} : memref<80xi32, #tpu.memory_space<vmem>>, vector<16xi32>,
      %swap3A_337 = vector.shape_cast %swap3A_336 : vector<16xi32> to vector<16xi32>
      %swap3A_338 = vector.shape_cast %add3A_334 : vector<16xi32> to vector<16xi32>
      tpu.vector_store %arg11[%swap3A_335], %swap3A_338 {strides = array<i32>} : memref<80xi32, #tpu.memory_space<vmem>>, vector<16xi32>,
      %get3A_339 = arith.constant 64 : index
      %get3A_340 = tpu.vector_load %arg11[%get3A_339] {strides = array<i32>} : memref<80xi32, #tpu.memory_space<vmem>>, vector<16xi32>,
      %get3A_341 = vector.shape_cast %get3A_340 : vector<16xi32> to vector<16xi32>
      %add3A_342 = vector.broadcast %add3A_149 : i32 to vector<16xi32>
      %add3A_343 = arith.addi %get3A_341, %add3A_342 : vector<16xi32>
      %swap3A_344 = arith.constant 64 : index
      %swap3A_345 = tpu.vector_load %arg11[%swap3A_344] {strides = array<i32>} : memref<80xi32, #tpu.memory_space<vmem>>, vector<16xi32>,
      %swap3A_346 = vector.shape_cast %swap3A_345 : vector<16xi32> to vector<16xi32>
      %swap3A_347 = vector.shape_cast %add3A_343 : vector<16xi32> to vector<16xi32>
      tpu.vector_store %arg11[%swap3A_344], %swap3A_347 {strides = array<i32>} : memref<80xi32, #tpu.memory_space<vmem>>, vector<16xi32>,
      %dma_start3A_348 = arith.constant 0 : i32
      %dma_start3A_349 = arith.constant 0 : i32
      %dma_start3A_350 = tpu.memref_slice %arg2[%dma_start3A_348, %dma_start3A_349] : memref<800000x80xf32, #tpu.memory_space<hbm>> -> memref<800000x80xf32, #tpu.memory_space<hbm>>
      tpu.enqueue_indirect_dma source(%dma_start3A_350 : memref<800000x80xf32, #tpu.memory_space<hbm>>) target(%arg13 : memref<80x80xf32, #tpu.memory_space<vmem>>) offsets(%arg11 : memref<80xi32, #tpu.memory_space<vmem>>) semaphore(%arg17 : memref<!tpu.dma_semaphore, #tpu.memory_space<semaphore_mem>>)
      %dma_wait3A_351 = arith.constant 0 : i32
      %dma_wait3A_352 = arith.constant 0 : i32
      %dma_wait3A_353 = tpu.memref_slice %arg2[%dma_wait3A_351, %dma_wait3A_352] : memref<800000x80xf32, #tpu.memory_space<hbm>> -> memref<800000x80xf32, #tpu.memory_space<hbm>>
      tpu.wait_indirect_dma semaphore(%arg17 : memref<!tpu.dma_semaphore, #tpu.memory_space<semaphore_mem>>) src(%dma_wait3A_353 : memref<800000x80xf32, #tpu.memory_space<hbm>>) dst(%arg13 : memref<80x80xf32, #tpu.memory_space<vmem>>)
      "tpu.region"() ({
        %run_scoped3A = tpu.sem_alloc : memref<!tpu.dma_semaphore, #tpu.memory_space<semaphore_mem>>
        %dma_start3A_355 = arith.constant 0 : i32
        %dma_start3A_356 = arith.constant 0 : i32
        %dma_start3A_357 = tpu.memref_slice %arg16[%dma_start3A_355, %dma_start3A_356] : memref<20000x80xf32, #tpu.memory_space<vmem_shared>> -> memref<20000x80xf32, #tpu.memory_space<vmem_shared>>
        tpu.enqueue_indirect_dma source(%arg13 : memref<80x80xf32, #tpu.memory_space<vmem>>) target(%dma_start3A_357 : memref<20000x80xf32, #tpu.memory_space<vmem_shared>>) offsets(%arg12 : memref<80xi32, #tpu.memory_space<vmem>>) semaphore(%run_scoped3A : memref<!tpu.dma_semaphore, #tpu.memory_space<semaphore_mem>>) {add = true}
        %dma_wait3A_358 = arith.constant 0 : i32
        %dma_wait3A_359 = arith.constant 0 : i32
        %dma_wait3A_360 = tpu.memref_slice %arg16[%dma_wait3A_358, %dma_wait3A_359] : memref<20000x80xf32, #tpu.memory_space<vmem_shared>> -> memref<20000x80xf32, #tpu.memory_space<vmem_shared>>
        tpu.wait_indirect_dma semaphore(%run_scoped3A : memref<!tpu.dma_semaphore, #tpu.memory_space<semaphore_mem>>) src(%arg13 : memref<80x80xf32, #tpu.memory_space<vmem>>) dst(%dma_wait3A_360 : memref<20000x80xf32, #tpu.memory_space<vmem_shared>>)
        tpu.yield
      }) : () -> ()
      %scan3A_354 = arith.constant 0 : i32
      scf.yield %scan3A_354 : i32
    }
    %scan3A_159 = arith.constant 125 : i32
    %barrier3A_160 = arith.constant 0 : index
    tpu.barrier barrier_id(%barrier3A_160)
    %mul3A_161 = arith.constant 512 : i32
    %mul3A_162 = arith.muli %arg1, %mul3A_161 : i32
    %add3A_163 = arith.constant 0 : i32
    %add3A_164 = arith.addi %mul3A_162, %add3A_163 : i32
    "tpu.region"() ({
      %run_scoped3A = tpu.sem_alloc : memref<!tpu.dma_semaphore, #tpu.memory_space<semaphore_mem>>
      %dma_start3A_298 = tpu.memref_slice %arg8[%add3A_164] : memref<8192xi32, #tpu.memory_space<hbm>> -> memref<128xi32, #tpu.memory_space<hbm>>
      %dma_start3A_299 = tpu.memref_slice %arg8[%add3A_164] : memref<8192xi32, #tpu.memory_space<hbm>> -> memref<128xi32, #tpu.memory_space<hbm>>
      tpu.enqueue_dma source(%dma_start3A_299 : memref<128xi32, #tpu.memory_space<hbm>>) target(%arg14 : memref<128xi32, #tpu.memory_space<vmem>>) target_semaphore(%run_scoped3A : memref<!tpu.dma_semaphore, #tpu.memory_space<semaphore_mem>>)
      %dma_wait3A_300 = tpu.memref_slice %arg8[%add3A_164] : memref<8192xi32, #tpu.memory_space<hbm>> -> memref<128xi32, #tpu.memory_space<hbm>>
      %dma_wait3A_301 = tpu.memref_slice %arg8[%add3A_164] : memref<8192xi32, #tpu.memory_space<hbm>> -> memref<128xi32, #tpu.memory_space<hbm>>
      tpu.wait_dma2 semaphore(%run_scoped3A : memref<!tpu.dma_semaphore, #tpu.memory_space<semaphore_mem>>) src(%dma_wait3A_301 : memref<128xi32, #tpu.memory_space<hbm>>) dst(%arg14 : memref<128xi32, #tpu.memory_space<vmem>>)
      tpu.yield
    }) : () -> ()
    %dma_start3A_165 = arith.constant 0 : i32
    %dma_start3A_166 = arith.constant 0 : i32
    %dma_start3A_167 = tpu.memref_slice %arg16[%dma_start3A_165, %dma_start3A_166] : memref<20000x80xf32, #tpu.memory_space<vmem_shared>> -> memref<20000x80xf32, #tpu.memory_space<vmem_shared>>
    tpu.enqueue_indirect_dma source(%dma_start3A_167 : memref<20000x80xf32, #tpu.memory_space<vmem_shared>>) target(%arg15 : memref<128x80xf32, #tpu.memory_space<vmem>>) offsets(%arg14 : memref<128xi32, #tpu.memory_space<vmem>>) semaphore(%arg17 : memref<!tpu.dma_semaphore, #tpu.memory_space<semaphore_mem>>)
    %dma_wait3A_168 = arith.constant 0 : i32
    %dma_wait3A_169 = arith.constant 0 : i32
    %dma_wait3A_170 = tpu.memref_slice %arg16[%dma_wait3A_168, %dma_wait3A_169] : memref<20000x80xf32, #tpu.memory_space<vmem_shared>> -> memref<20000x80xf32, #tpu.memory_space<vmem_shared>>
    tpu.wait_indirect_dma semaphore(%arg17 : memref<!tpu.dma_semaphore, #tpu.memory_space<semaphore_mem>>) src(%dma_wait3A_170 : memref<20000x80xf32, #tpu.memory_space<vmem_shared>>) dst(%arg15 : memref<128x80xf32, #tpu.memory_space<vmem>>)
    %mul3A_171 = arith.constant 16384 : i32
    %mul3A_172 = arith.muli %mul3A_171, %arg0 : i32
    %add3A_173 = arith.constant 32768 : i32
    %add3A_174 = arith.addi %add3A_173, %mul3A_172 : i32
    %add3A_175 = arith.addi %add3A_174, %add3A_164 : i32
    "tpu.region"() ({
      %run_scoped3A = tpu.sem_alloc : memref<!tpu.dma_semaphore, #tpu.memory_space<semaphore_mem>>
      %dma_start3A_298 = arith.constant 0 : i32
      %dma_start3A_299 = tpu.memref_slice %arg10[%add3A_175, %dma_start3A_298] : memref<65536x80xf32, #tpu.memory_space<hbm>> -> memref<128x80xf32, #tpu.memory_space<hbm>>
      %dma_start3A_300 = arith.constant 0 : i32
      %dma_start3A_301 = tpu.memref_slice %arg10[%add3A_175, %dma_start3A_300] : memref<65536x80xf32, #tpu.memory_space<hbm>> -> memref<128x80xf32, #tpu.memory_space<hbm>>
      tpu.enqueue_dma source(%arg15 : memref<128x80xf32, #tpu.memory_space<vmem>>) target(%dma_start3A_301 : memref<128x80xf32, #tpu.memory_space<hbm>>) target_semaphore(%run_scoped3A : memref<!tpu.dma_semaphore, #tpu.memory_space<semaphore_mem>>)
      %dma_wait3A_302 = arith.constant 0 : i32
      %dma_wait3A_303 = tpu.memref_slice %arg10[%add3A_175, %dma_wait3A_302] : memref<65536x80xf32, #tpu.memory_space<hbm>> -> memref<128x80xf32, #tpu.memory_space<hbm>>
      %dma_wait3A_304 = arith.constant 0 : i32
      %dma_wait3A_305 = tpu.memref_slice %arg10[%add3A_175, %dma_wait3A_304] : memref<65536x80xf32, #tpu.memory_space<hbm>> -> memref<128x80xf32, #tpu.memory_space<hbm>>
      tpu.wait_dma2 semaphore(%run_scoped3A : memref<!tpu.dma_semaphore, #tpu.memory_space<semaphore_mem>>) src(%arg15 : memref<128x80xf32, #tpu.memory_space<vmem>>) dst(%dma_wait3A_305 : memref<128x80xf32, #tpu.memory_space<hbm>>)
      tpu.yield
    }) : () -> ()
    %mul3A_176 = arith.constant 512 : i32
    %mul3A_177 = arith.muli %arg1, %mul3A_176 : i32
    %add3A_178 = arith.constant 128 : i32
    %add3A_179 = arith.addi %mul3A_177, %add3A_178 : i32
    "tpu.region"() ({
      %run_scoped3A = tpu.sem_alloc : memref<!tpu.dma_semaphore, #tpu.memory_space<semaphore_mem>>
      %dma_start3A_298 = tpu.memref_slice %arg8[%add3A_179] : memref<8192xi32, #tpu.memory_space<hbm>> -> memref<128xi32, #tpu.memory_space<hbm>>
      %dma_start3A_299 = tpu.memref_slice %arg8[%add3A_179] : memref<8192xi32, #tpu.memory_space<hbm>> -> memref<128xi32, #tpu.memory_space<hbm>>
      tpu.enqueue_dma source(%dma_start3A_299 : memref<128xi32, #tpu.memory_space<hbm>>) target(%arg14 : memref<128xi32, #tpu.memory_space<vmem>>) target_semaphore(%run_scoped3A : memref<!tpu.dma_semaphore, #tpu.memory_space<semaphore_mem>>)
      %dma_wait3A_300 = tpu.memref_slice %arg8[%add3A_179] : memref<8192xi32, #tpu.memory_space<hbm>> -> memref<128xi32, #tpu.memory_space<hbm>>
      %dma_wait3A_301 = tpu.memref_slice %arg8[%add3A_179] : memref<8192xi32, #tpu.memory_space<hbm>> -> memref<128xi32, #tpu.memory_space<hbm>>
      tpu.wait_dma2 semaphore(%run_scoped3A : memref<!tpu.dma_semaphore, #tpu.memory_space<semaphore_mem>>) src(%dma_wait3A_301 : memref<128xi32, #tpu.memory_space<hbm>>) dst(%arg14 : memref<128xi32, #tpu.memory_space<vmem>>)
      tpu.yield
    }) : () -> ()
    %dma_start3A_180 = arith.constant 0 : i32
    %dma_start3A_181 = arith.constant 0 : i32
    %dma_start3A_182 = tpu.memref_slice %arg16[%dma_start3A_180, %dma_start3A_181] : memref<20000x80xf32, #tpu.memory_space<vmem_shared>> -> memref<20000x80xf32, #tpu.memory_space<vmem_shared>>
    tpu.enqueue_indirect_dma source(%dma_start3A_182 : memref<20000x80xf32, #tpu.memory_space<vmem_shared>>) target(%arg15 : memref<128x80xf32, #tpu.memory_space<vmem>>) offsets(%arg14 : memref<128xi32, #tpu.memory_space<vmem>>) semaphore(%arg17 : memref<!tpu.dma_semaphore, #tpu.memory_space<semaphore_mem>>)
    %dma_wait3A_183 = arith.constant 0 : i32
    %dma_wait3A_184 = arith.constant 0 : i32
    %dma_wait3A_185 = tpu.memref_slice %arg16[%dma_wait3A_183, %dma_wait3A_184] : memref<20000x80xf32, #tpu.memory_space<vmem_shared>> -> memref<20000x80xf32, #tpu.memory_space<vmem_shared>>
    tpu.wait_indirect_dma semaphore(%arg17 : memref<!tpu.dma_semaphore, #tpu.memory_space<semaphore_mem>>) src(%dma_wait3A_185 : memref<20000x80xf32, #tpu.memory_space<vmem_shared>>) dst(%arg15 : memref<128x80xf32, #tpu.memory_space<vmem>>)
    %mul3A_186 = arith.constant 16384 : i32
    %mul3A_187 = arith.muli %mul3A_186, %arg0 : i32
    %add3A_188 = arith.constant 32768 : i32
    %add3A_189 = arith.addi %add3A_188, %mul3A_187 : i32
    %add3A_190 = arith.addi %add3A_189, %add3A_179 : i32
    "tpu.region"() ({
      %run_scoped3A = tpu.sem_alloc : memref<!tpu.dma_semaphore, #tpu.memory_space<semaphore_mem>>
      %dma_start3A_298 = arith.constant 0 : i32
      %dma_start3A_299 = tpu.memref_slice %arg10[%add3A_190, %dma_start3A_298] : memref<65536x80xf32, #tpu.memory_space<hbm>> -> memref<128x80xf32, #tpu.memory_space<hbm>>
      %dma_start3A_300 = arith.constant 0 : i32
      %dma_start3A_301 = tpu.memref_slice %arg10[%add3A_190, %dma_start3A_300] : memref<65536x80xf32, #tpu.memory_space<hbm>> -> memref<128x80xf32, #tpu.memory_space<hbm>>
      tpu.enqueue_dma source(%arg15 : memref<128x80xf32, #tpu.memory_space<vmem>>) target(%dma_start3A_301 : memref<128x80xf32, #tpu.memory_space<hbm>>) target_semaphore(%run_scoped3A : memref<!tpu.dma_semaphore, #tpu.memory_space<semaphore_mem>>)
      %dma_wait3A_302 = arith.constant 0 : i32
      %dma_wait3A_303 = tpu.memref_slice %arg10[%add3A_190, %dma_wait3A_302] : memref<65536x80xf32, #tpu.memory_space<hbm>> -> memref<128x80xf32, #tpu.memory_space<hbm>>
      %dma_wait3A_304 = arith.constant 0 : i32
      %dma_wait3A_305 = tpu.memref_slice %arg10[%add3A_190, %dma_wait3A_304] : memref<65536x80xf32, #tpu.memory_space<hbm>> -> memref<128x80xf32, #tpu.memory_space<hbm>>
      tpu.wait_dma2 semaphore(%run_scoped3A : memref<!tpu.dma_semaphore, #tpu.memory_space<semaphore_mem>>) src(%arg15 : memref<128x80xf32, #tpu.memory_space<vmem>>) dst(%dma_wait3A_305 : memref<128x80xf32, #tpu.memory_space<hbm>>)
      tpu.yield
    }) : () -> ()
    %mul3A_191 = arith.constant 512 : i32
    %mul3A_192 = arith.muli %arg1, %mul3A_191 : i32
    %add3A_193 = arith.constant 256 : i32
    %add3A_194 = arith.addi %mul3A_192, %add3A_193 : i32
    "tpu.region"() ({
      %run_scoped3A = tpu.sem_alloc : memref<!tpu.dma_semaphore, #tpu.memory_space<semaphore_mem>>
      %dma_start3A_298 = tpu.memref_slice %arg8[%add3A_194] : memref<8192xi32, #tpu.memory_space<hbm>> -> memref<128xi32, #tpu.memory_space<hbm>>
      %dma_start3A_299 = tpu.memref_slice %arg8[%add3A_194] : memref<8192xi32, #tpu.memory_space<hbm>> -> memref<128xi32, #tpu.memory_space<hbm>>
      tpu.enqueue_dma source(%dma_start3A_299 : memref<128xi32, #tpu.memory_space<hbm>>) target(%arg14 : memref<128xi32, #tpu.memory_space<vmem>>) target_semaphore(%run_scoped3A : memref<!tpu.dma_semaphore, #tpu.memory_space<semaphore_mem>>)
      %dma_wait3A_300 = tpu.memref_slice %arg8[%add3A_194] : memref<8192xi32, #tpu.memory_space<hbm>> -> memref<128xi32, #tpu.memory_space<hbm>>
      %dma_wait3A_301 = tpu.memref_slice %arg8[%add3A_194] : memref<8192xi32, #tpu.memory_space<hbm>> -> memref<128xi32, #tpu.memory_space<hbm>>
      tpu.wait_dma2 semaphore(%run_scoped3A : memref<!tpu.dma_semaphore, #tpu.memory_space<semaphore_mem>>) src(%dma_wait3A_301 : memref<128xi32, #tpu.memory_space<hbm>>) dst(%arg14 : memref<128xi32, #tpu.memory_space<vmem>>)
      tpu.yield
    }) : () -> ()
    %dma_start3A_195 = arith.constant 0 : i32
    %dma_start3A_196 = arith.constant 0 : i32
    %dma_start3A_197 = tpu.memref_slice %arg16[%dma_start3A_195, %dma_start3A_196] : memref<20000x80xf32, #tpu.memory_space<vmem_shared>> -> memref<20000x80xf32, #tpu.memory_space<vmem_shared>>
    tpu.enqueue_indirect_dma source(%dma_start3A_197 : memref<20000x80xf32, #tpu.memory_space<vmem_shared>>) target(%arg15 : memref<128x80xf32, #tpu.memory_space<vmem>>) offsets(%arg14 : memref<128xi32, #tpu.memory_space<vmem>>) semaphore(%arg17 : memref<!tpu.dma_semaphore, #tpu.memory_space<semaphore_mem>>)
    %dma_wait3A_198 = arith.constant 0 : i32
    %dma_wait3A_199 = arith.constant 0 : i32
    %dma_wait3A_200 = tpu.memref_slice %arg16[%dma_wait3A_198, %dma_wait3A_199] : memref<20000x80xf32, #tpu.memory_space<vmem_shared>> -> memref<20000x80xf32, #tpu.memory_space<vmem_shared>>
    tpu.wait_indirect_dma semaphore(%arg17 : memref<!tpu.dma_semaphore, #tpu.memory_space<semaphore_mem>>) src(%dma_wait3A_200 : memref<20000x80xf32, #tpu.memory_space<vmem_shared>>) dst(%arg15 : memref<128x80xf32, #tpu.memory_space<vmem>>)
    %mul3A_201 = arith.constant 16384 : i32
    %mul3A_202 = arith.muli %mul3A_201, %arg0 : i32
    %add3A_203 = arith.constant 32768 : i32
    %add3A_204 = arith.addi %add3A_203, %mul3A_202 : i32
    %add3A_205 = arith.addi %add3A_204, %add3A_194 : i32
    "tpu.region"() ({
      %run_scoped3A = tpu.sem_alloc : memref<!tpu.dma_semaphore, #tpu.memory_space<semaphore_mem>>
      %dma_start3A_298 = arith.constant 0 : i32
      %dma_start3A_299 = tpu.memref_slice %arg10[%add3A_205, %dma_start3A_298] : memref<65536x80xf32, #tpu.memory_space<hbm>> -> memref<128x80xf32, #tpu.memory_space<hbm>>
      %dma_start3A_300 = arith.constant 0 : i32
      %dma_start3A_301 = tpu.memref_slice %arg10[%add3A_205, %dma_start3A_300] : memref<65536x80xf32, #tpu.memory_space<hbm>> -> memref<128x80xf32, #tpu.memory_space<hbm>>
      tpu.enqueue_dma source(%arg15 : memref<128x80xf32, #tpu.memory_space<vmem>>) target(%dma_start3A_301 : memref<128x80xf32, #tpu.memory_space<hbm>>) target_semaphore(%run_scoped3A : memref<!tpu.dma_semaphore, #tpu.memory_space<semaphore_mem>>)
      %dma_wait3A_302 = arith.constant 0 : i32
      %dma_wait3A_303 = tpu.memref_slice %arg10[%add3A_205, %dma_wait3A_302] : memref<65536x80xf32, #tpu.memory_space<hbm>> -> memref<128x80xf32, #tpu.memory_space<hbm>>
      %dma_wait3A_304 = arith.constant 0 : i32
      %dma_wait3A_305 = tpu.memref_slice %arg10[%add3A_205, %dma_wait3A_304] : memref<65536x80xf32, #tpu.memory_space<hbm>> -> memref<128x80xf32, #tpu.memory_space<hbm>>
      tpu.wait_dma2 semaphore(%run_scoped3A : memref<!tpu.dma_semaphore, #tpu.memory_space<semaphore_mem>>) src(%arg15 : memref<128x80xf32, #tpu.memory_space<vmem>>) dst(%dma_wait3A_305 : memref<128x80xf32, #tpu.memory_space<hbm>>)
      tpu.yield
    }) : () -> ()
    %mul3A_206 = arith.constant 512 : i32
    %mul3A_207 = arith.muli %arg1, %mul3A_206 : i32
    %add3A_208 = arith.constant 384 : i32
    %add3A_209 = arith.addi %mul3A_207, %add3A_208 : i32
    "tpu.region"() ({
      %run_scoped3A = tpu.sem_alloc : memref<!tpu.dma_semaphore, #tpu.memory_space<semaphore_mem>>
      %dma_start3A_298 = tpu.memref_slice %arg8[%add3A_209] : memref<8192xi32, #tpu.memory_space<hbm>> -> memref<128xi32, #tpu.memory_space<hbm>>
      %dma_start3A_299 = tpu.memref_slice %arg8[%add3A_209] : memref<8192xi32, #tpu.memory_space<hbm>> -> memref<128xi32, #tpu.memory_space<hbm>>
      tpu.enqueue_dma source(%dma_start3A_299 : memref<128xi32, #tpu.memory_space<hbm>>) target(%arg14 : memref<128xi32, #tpu.memory_space<vmem>>) target_semaphore(%run_scoped3A : memref<!tpu.dma_semaphore, #tpu.memory_space<semaphore_mem>>)
      %dma_wait3A_300 = tpu.memref_slice %arg8[%add3A_209] : memref<8192xi32, #tpu.memory_space<hbm>> -> memref<128xi32, #tpu.memory_space<hbm>>
      %dma_wait3A_301 = tpu.memref_slice %arg8[%add3A_209] : memref<8192xi32, #tpu.memory_space<hbm>> -> memref<128xi32, #tpu.memory_space<hbm>>
      tpu.wait_dma2 semaphore(%run_scoped3A : memref<!tpu.dma_semaphore, #tpu.memory_space<semaphore_mem>>) src(%dma_wait3A_301 : memref<128xi32, #tpu.memory_space<hbm>>) dst(%arg14 : memref<128xi32, #tpu.memory_space<vmem>>)
      tpu.yield
    }) : () -> ()
    %dma_start3A_210 = arith.constant 0 : i32
    %dma_start3A_211 = arith.constant 0 : i32
    %dma_start3A_212 = tpu.memref_slice %arg16[%dma_start3A_210, %dma_start3A_211] : memref<20000x80xf32, #tpu.memory_space<vmem_shared>> -> memref<20000x80xf32, #tpu.memory_space<vmem_shared>>
    tpu.enqueue_indirect_dma source(%dma_start3A_212 : memref<20000x80xf32, #tpu.memory_space<vmem_shared>>) target(%arg15 : memref<128x80xf32, #tpu.memory_space<vmem>>) offsets(%arg14 : memref<128xi32, #tpu.memory_space<vmem>>) semaphore(%arg17 : memref<!tpu.dma_semaphore, #tpu.memory_space<semaphore_mem>>)
    %dma_wait3A_213 = arith.constant 0 : i32
    %dma_wait3A_214 = arith.constant 0 : i32
    %dma_wait3A_215 = tpu.memref_slice %arg16[%dma_wait3A_213, %dma_wait3A_214] : memref<20000x80xf32, #tpu.memory_space<vmem_shared>> -> memref<20000x80xf32, #tpu.memory_space<vmem_shared>>
    tpu.wait_indirect_dma semaphore(%arg17 : memref<!tpu.dma_semaphore, #tpu.memory_space<semaphore_mem>>) src(%dma_wait3A_215 : memref<20000x80xf32, #tpu.memory_space<vmem_shared>>) dst(%arg15 : memref<128x80xf32, #tpu.memory_space<vmem>>)
    %mul3A_216 = arith.constant 16384 : i32
    %mul3A_217 = arith.muli %mul3A_216, %arg0 : i32
    %add3A_218 = arith.constant 32768 : i32
    %add3A_219 = arith.addi %add3A_218, %mul3A_217 : i32
    %add3A_220 = arith.addi %add3A_219, %add3A_209 : i32
    "tpu.region"() ({
      %run_scoped3A = tpu.sem_alloc : memref<!tpu.dma_semaphore, #tpu.memory_space<semaphore_mem>>
      %dma_start3A_298 = arith.constant 0 : i32
      %dma_start3A_299 = tpu.memref_slice %arg10[%add3A_220, %dma_start3A_298] : memref<65536x80xf32, #tpu.memory_space<hbm>> -> memref<128x80xf32, #tpu.memory_space<hbm>>
      %dma_start3A_300 = arith.constant 0 : i32
      %dma_start3A_301 = tpu.memref_slice %arg10[%add3A_220, %dma_start3A_300] : memref<65536x80xf32, #tpu.memory_space<hbm>> -> memref<128x80xf32, #tpu.memory_space<hbm>>
      tpu.enqueue_dma source(%arg15 : memref<128x80xf32, #tpu.memory_space<vmem>>) target(%dma_start3A_301 : memref<128x80xf32, #tpu.memory_space<hbm>>) target_semaphore(%run_scoped3A : memref<!tpu.dma_semaphore, #tpu.memory_space<semaphore_mem>>)
      %dma_wait3A_302 = arith.constant 0 : i32
      %dma_wait3A_303 = tpu.memref_slice %arg10[%add3A_220, %dma_wait3A_302] : memref<65536x80xf32, #tpu.memory_space<hbm>> -> memref<128x80xf32, #tpu.memory_space<hbm>>
      %dma_wait3A_304 = arith.constant 0 : i32
      %dma_wait3A_305 = tpu.memref_slice %arg10[%add3A_220, %dma_wait3A_304] : memref<65536x80xf32, #tpu.memory_space<hbm>> -> memref<128x80xf32, #tpu.memory_space<hbm>>
      tpu.wait_dma2 semaphore(%run_scoped3A : memref<!tpu.dma_semaphore, #tpu.memory_space<semaphore_mem>>) src(%arg15 : memref<128x80xf32, #tpu.memory_space<vmem>>) dst(%dma_wait3A_305 : memref<128x80xf32, #tpu.memory_space<hbm>>)
      tpu.yield
    }) : () -> ()
    %barrier3A_221 = arith.constant 0 : index
    tpu.barrier barrier_id(%barrier3A_221)
    %mul3A_222 = arith.constant 200000 : i32
    %mul3A_223 = arith.muli %mul3A_222, %arg0 : i32
    %add3A_224 = arith.constant 500000 : i32
    %add3A_225 = arith.addi %add3A_224, %mul3A_223 : i32
    %mul3A_226 = arith.constant 1250 : i32
    %mul3A_227 = arith.muli %arg1, %mul3A_226 : i32
    "tpu.region"() ({
      %run_scoped3A = tpu.sem_alloc : memref<!tpu.dma_semaphore, #tpu.memory_space<semaphore_mem>>
      %dma_start3A_298 = arith.constant 0 : i32
      %dma_start3A_299 = tpu.memref_slice %arg16[%mul3A_227, %dma_start3A_298] : memref<20000x80xf32, #tpu.memory_space<vmem_shared>> -> memref<1250x80xf32, #tpu.memory_space<vmem_shared>>
      tpu.enqueue_dma source(%arg9 : memref<1250x80xf32, #tpu.memory_space<hbm>>) target(%dma_start3A_299 : memref<1250x80xf32, #tpu.memory_space<vmem_shared>>) target_semaphore(%run_scoped3A : memref<!tpu.dma_semaphore, #tpu.memory_space<semaphore_mem>>)
      %dma_wait3A_300 = arith.constant 0 : i32
      %dma_wait3A_301 = tpu.memref_slice %arg16[%mul3A_227, %dma_wait3A_300] : memref<20000x80xf32, #tpu.memory_space<vmem_shared>> -> memref<1250x80xf32, #tpu.memory_space<vmem_shared>>
      tpu.wait_dma2 semaphore(%run_scoped3A : memref<!tpu.dma_semaphore, #tpu.memory_space<semaphore_mem>>) src(%arg9 : memref<1250x80xf32, #tpu.memory_space<hbm>>) dst(%dma_wait3A_301 : memref<1250x80xf32, #tpu.memory_space<vmem_shared>>)
      tpu.yield
    }) : () -> ()
    %barrier3A_228 = arith.constant 0 : index
    tpu.barrier barrier_id(%barrier3A_228)
    %scan3A_229 = arith.constant 0 : i32
    %scan3A_230 = arith.constant 0 : i32
    %scan3A_231 = arith.constant 125 : i32
    %scan3A_232 = arith.addi %scan3A_230, %scan3A_231 : i32
    %scan3A_233 = arith.constant 1 : i32
    %scan3A_234 = scf.for %scan3A_298 = %scan3A_230 to %scan3A_232 step %scan3A_233 iter_args(%scan3A_299 = %scan3A_229) -> (i32)  : i32 {
      %mul3A_300 = arith.constant 10000 : i32
      %mul3A_301 = arith.muli %arg1, %mul3A_300 : i32
      %mul3A_302 = arith.constant 80 : i32
      %mul3A_303 = arith.muli %scan3A_298, %mul3A_302 : i32
      %add3A_304 = arith.addi %mul3A_301, %mul3A_303 : i32
      "tpu.region"() ({
        %run_scoped3A = tpu.sem_alloc : memref<!tpu.dma_semaphore, #tpu.memory_space<semaphore_mem>>
        %dma_start3A_355 = tpu.memref_slice %arg6[%add3A_304] : memref<160000xi32, #tpu.memory_space<hbm>> -> memref<80xi32, #tpu.memory_space<hbm>>
        %dma_start3A_356 = tpu.memref_slice %arg6[%add3A_304] : memref<160000xi32, #tpu.memory_space<hbm>> -> memref<80xi32, #tpu.memory_space<hbm>>
        tpu.enqueue_dma source(%dma_start3A_356 : memref<80xi32, #tpu.memory_space<hbm>>) target(%arg11 : memref<80xi32, #tpu.memory_space<vmem>>) target_semaphore(%run_scoped3A : memref<!tpu.dma_semaphore, #tpu.memory_space<semaphore_mem>>)
        %dma_wait3A_357 = tpu.memref_slice %arg6[%add3A_304] : memref<160000xi32, #tpu.memory_space<hbm>> -> memref<80xi32, #tpu.memory_space<hbm>>
        %dma_wait3A_358 = tpu.memref_slice %arg6[%add3A_304] : memref<160000xi32, #tpu.memory_space<hbm>> -> memref<80xi32, #tpu.memory_space<hbm>>
        tpu.wait_dma2 semaphore(%run_scoped3A : memref<!tpu.dma_semaphore, #tpu.memory_space<semaphore_mem>>) src(%dma_wait3A_358 : memref<80xi32, #tpu.memory_space<hbm>>) dst(%arg11 : memref<80xi32, #tpu.memory_space<vmem>>)
        tpu.yield
      }) : () -> ()
      "tpu.region"() ({
        %run_scoped3A = tpu.sem_alloc : memref<!tpu.dma_semaphore, #tpu.memory_space<semaphore_mem>>
        %dma_start3A_355 = tpu.memref_slice %arg7[%add3A_304] : memref<160000xi32, #tpu.memory_space<hbm>> -> memref<80xi32, #tpu.memory_space<hbm>>
        %dma_start3A_356 = tpu.memref_slice %arg7[%add3A_304] : memref<160000xi32, #tpu.memory_space<hbm>> -> memref<80xi32, #tpu.memory_space<hbm>>
        tpu.enqueue_dma source(%dma_start3A_356 : memref<80xi32, #tpu.memory_space<hbm>>) target(%arg12 : memref<80xi32, #tpu.memory_space<vmem>>) target_semaphore(%run_scoped3A : memref<!tpu.dma_semaphore, #tpu.memory_space<semaphore_mem>>)
        %dma_wait3A_357 = tpu.memref_slice %arg7[%add3A_304] : memref<160000xi32, #tpu.memory_space<hbm>> -> memref<80xi32, #tpu.memory_space<hbm>>
        %dma_wait3A_358 = tpu.memref_slice %arg7[%add3A_304] : memref<160000xi32, #tpu.memory_space<hbm>> -> memref<80xi32, #tpu.memory_space<hbm>>
        tpu.wait_dma2 semaphore(%run_scoped3A : memref<!tpu.dma_semaphore, #tpu.memory_space<semaphore_mem>>) src(%dma_wait3A_358 : memref<80xi32, #tpu.memory_space<hbm>>) dst(%arg12 : memref<80xi32, #tpu.memory_space<vmem>>)
        tpu.yield
      }) : () -> ()
      %get3A = arith.constant 0 : index
      %get3A_305 = tpu.vector_load %arg11[%get3A] {strides = array<i32>} : memref<80xi32, #tpu.memory_space<vmem>>, vector<16xi32>,
      %get3A_306 = vector.shape_cast %get3A_305 : vector<16xi32> to vector<16xi32>
      %add3A_307 = vector.broadcast %add3A_225 : i32 to vector<16xi32>
      %add3A_308 = arith.addi %get3A_306, %add3A_307 : vector<16xi32>
      %swap3A = arith.constant 0 : index
      %swap3A_309 = tpu.vector_load %arg11[%swap3A] {strides = array<i32>} : memref<80xi32, #tpu.memory_space<vmem>>, vector<16xi32>,
      %swap3A_310 = vector.shape_cast %swap3A_309 : vector<16xi32> to vector<16xi32>
      %swap3A_311 = vector.shape_cast %add3A_308 : vector<16xi32> to vector<16xi32>
      tpu.vector_store %arg11[%swap3A], %swap3A_311 {strides = array<i32>} : memref<80xi32, #tpu.memory_space<vmem>>, vector<16xi32>,
      %get3A_312 = arith.constant 16 : index
      %get3A_313 = tpu.vector_load %arg11[%get3A_312] {strides = array<i32>} : memref<80xi32, #tpu.memory_space<vmem>>, vector<16xi32>,
      %get3A_314 = vector.shape_cast %get3A_313 : vector<16xi32> to vector<16xi32>
      %add3A_315 = vector.broadcast %add3A_225 : i32 to vector<16xi32>
      %add3A_316 = arith.addi %get3A_314, %add3A_315 : vector<16xi32>
      %swap3A_317 = arith.constant 16 : index
      %swap3A_318 = tpu.vector_load %arg11[%swap3A_317] {strides = array<i32>} : memref<80xi32, #tpu.memory_space<vmem>>, vector<16xi32>,
      %swap3A_319 = vector.shape_cast %swap3A_318 : vector<16xi32> to vector<16xi32>
      %swap3A_320 = vector.shape_cast %add3A_316 : vector<16xi32> to vector<16xi32>
      tpu.vector_store %arg11[%swap3A_317], %swap3A_320 {strides = array<i32>} : memref<80xi32, #tpu.memory_space<vmem>>, vector<16xi32>,
      %get3A_321 = arith.constant 32 : index
      %get3A_322 = tpu.vector_load %arg11[%get3A_321] {strides = array<i32>} : memref<80xi32, #tpu.memory_space<vmem>>, vector<16xi32>,
      %get3A_323 = vector.shape_cast %get3A_322 : vector<16xi32> to vector<16xi32>
      %add3A_324 = vector.broadcast %add3A_225 : i32 to vector<16xi32>
      %add3A_325 = arith.addi %get3A_323, %add3A_324 : vector<16xi32>
      %swap3A_326 = arith.constant 32 : index
      %swap3A_327 = tpu.vector_load %arg11[%swap3A_326] {strides = array<i32>} : memref<80xi32, #tpu.memory_space<vmem>>, vector<16xi32>,
      %swap3A_328 = vector.shape_cast %swap3A_327 : vector<16xi32> to vector<16xi32>
      %swap3A_329 = vector.shape_cast %add3A_325 : vector<16xi32> to vector<16xi32>
      tpu.vector_store %arg11[%swap3A_326], %swap3A_329 {strides = array<i32>} : memref<80xi32, #tpu.memory_space<vmem>>, vector<16xi32>,
      %get3A_330 = arith.constant 48 : index
      %get3A_331 = tpu.vector_load %arg11[%get3A_330] {strides = array<i32>} : memref<80xi32, #tpu.memory_space<vmem>>, vector<16xi32>,
      %get3A_332 = vector.shape_cast %get3A_331 : vector<16xi32> to vector<16xi32>
      %add3A_333 = vector.broadcast %add3A_225 : i32 to vector<16xi32>
      %add3A_334 = arith.addi %get3A_332, %add3A_333 : vector<16xi32>
      %swap3A_335 = arith.constant 48 : index
      %swap3A_336 = tpu.vector_load %arg11[%swap3A_335] {strides = array<i32>} : memref<80xi32, #tpu.memory_space<vmem>>, vector<16xi32>,
      %swap3A_337 = vector.shape_cast %swap3A_336 : vector<16xi32> to vector<16xi32>
      %swap3A_338 = vector.shape_cast %add3A_334 : vector<16xi32> to vector<16xi32>
      tpu.vector_store %arg11[%swap3A_335], %swap3A_338 {strides = array<i32>} : memref<80xi32, #tpu.memory_space<vmem>>, vector<16xi32>,
      %get3A_339 = arith.constant 64 : index
      %get3A_340 = tpu.vector_load %arg11[%get3A_339] {strides = array<i32>} : memref<80xi32, #tpu.memory_space<vmem>>, vector<16xi32>,
      %get3A_341 = vector.shape_cast %get3A_340 : vector<16xi32> to vector<16xi32>
      %add3A_342 = vector.broadcast %add3A_225 : i32 to vector<16xi32>
      %add3A_343 = arith.addi %get3A_341, %add3A_342 : vector<16xi32>
      %swap3A_344 = arith.constant 64 : index
      %swap3A_345 = tpu.vector_load %arg11[%swap3A_344] {strides = array<i32>} : memref<80xi32, #tpu.memory_space<vmem>>, vector<16xi32>,
      %swap3A_346 = vector.shape_cast %swap3A_345 : vector<16xi32> to vector<16xi32>
      %swap3A_347 = vector.shape_cast %add3A_343 : vector<16xi32> to vector<16xi32>
      tpu.vector_store %arg11[%swap3A_344], %swap3A_347 {strides = array<i32>} : memref<80xi32, #tpu.memory_space<vmem>>, vector<16xi32>,
      %dma_start3A_348 = arith.constant 0 : i32
      %dma_start3A_349 = arith.constant 0 : i32
      %dma_start3A_350 = tpu.memref_slice %arg2[%dma_start3A_348, %dma_start3A_349] : memref<800000x80xf32, #tpu.memory_space<hbm>> -> memref<800000x80xf32, #tpu.memory_space<hbm>>
      tpu.enqueue_indirect_dma source(%dma_start3A_350 : memref<800000x80xf32, #tpu.memory_space<hbm>>) target(%arg13 : memref<80x80xf32, #tpu.memory_space<vmem>>) offsets(%arg11 : memref<80xi32, #tpu.memory_space<vmem>>) semaphore(%arg17 : memref<!tpu.dma_semaphore, #tpu.memory_space<semaphore_mem>>)
      %dma_wait3A_351 = arith.constant 0 : i32
      %dma_wait3A_352 = arith.constant 0 : i32
      %dma_wait3A_353 = tpu.memref_slice %arg2[%dma_wait3A_351, %dma_wait3A_352] : memref<800000x80xf32, #tpu.memory_space<hbm>> -> memref<800000x80xf32, #tpu.memory_space<hbm>>
      tpu.wait_indirect_dma semaphore(%arg17 : memref<!tpu.dma_semaphore, #tpu.memory_space<semaphore_mem>>) src(%dma_wait3A_353 : memref<800000x80xf32, #tpu.memory_space<hbm>>) dst(%arg13 : memref<80x80xf32, #tpu.memory_space<vmem>>)
      "tpu.region"() ({
        %run_scoped3A = tpu.sem_alloc : memref<!tpu.dma_semaphore, #tpu.memory_space<semaphore_mem>>
        %dma_start3A_355 = arith.constant 0 : i32
        %dma_start3A_356 = arith.constant 0 : i32
        %dma_start3A_357 = tpu.memref_slice %arg16[%dma_start3A_355, %dma_start3A_356] : memref<20000x80xf32, #tpu.memory_space<vmem_shared>> -> memref<20000x80xf32, #tpu.memory_space<vmem_shared>>
        tpu.enqueue_indirect_dma source(%arg13 : memref<80x80xf32, #tpu.memory_space<vmem>>) target(%dma_start3A_357 : memref<20000x80xf32, #tpu.memory_space<vmem_shared>>) offsets(%arg12 : memref<80xi32, #tpu.memory_space<vmem>>) semaphore(%run_scoped3A : memref<!tpu.dma_semaphore, #tpu.memory_space<semaphore_mem>>) {add = true}
        %dma_wait3A_358 = arith.constant 0 : i32
        %dma_wait3A_359 = arith.constant 0 : i32
        %dma_wait3A_360 = tpu.memref_slice %arg16[%dma_wait3A_358, %dma_wait3A_359] : memref<20000x80xf32, #tpu.memory_space<vmem_shared>> -> memref<20000x80xf32, #tpu.memory_space<vmem_shared>>
        tpu.wait_indirect_dma semaphore(%run_scoped3A : memref<!tpu.dma_semaphore, #tpu.memory_space<semaphore_mem>>) src(%arg13 : memref<80x80xf32, #tpu.memory_space<vmem>>) dst(%dma_wait3A_360 : memref<20000x80xf32, #tpu.memory_space<vmem_shared>>)
        tpu.yield
      }) : () -> ()
      %scan3A_354 = arith.constant 0 : i32
      scf.yield %scan3A_354 : i32
    }
    %scan3A_235 = arith.constant 125 : i32
    %barrier3A_236 = arith.constant 0 : index
    tpu.barrier barrier_id(%barrier3A_236)
    %mul3A_237 = arith.constant 512 : i32
    %mul3A_238 = arith.muli %arg1, %mul3A_237 : i32
    %add3A_239 = arith.constant 0 : i32
    %add3A_240 = arith.addi %mul3A_238, %add3A_239 : i32
    "tpu.region"() ({
      %run_scoped3A = tpu.sem_alloc : memref<!tpu.dma_semaphore, #tpu.memory_space<semaphore_mem>>
      %dma_start3A_298 = tpu.memref_slice %arg8[%add3A_240] : memref<8192xi32, #tpu.memory_space<hbm>> -> memref<128xi32, #tpu.memory_space<hbm>>
      %dma_start3A_299 = tpu.memref_slice %arg8[%add3A_240] : memref<8192xi32, #tpu.memory_space<hbm>> -> memref<128xi32, #tpu.memory_space<hbm>>
      tpu.enqueue_dma source(%dma_start3A_299 : memref<128xi32, #tpu.memory_space<hbm>>) target(%arg14 : memref<128xi32, #tpu.memory_space<vmem>>) target_semaphore(%run_scoped3A : memref<!tpu.dma_semaphore, #tpu.memory_space<semaphore_mem>>)
      %dma_wait3A_300 = tpu.memref_slice %arg8[%add3A_240] : memref<8192xi32, #tpu.memory_space<hbm>> -> memref<128xi32, #tpu.memory_space<hbm>>
      %dma_wait3A_301 = tpu.memref_slice %arg8[%add3A_240] : memref<8192xi32, #tpu.memory_space<hbm>> -> memref<128xi32, #tpu.memory_space<hbm>>
      tpu.wait_dma2 semaphore(%run_scoped3A : memref<!tpu.dma_semaphore, #tpu.memory_space<semaphore_mem>>) src(%dma_wait3A_301 : memref<128xi32, #tpu.memory_space<hbm>>) dst(%arg14 : memref<128xi32, #tpu.memory_space<vmem>>)
      tpu.yield
    }) : () -> ()
    %dma_start3A_241 = arith.constant 0 : i32
    %dma_start3A_242 = arith.constant 0 : i32
    %dma_start3A_243 = tpu.memref_slice %arg16[%dma_start3A_241, %dma_start3A_242] : memref<20000x80xf32, #tpu.memory_space<vmem_shared>> -> memref<20000x80xf32, #tpu.memory_space<vmem_shared>>
    tpu.enqueue_indirect_dma source(%dma_start3A_243 : memref<20000x80xf32, #tpu.memory_space<vmem_shared>>) target(%arg15 : memref<128x80xf32, #tpu.memory_space<vmem>>) offsets(%arg14 : memref<128xi32, #tpu.memory_space<vmem>>) semaphore(%arg17 : memref<!tpu.dma_semaphore, #tpu.memory_space<semaphore_mem>>)
    %dma_wait3A_244 = arith.constant 0 : i32
    %dma_wait3A_245 = arith.constant 0 : i32
    %dma_wait3A_246 = tpu.memref_slice %arg16[%dma_wait3A_244, %dma_wait3A_245] : memref<20000x80xf32, #tpu.memory_space<vmem_shared>> -> memref<20000x80xf32, #tpu.memory_space<vmem_shared>>
    tpu.wait_indirect_dma semaphore(%arg17 : memref<!tpu.dma_semaphore, #tpu.memory_space<semaphore_mem>>) src(%dma_wait3A_246 : memref<20000x80xf32, #tpu.memory_space<vmem_shared>>) dst(%arg15 : memref<128x80xf32, #tpu.memory_space<vmem>>)
    %mul3A_247 = arith.constant 16384 : i32
    %mul3A_248 = arith.muli %mul3A_247, %arg0 : i32
    %add3A_249 = arith.constant 40960 : i32
    %add3A_250 = arith.addi %add3A_249, %mul3A_248 : i32
    %add3A_251 = arith.addi %add3A_250, %add3A_240 : i32
    "tpu.region"() ({
      %run_scoped3A = tpu.sem_alloc : memref<!tpu.dma_semaphore, #tpu.memory_space<semaphore_mem>>
      %dma_start3A_298 = arith.constant 0 : i32
      %dma_start3A_299 = tpu.memref_slice %arg10[%add3A_251, %dma_start3A_298] : memref<65536x80xf32, #tpu.memory_space<hbm>> -> memref<128x80xf32, #tpu.memory_space<hbm>>
      %dma_start3A_300 = arith.constant 0 : i32
      %dma_start3A_301 = tpu.memref_slice %arg10[%add3A_251, %dma_start3A_300] : memref<65536x80xf32, #tpu.memory_space<hbm>> -> memref<128x80xf32, #tpu.memory_space<hbm>>
      tpu.enqueue_dma source(%arg15 : memref<128x80xf32, #tpu.memory_space<vmem>>) target(%dma_start3A_301 : memref<128x80xf32, #tpu.memory_space<hbm>>) target_semaphore(%run_scoped3A : memref<!tpu.dma_semaphore, #tpu.memory_space<semaphore_mem>>)
      %dma_wait3A_302 = arith.constant 0 : i32
      %dma_wait3A_303 = tpu.memref_slice %arg10[%add3A_251, %dma_wait3A_302] : memref<65536x80xf32, #tpu.memory_space<hbm>> -> memref<128x80xf32, #tpu.memory_space<hbm>>
      %dma_wait3A_304 = arith.constant 0 : i32
      %dma_wait3A_305 = tpu.memref_slice %arg10[%add3A_251, %dma_wait3A_304] : memref<65536x80xf32, #tpu.memory_space<hbm>> -> memref<128x80xf32, #tpu.memory_space<hbm>>
      tpu.wait_dma2 semaphore(%run_scoped3A : memref<!tpu.dma_semaphore, #tpu.memory_space<semaphore_mem>>) src(%arg15 : memref<128x80xf32, #tpu.memory_space<vmem>>) dst(%dma_wait3A_305 : memref<128x80xf32, #tpu.memory_space<hbm>>)
      tpu.yield
    }) : () -> ()
    %mul3A_252 = arith.constant 512 : i32
    %mul3A_253 = arith.muli %arg1, %mul3A_252 : i32
    %add3A_254 = arith.constant 128 : i32
    %add3A_255 = arith.addi %mul3A_253, %add3A_254 : i32
    "tpu.region"() ({
      %run_scoped3A = tpu.sem_alloc : memref<!tpu.dma_semaphore, #tpu.memory_space<semaphore_mem>>
      %dma_start3A_298 = tpu.memref_slice %arg8[%add3A_255] : memref<8192xi32, #tpu.memory_space<hbm>> -> memref<128xi32, #tpu.memory_space<hbm>>
      %dma_start3A_299 = tpu.memref_slice %arg8[%add3A_255] : memref<8192xi32, #tpu.memory_space<hbm>> -> memref<128xi32, #tpu.memory_space<hbm>>
      tpu.enqueue_dma source(%dma_start3A_299 : memref<128xi32, #tpu.memory_space<hbm>>) target(%arg14 : memref<128xi32, #tpu.memory_space<vmem>>) target_semaphore(%run_scoped3A : memref<!tpu.dma_semaphore, #tpu.memory_space<semaphore_mem>>)
      %dma_wait3A_300 = tpu.memref_slice %arg8[%add3A_255] : memref<8192xi32, #tpu.memory_space<hbm>> -> memref<128xi32, #tpu.memory_space<hbm>>
      %dma_wait3A_301 = tpu.memref_slice %arg8[%add3A_255] : memref<8192xi32, #tpu.memory_space<hbm>> -> memref<128xi32, #tpu.memory_space<hbm>>
      tpu.wait_dma2 semaphore(%run_scoped3A : memref<!tpu.dma_semaphore, #tpu.memory_space<semaphore_mem>>) src(%dma_wait3A_301 : memref<128xi32, #tpu.memory_space<hbm>>) dst(%arg14 : memref<128xi32, #tpu.memory_space<vmem>>)
      tpu.yield
    }) : () -> ()
    %dma_start3A_256 = arith.constant 0 : i32
    %dma_start3A_257 = arith.constant 0 : i32
    %dma_start3A_258 = tpu.memref_slice %arg16[%dma_start3A_256, %dma_start3A_257] : memref<20000x80xf32, #tpu.memory_space<vmem_shared>> -> memref<20000x80xf32, #tpu.memory_space<vmem_shared>>
    tpu.enqueue_indirect_dma source(%dma_start3A_258 : memref<20000x80xf32, #tpu.memory_space<vmem_shared>>) target(%arg15 : memref<128x80xf32, #tpu.memory_space<vmem>>) offsets(%arg14 : memref<128xi32, #tpu.memory_space<vmem>>) semaphore(%arg17 : memref<!tpu.dma_semaphore, #tpu.memory_space<semaphore_mem>>)
    %dma_wait3A_259 = arith.constant 0 : i32
    %dma_wait3A_260 = arith.constant 0 : i32
    %dma_wait3A_261 = tpu.memref_slice %arg16[%dma_wait3A_259, %dma_wait3A_260] : memref<20000x80xf32, #tpu.memory_space<vmem_shared>> -> memref<20000x80xf32, #tpu.memory_space<vmem_shared>>
    tpu.wait_indirect_dma semaphore(%arg17 : memref<!tpu.dma_semaphore, #tpu.memory_space<semaphore_mem>>) src(%dma_wait3A_261 : memref<20000x80xf32, #tpu.memory_space<vmem_shared>>) dst(%arg15 : memref<128x80xf32, #tpu.memory_space<vmem>>)
    %mul3A_262 = arith.constant 16384 : i32
    %mul3A_263 = arith.muli %mul3A_262, %arg0 : i32
    %add3A_264 = arith.constant 40960 : i32
    %add3A_265 = arith.addi %add3A_264, %mul3A_263 : i32
    %add3A_266 = arith.addi %add3A_265, %add3A_255 : i32
    "tpu.region"() ({
      %run_scoped3A = tpu.sem_alloc : memref<!tpu.dma_semaphore, #tpu.memory_space<semaphore_mem>>
      %dma_start3A_298 = arith.constant 0 : i32
      %dma_start3A_299 = tpu.memref_slice %arg10[%add3A_266, %dma_start3A_298] : memref<65536x80xf32, #tpu.memory_space<hbm>> -> memref<128x80xf32, #tpu.memory_space<hbm>>
      %dma_start3A_300 = arith.constant 0 : i32
      %dma_start3A_301 = tpu.memref_slice %arg10[%add3A_266, %dma_start3A_300] : memref<65536x80xf32, #tpu.memory_space<hbm>> -> memref<128x80xf32, #tpu.memory_space<hbm>>
      tpu.enqueue_dma source(%arg15 : memref<128x80xf32, #tpu.memory_space<vmem>>) target(%dma_start3A_301 : memref<128x80xf32, #tpu.memory_space<hbm>>) target_semaphore(%run_scoped3A : memref<!tpu.dma_semaphore, #tpu.memory_space<semaphore_mem>>)
      %dma_wait3A_302 = arith.constant 0 : i32
      %dma_wait3A_303 = tpu.memref_slice %arg10[%add3A_266, %dma_wait3A_302] : memref<65536x80xf32, #tpu.memory_space<hbm>> -> memref<128x80xf32, #tpu.memory_space<hbm>>
      %dma_wait3A_304 = arith.constant 0 : i32
      %dma_wait3A_305 = tpu.memref_slice %arg10[%add3A_266, %dma_wait3A_304] : memref<65536x80xf32, #tpu.memory_space<hbm>> -> memref<128x80xf32, #tpu.memory_space<hbm>>
      tpu.wait_dma2 semaphore(%run_scoped3A : memref<!tpu.dma_semaphore, #tpu.memory_space<semaphore_mem>>) src(%arg15 : memref<128x80xf32, #tpu.memory_space<vmem>>) dst(%dma_wait3A_305 : memref<128x80xf32, #tpu.memory_space<hbm>>)
      tpu.yield
    }) : () -> ()
    %mul3A_267 = arith.constant 512 : i32
    %mul3A_268 = arith.muli %arg1, %mul3A_267 : i32
    %add3A_269 = arith.constant 256 : i32
    %add3A_270 = arith.addi %mul3A_268, %add3A_269 : i32
    "tpu.region"() ({
      %run_scoped3A = tpu.sem_alloc : memref<!tpu.dma_semaphore, #tpu.memory_space<semaphore_mem>>
      %dma_start3A_298 = tpu.memref_slice %arg8[%add3A_270] : memref<8192xi32, #tpu.memory_space<hbm>> -> memref<128xi32, #tpu.memory_space<hbm>>
      %dma_start3A_299 = tpu.memref_slice %arg8[%add3A_270] : memref<8192xi32, #tpu.memory_space<hbm>> -> memref<128xi32, #tpu.memory_space<hbm>>
      tpu.enqueue_dma source(%dma_start3A_299 : memref<128xi32, #tpu.memory_space<hbm>>) target(%arg14 : memref<128xi32, #tpu.memory_space<vmem>>) target_semaphore(%run_scoped3A : memref<!tpu.dma_semaphore, #tpu.memory_space<semaphore_mem>>)
      %dma_wait3A_300 = tpu.memref_slice %arg8[%add3A_270] : memref<8192xi32, #tpu.memory_space<hbm>> -> memref<128xi32, #tpu.memory_space<hbm>>
      %dma_wait3A_301 = tpu.memref_slice %arg8[%add3A_270] : memref<8192xi32, #tpu.memory_space<hbm>> -> memref<128xi32, #tpu.memory_space<hbm>>
      tpu.wait_dma2 semaphore(%run_scoped3A : memref<!tpu.dma_semaphore, #tpu.memory_space<semaphore_mem>>) src(%dma_wait3A_301 : memref<128xi32, #tpu.memory_space<hbm>>) dst(%arg14 : memref<128xi32, #tpu.memory_space<vmem>>)
      tpu.yield
    }) : () -> ()
    %dma_start3A_271 = arith.constant 0 : i32
    %dma_start3A_272 = arith.constant 0 : i32
    %dma_start3A_273 = tpu.memref_slice %arg16[%dma_start3A_271, %dma_start3A_272] : memref<20000x80xf32, #tpu.memory_space<vmem_shared>> -> memref<20000x80xf32, #tpu.memory_space<vmem_shared>>
    tpu.enqueue_indirect_dma source(%dma_start3A_273 : memref<20000x80xf32, #tpu.memory_space<vmem_shared>>) target(%arg15 : memref<128x80xf32, #tpu.memory_space<vmem>>) offsets(%arg14 : memref<128xi32, #tpu.memory_space<vmem>>) semaphore(%arg17 : memref<!tpu.dma_semaphore, #tpu.memory_space<semaphore_mem>>)
    %dma_wait3A_274 = arith.constant 0 : i32
    %dma_wait3A_275 = arith.constant 0 : i32
    %dma_wait3A_276 = tpu.memref_slice %arg16[%dma_wait3A_274, %dma_wait3A_275] : memref<20000x80xf32, #tpu.memory_space<vmem_shared>> -> memref<20000x80xf32, #tpu.memory_space<vmem_shared>>
    tpu.wait_indirect_dma semaphore(%arg17 : memref<!tpu.dma_semaphore, #tpu.memory_space<semaphore_mem>>) src(%dma_wait3A_276 : memref<20000x80xf32, #tpu.memory_space<vmem_shared>>) dst(%arg15 : memref<128x80xf32, #tpu.memory_space<vmem>>)
    %mul3A_277 = arith.constant 16384 : i32
    %mul3A_278 = arith.muli %mul3A_277, %arg0 : i32
    %add3A_279 = arith.constant 40960 : i32
    %add3A_280 = arith.addi %add3A_279, %mul3A_278 : i32
    %add3A_281 = arith.addi %add3A_280, %add3A_270 : i32
    "tpu.region"() ({
      %run_scoped3A = tpu.sem_alloc : memref<!tpu.dma_semaphore, #tpu.memory_space<semaphore_mem>>
      %dma_start3A_298 = arith.constant 0 : i32
      %dma_start3A_299 = tpu.memref_slice %arg10[%add3A_281, %dma_start3A_298] : memref<65536x80xf32, #tpu.memory_space<hbm>> -> memref<128x80xf32, #tpu.memory_space<hbm>>
      %dma_start3A_300 = arith.constant 0 : i32
      %dma_start3A_301 = tpu.memref_slice %arg10[%add3A_281, %dma_start3A_300] : memref<65536x80xf32, #tpu.memory_space<hbm>> -> memref<128x80xf32, #tpu.memory_space<hbm>>
      tpu.enqueue_dma source(%arg15 : memref<128x80xf32, #tpu.memory_space<vmem>>) target(%dma_start3A_301 : memref<128x80xf32, #tpu.memory_space<hbm>>) target_semaphore(%run_scoped3A : memref<!tpu.dma_semaphore, #tpu.memory_space<semaphore_mem>>)
      %dma_wait3A_302 = arith.constant 0 : i32
      %dma_wait3A_303 = tpu.memref_slice %arg10[%add3A_281, %dma_wait3A_302] : memref<65536x80xf32, #tpu.memory_space<hbm>> -> memref<128x80xf32, #tpu.memory_space<hbm>>
      %dma_wait3A_304 = arith.constant 0 : i32
      %dma_wait3A_305 = tpu.memref_slice %arg10[%add3A_281, %dma_wait3A_304] : memref<65536x80xf32, #tpu.memory_space<hbm>> -> memref<128x80xf32, #tpu.memory_space<hbm>>
      tpu.wait_dma2 semaphore(%run_scoped3A : memref<!tpu.dma_semaphore, #tpu.memory_space<semaphore_mem>>) src(%arg15 : memref<128x80xf32, #tpu.memory_space<vmem>>) dst(%dma_wait3A_305 : memref<128x80xf32, #tpu.memory_space<hbm>>)
      tpu.yield
    }) : () -> ()
    %mul3A_282 = arith.constant 512 : i32
    %mul3A_283 = arith.muli %arg1, %mul3A_282 : i32
    %add3A_284 = arith.constant 384 : i32
    %add3A_285 = arith.addi %mul3A_283, %add3A_284 : i32
    "tpu.region"() ({
      %run_scoped3A = tpu.sem_alloc : memref<!tpu.dma_semaphore, #tpu.memory_space<semaphore_mem>>
      %dma_start3A_298 = tpu.memref_slice %arg8[%add3A_285] : memref<8192xi32, #tpu.memory_space<hbm>> -> memref<128xi32, #tpu.memory_space<hbm>>
      %dma_start3A_299 = tpu.memref_slice %arg8[%add3A_285] : memref<8192xi32, #tpu.memory_space<hbm>> -> memref<128xi32, #tpu.memory_space<hbm>>
      tpu.enqueue_dma source(%dma_start3A_299 : memref<128xi32, #tpu.memory_space<hbm>>) target(%arg14 : memref<128xi32, #tpu.memory_space<vmem>>) target_semaphore(%run_scoped3A : memref<!tpu.dma_semaphore, #tpu.memory_space<semaphore_mem>>)
      %dma_wait3A_300 = tpu.memref_slice %arg8[%add3A_285] : memref<8192xi32, #tpu.memory_space<hbm>> -> memref<128xi32, #tpu.memory_space<hbm>>
      %dma_wait3A_301 = tpu.memref_slice %arg8[%add3A_285] : memref<8192xi32, #tpu.memory_space<hbm>> -> memref<128xi32, #tpu.memory_space<hbm>>
      tpu.wait_dma2 semaphore(%run_scoped3A : memref<!tpu.dma_semaphore, #tpu.memory_space<semaphore_mem>>) src(%dma_wait3A_301 : memref<128xi32, #tpu.memory_space<hbm>>) dst(%arg14 : memref<128xi32, #tpu.memory_space<vmem>>)
      tpu.yield
    }) : () -> ()
    %dma_start3A_286 = arith.constant 0 : i32
    %dma_start3A_287 = arith.constant 0 : i32
    %dma_start3A_288 = tpu.memref_slice %arg16[%dma_start3A_286, %dma_start3A_287] : memref<20000x80xf32, #tpu.memory_space<vmem_shared>> -> memref<20000x80xf32, #tpu.memory_space<vmem_shared>>
    tpu.enqueue_indirect_dma source(%dma_start3A_288 : memref<20000x80xf32, #tpu.memory_space<vmem_shared>>) target(%arg15 : memref<128x80xf32, #tpu.memory_space<vmem>>) offsets(%arg14 : memref<128xi32, #tpu.memory_space<vmem>>) semaphore(%arg17 : memref<!tpu.dma_semaphore, #tpu.memory_space<semaphore_mem>>)
    %dma_wait3A_289 = arith.constant 0 : i32
    %dma_wait3A_290 = arith.constant 0 : i32
    %dma_wait3A_291 = tpu.memref_slice %arg16[%dma_wait3A_289, %dma_wait3A_290] : memref<20000x80xf32, #tpu.memory_space<vmem_shared>> -> memref<20000x80xf32, #tpu.memory_space<vmem_shared>>
    tpu.wait_indirect_dma semaphore(%arg17 : memref<!tpu.dma_semaphore, #tpu.memory_space<semaphore_mem>>) src(%dma_wait3A_291 : memref<20000x80xf32, #tpu.memory_space<vmem_shared>>) dst(%arg15 : memref<128x80xf32, #tpu.memory_space<vmem>>)
    %mul3A_292 = arith.constant 16384 : i32
    %mul3A_293 = arith.muli %mul3A_292, %arg0 : i32
    %add3A_294 = arith.constant 40960 : i32
    %add3A_295 = arith.addi %add3A_294, %mul3A_293 : i32
    %add3A_296 = arith.addi %add3A_295, %add3A_285 : i32
    "tpu.region"() ({
      %run_scoped3A = tpu.sem_alloc : memref<!tpu.dma_semaphore, #tpu.memory_space<semaphore_mem>>
      %dma_start3A_298 = arith.constant 0 : i32
      %dma_start3A_299 = tpu.memref_slice %arg10[%add3A_296, %dma_start3A_298] : memref<65536x80xf32, #tpu.memory_space<hbm>> -> memref<128x80xf32, #tpu.memory_space<hbm>>
      %dma_start3A_300 = arith.constant 0 : i32
      %dma_start3A_301 = tpu.memref_slice %arg10[%add3A_296, %dma_start3A_300] : memref<65536x80xf32, #tpu.memory_space<hbm>> -> memref<128x80xf32, #tpu.memory_space<hbm>>
      tpu.enqueue_dma source(%arg15 : memref<128x80xf32, #tpu.memory_space<vmem>>) target(%dma_start3A_301 : memref<128x80xf32, #tpu.memory_space<hbm>>) target_semaphore(%run_scoped3A : memref<!tpu.dma_semaphore, #tpu.memory_space<semaphore_mem>>)
      %dma_wait3A_302 = arith.constant 0 : i32
      %dma_wait3A_303 = tpu.memref_slice %arg10[%add3A_296, %dma_wait3A_302] : memref<65536x80xf32, #tpu.memory_space<hbm>> -> memref<128x80xf32, #tpu.memory_space<hbm>>
      %dma_wait3A_304 = arith.constant 0 : i32
      %dma_wait3A_305 = tpu.memref_slice %arg10[%add3A_296, %dma_wait3A_304] : memref<65536x80xf32, #tpu.memory_space<hbm>> -> memref<128x80xf32, #tpu.memory_space<hbm>>
      tpu.wait_dma2 semaphore(%run_scoped3A : memref<!tpu.dma_semaphore, #tpu.memory_space<semaphore_mem>>) src(%arg15 : memref<128x80xf32, #tpu.memory_space<vmem>>) dst(%dma_wait3A_305 : memref<128x80xf32, #tpu.memory_space<hbm>>)
      tpu.yield
    }) : () -> ()
    %barrier3A_297 = arith.constant 0 : index
    tpu.barrier barrier_id(%barrier3A_297)
    return
  }
}

module attributes {stable_mosaic.version = 14 : i64} {
  func.func @_k1_body(%arg0: i32, %arg1: memref<1000x256xf32, #tpu.memory_space<vmem>>, %arg2: memref<64x256xf32, #tpu.memory_space<vmem>>, %arg3: memref<1x64xf32, #tpu.memory_space<vmem>>, %arg4: memref<8x64xf32, #tpu.memory_space<vmem>>, %arg5: memref<1000x64xf32, #tpu.memory_space<vmem>>, %arg6: memref<1000x8xf32, #tpu.memory_space<vmem>>) attributes {dimension_semantics = [#tpu.dimension_semantics<arbitrary>], iteration_bounds = array<i64: 100>, scalar_prefetch = 0 : i64, scratch_operands = 0 : i64, tpu.core_type = #tpu.core_type<tc>, window_params = [{transform_indices = @transform_0, window_bounds = array<i64: 1000, 256>}, {pipeline_mode = #tpu.pipeline_mode<synchronous>, transform_indices = @transform_1, window_bounds = array<i64: 64, 256>}, {pipeline_mode = #tpu.pipeline_mode<synchronous>, transform_indices = @transform_2, window_bounds = array<i64: 1, 64>}, {pipeline_mode = #tpu.pipeline_mode<synchronous>, transform_indices = @transform_3, window_bounds = array<i64: 8, 64>}, {transform_indices = @transform_4, window_bounds = array<i64: 1000, 64>}, {transform_indices = @transform_5, window_bounds = array<i64: 1000, 8>}]} {
    %get3A = arith.constant 0 : index
    %get3A_0 = arith.constant 0 : index
    %get3A_1 = vector.load %arg1[%get3A, %get3A_0] : memref<1000x256xf32, #tpu.memory_space<vmem>>, vector<1000x256xf32>
    %get3A_2 = arith.constant 0 : index
    %get3A_3 = arith.constant 0 : index
    %get3A_4 = vector.load %arg2[%get3A_2, %get3A_3] : memref<64x256xf32, #tpu.memory_space<vmem>>, vector<64x256xf32>
    %transpose3A = tpu.transpose %get3A_4, [1, 0] : vector<64x256xf32> -> vector<256x64xf32>
    %dot_general3A = arith.constant dense<0.000000e+00> : vector<1000x64xf32>
    %dot_general3A_5 = tpu.matmul %get3A_1, %transpose3A, %dot_general3A {dimension_numbers = #tpu.dot_dimension_numbers<[1], [0], [0], [1], [0, 0, 1, 1], [], []>, transpose_lhs_hint = false} : vector<1000x256xf32>, vector<256x64xf32>, vector<1000x64xf32> -> vector<1000x64xf32>
    %get3A_6 = arith.constant 0 : index
    %get3A_7 = arith.constant 0 : index
    %get3A_8 = vector.load %arg3[%get3A_6, %get3A_7] : memref<1x64xf32, #tpu.memory_space<vmem>>, vector<1x64xf32>
    %add3A = vector.broadcast %get3A_8 : vector<1x64xf32> to vector<1000x64xf32>
    %add3A_9 = arith.addf %dot_general3A_5, %add3A : vector<1000x64xf32>
    %swap3A = arith.constant 0 : index
    %swap3A_10 = arith.constant 0 : index
    %swap3A_11 = vector.load %arg5[%swap3A, %swap3A_10] : memref<1000x64xf32, #tpu.memory_space<vmem>>, vector<1000x64xf32>
    tpu.vector_store %arg5[%swap3A, %swap3A_10], %add3A_9 {strides = array<i32>} : memref<1000x64xf32, #tpu.memory_space<vmem>>, vector<1000x64xf32>,
    %get3A_12 = arith.constant 0 : index
    %get3A_13 = arith.constant 0 : index
    %get3A_14 = vector.load %arg4[%get3A_12, %get3A_13] : memref<8x64xf32, #tpu.memory_space<vmem>>, vector<8x64xf32>
    %transpose3A_15 = tpu.transpose %get3A_14, [1, 0] : vector<8x64xf32> -> vector<64x8xf32>
    %dot_general3A_16 = arith.constant dense<0.000000e+00> : vector<1000x8xf32>
    %dot_general3A_17 = tpu.matmul %add3A_9, %transpose3A_15, %dot_general3A_16 {dimension_numbers = #tpu.dot_dimension_numbers<[1], [0], [0], [1], [0, 0, 1, 1], [], []>, transpose_lhs_hint = false} : vector<1000x64xf32>, vector<64x8xf32>, vector<1000x8xf32> -> vector<1000x8xf32>
    %ge3A = arith.constant 0.000000e+00 : f32
    %ge3A_18 = vector.broadcast %ge3A : f32 to vector<1000x8xf32>
    %ge3A_19 = arith.cmpf oge, %dot_general3A_17, %ge3A_18 : vector<1000x8xf32>
    %mul3A = arith.constant 0.00999999977 : f32
    %mul3A_20 = vector.broadcast %mul3A : f32 to vector<1000x8xf32>
    %mul3A_21 = arith.mulf %mul3A_20, %dot_general3A_17 : vector<1000x8xf32>
    %select_n3A = arith.select %ge3A_19, %dot_general3A_17, %mul3A_21 : vector<1000x8xi1>, vector<1000x8xf32>
    %swap3A_22 = arith.constant 0 : index
    %swap3A_23 = arith.constant 0 : index
    %swap3A_24 = vector.load %arg6[%swap3A_22, %swap3A_23] : memref<1000x8xf32, #tpu.memory_space<vmem>>, vector<1000x8xf32>
    tpu.vector_store %arg6[%swap3A_22, %swap3A_23], %select_n3A {strides = array<i32>} : memref<1000x8xf32, #tpu.memory_space<vmem>>, vector<1000x8xf32>,
    return
  }
  func.func @transform_0(%arg0: i32) -> (i32, i32) {
    %c0_i32 = arith.constant 0 : i32
    %c0_i32_0 = arith.constant 0 : i32
    return %arg0, %c0_i32 : i32, i32
  }
  func.func @transform_1(%arg0: i32) -> (i32, i32) {
    %c0_i32 = arith.constant 0 : i32
    %c0_i32_0 = arith.constant 0 : i32
    %c0_i32_1 = arith.constant 0 : i32
    return %c0_i32, %c0_i32_0 : i32, i32
  }
  func.func @transform_2(%arg0: i32) -> (i32, i32) {
    %c0_i32 = arith.constant 0 : i32
    %c0_i32_0 = arith.constant 0 : i32
    %c0_i32_1 = arith.constant 0 : i32
    return %c0_i32, %c0_i32_0 : i32, i32
  }
  func.func @transform_3(%arg0: i32) -> (i32, i32) {
    %c0_i32 = arith.constant 0 : i32
    %c0_i32_0 = arith.constant 0 : i32
    %c0_i32_1 = arith.constant 0 : i32
    return %c0_i32, %c0_i32_0 : i32, i32
  }
  func.func @transform_4(%arg0: i32) -> (i32, i32) {
    %c0_i32 = arith.constant 0 : i32
    %c0_i32_0 = arith.constant 0 : i32
    return %arg0, %c0_i32 : i32, i32
  }
  func.func @transform_5(%arg0: i32) -> (i32, i32) {
    %c0_i32 = arith.constant 0 : i32
    %c0_i32_0 = arith.constant 0 : i32
    return %arg0, %c0_i32 : i32, i32
  }
}

module attributes {stable_mosaic.version = 14 : i64} {
  func.func @_k2_body(%arg0: i32, %arg1: memref<1000x64xf32, #tpu.memory_space<vmem>>, %arg2: memref<1000x8xf32, #tpu.memory_space<vmem>>, %arg3: memref<1x8xf32, #tpu.memory_space<vmem>>, %arg4: memref<8x1000x80xf32, #tpu.memory_space<vmem>>) attributes {dimension_semantics = [#tpu.dimension_semantics<arbitrary>], iteration_bounds = array<i64: 100>, scalar_prefetch = 0 : i64, scratch_operands = 0 : i64, tpu.core_type = #tpu.core_type<tc>, window_params = [{transform_indices = @transform_0, window_bounds = array<i64: 1000, 64>}, {transform_indices = @transform_1, window_bounds = array<i64: 1000, 8>}, {pipeline_mode = #tpu.pipeline_mode<synchronous>, transform_indices = @transform_2, window_bounds = array<i64: 1, 8>}, {transform_indices = @transform_3, window_bounds = array<i64: 8, 1000, 80>}]} {
    %get3A = arith.constant 0 : index
    %get3A_0 = arith.constant 0 : index
    %get3A_1 = vector.load %arg1[%get3A, %get3A_0] : memref<1000x64xf32, #tpu.memory_space<vmem>>, vector<1000x64xf32>
    %get3A_2 = arith.constant 0 : index
    %get3A_3 = arith.constant 0 : index
    %get3A_4 = vector.load %arg2[%get3A_2, %get3A_3] : memref<1000x8xf32, #tpu.memory_space<vmem>>, vector<1000x1xf32>
    %get3A_5 = arith.constant 0 : index
    %get3A_6 = arith.constant 0 : index
    %get3A_7 = vector.load %arg3[%get3A_5, %get3A_6] : memref<1x8xf32, #tpu.memory_space<vmem>>, vector<1x1xf32>
    %get3A_8 = vector.extract %get3A_7[0, 0] : f32 from vector<1x1xf32>
    %sub3A = vector.broadcast %get3A_8 : f32 to vector<1000x1xf32>
    %sub3A_9 = arith.subf %get3A_4, %sub3A : vector<1000x1xf32>
    %exp3A = math.exp %sub3A_9 : vector<1000x1xf32>
    %mul3A = vector.broadcast %exp3A : vector<1000x1xf32> to vector<1000x64xf32>
    %mul3A_10 = arith.mulf %mul3A, %get3A_1 : vector<1000x64xf32>
    %swap3A = arith.constant 0 : index
    %swap3A_11 = arith.constant 0 : index
    %swap3A_12 = arith.constant 0 : index
    %swap3A_13 = vector.load %arg4[%swap3A, %swap3A_11, %swap3A_12] : memref<8x1000x80xf32, #tpu.memory_space<vmem>>, vector<1x1000x64xf32>
    %swap3A_14 = vector.shape_cast %swap3A_13 : vector<1x1000x64xf32> to vector<1000x64xf32>
    %swap3A_15 = vector.shape_cast %mul3A_10 : vector<1000x64xf32> to vector<1x1000x64xf32>
    tpu.vector_store %arg4[%swap3A, %swap3A_11, %swap3A_12], %swap3A_15 {strides = array<i32>} : memref<8x1000x80xf32, #tpu.memory_space<vmem>>, vector<1x1000x64xf32>,
    %swap3A_16 = arith.constant 0 : index
    %swap3A_17 = arith.constant 0 : index
    %swap3A_18 = arith.constant 64 : index
    %swap3A_19 = vector.load %arg4[%swap3A_16, %swap3A_17, %swap3A_18] : memref<8x1000x80xf32, #tpu.memory_space<vmem>>, vector<1x1000x1xf32>
    %swap3A_20 = vector.shape_cast %swap3A_19 : vector<1x1000x1xf32> to vector<1000x1xf32>
    %swap3A_21 = vector.shape_cast %exp3A : vector<1000x1xf32> to vector<1x1000x1xf32>
    tpu.vector_store %arg4[%swap3A_16, %swap3A_17, %swap3A_18], %swap3A_21 {strides = array<i32>} : memref<8x1000x80xf32, #tpu.memory_space<vmem>>, vector<1x1000x1xf32>,
    %broadcast_in_dim3A = arith.constant 0.000000e+00 : f32
    %broadcast_in_dim3A_22 = vector.broadcast %broadcast_in_dim3A : f32 to vector<1000x15xf32>
    %swap3A_23 = arith.constant 0 : index
    %swap3A_24 = arith.constant 0 : index
    %swap3A_25 = arith.constant 65 : index
    %swap3A_26 = vector.load %arg4[%swap3A_23, %swap3A_24, %swap3A_25] : memref<8x1000x80xf32, #tpu.memory_space<vmem>>, vector<1x1000x15xf32>
    %swap3A_27 = vector.shape_cast %swap3A_26 : vector<1x1000x15xf32> to vector<1000x15xf32>
    %swap3A_28 = vector.shape_cast %broadcast_in_dim3A_22 : vector<1000x15xf32> to vector<1x1000x15xf32>
    tpu.vector_store %arg4[%swap3A_23, %swap3A_24, %swap3A_25], %swap3A_28 {strides = array<i32>} : memref<8x1000x80xf32, #tpu.memory_space<vmem>>, vector<1x1000x15xf32>,
    %get3A_29 = arith.constant 0 : index
    %get3A_30 = arith.constant 1 : index
    %get3A_31 = vector.load %arg2[%get3A_29, %get3A_30] : memref<1000x8xf32, #tpu.memory_space<vmem>>, vector<1000x1xf32>
    %get3A_32 = arith.constant 0 : index
    %get3A_33 = arith.constant 1 : index
    %get3A_34 = vector.load %arg3[%get3A_32, %get3A_33] : memref<1x8xf32, #tpu.memory_space<vmem>>, vector<1x1xf32>
    %get3A_35 = vector.extract %get3A_34[0, 0] : f32 from vector<1x1xf32>
    %sub3A_36 = vector.broadcast %get3A_35 : f32 to vector<1000x1xf32>
    %sub3A_37 = arith.subf %get3A_31, %sub3A_36 : vector<1000x1xf32>
    %exp3A_38 = math.exp %sub3A_37 : vector<1000x1xf32>
    %mul3A_39 = vector.broadcast %exp3A_38 : vector<1000x1xf32> to vector<1000x64xf32>
    %mul3A_40 = arith.mulf %mul3A_39, %get3A_1 : vector<1000x64xf32>
    %swap3A_41 = arith.constant 1 : index
    %swap3A_42 = arith.constant 0 : index
    %swap3A_43 = arith.constant 0 : index
    %swap3A_44 = vector.load %arg4[%swap3A_41, %swap3A_42, %swap3A_43] : memref<8x1000x80xf32, #tpu.memory_space<vmem>>, vector<1x1000x64xf32>
    %swap3A_45 = vector.shape_cast %swap3A_44 : vector<1x1000x64xf32> to vector<1000x64xf32>
    %swap3A_46 = vector.shape_cast %mul3A_40 : vector<1000x64xf32> to vector<1x1000x64xf32>
    tpu.vector_store %arg4[%swap3A_41, %swap3A_42, %swap3A_43], %swap3A_46 {strides = array<i32>} : memref<8x1000x80xf32, #tpu.memory_space<vmem>>, vector<1x1000x64xf32>,
    %swap3A_47 = arith.constant 1 : index
    %swap3A_48 = arith.constant 0 : index
    %swap3A_49 = arith.constant 64 : index
    %swap3A_50 = vector.load %arg4[%swap3A_47, %swap3A_48, %swap3A_49] : memref<8x1000x80xf32, #tpu.memory_space<vmem>>, vector<1x1000x1xf32>
    %swap3A_51 = vector.shape_cast %swap3A_50 : vector<1x1000x1xf32> to vector<1000x1xf32>
    %swap3A_52 = vector.shape_cast %exp3A_38 : vector<1000x1xf32> to vector<1x1000x1xf32>
    tpu.vector_store %arg4[%swap3A_47, %swap3A_48, %swap3A_49], %swap3A_52 {strides = array<i32>} : memref<8x1000x80xf32, #tpu.memory_space<vmem>>, vector<1x1000x1xf32>,
    %broadcast_in_dim3A_53 = arith.constant 0.000000e+00 : f32
    %broadcast_in_dim3A_54 = vector.broadcast %broadcast_in_dim3A_53 : f32 to vector<1000x15xf32>
    %swap3A_55 = arith.constant 1 : index
    %swap3A_56 = arith.constant 0 : index
    %swap3A_57 = arith.constant 65 : index
    %swap3A_58 = vector.load %arg4[%swap3A_55, %swap3A_56, %swap3A_57] : memref<8x1000x80xf32, #tpu.memory_space<vmem>>, vector<1x1000x15xf32>
    %swap3A_59 = vector.shape_cast %swap3A_58 : vector<1x1000x15xf32> to vector<1000x15xf32>
    %swap3A_60 = vector.shape_cast %broadcast_in_dim3A_54 : vector<1000x15xf32> to vector<1x1000x15xf32>
    tpu.vector_store %arg4[%swap3A_55, %swap3A_56, %swap3A_57], %swap3A_60 {strides = array<i32>} : memref<8x1000x80xf32, #tpu.memory_space<vmem>>, vector<1x1000x15xf32>,
    %get3A_61 = arith.constant 0 : index
    %get3A_62 = arith.constant 2 : index
    %get3A_63 = vector.load %arg2[%get3A_61, %get3A_62] : memref<1000x8xf32, #tpu.memory_space<vmem>>, vector<1000x1xf32>
    %get3A_64 = arith.constant 0 : index
    %get3A_65 = arith.constant 2 : index
    %get3A_66 = vector.load %arg3[%get3A_64, %get3A_65] : memref<1x8xf32, #tpu.memory_space<vmem>>, vector<1x1xf32>
    %get3A_67 = vector.extract %get3A_66[0, 0] : f32 from vector<1x1xf32>
    %sub3A_68 = vector.broadcast %get3A_67 : f32 to vector<1000x1xf32>
    %sub3A_69 = arith.subf %get3A_63, %sub3A_68 : vector<1000x1xf32>
    %exp3A_70 = math.exp %sub3A_69 : vector<1000x1xf32>
    %mul3A_71 = vector.broadcast %exp3A_70 : vector<1000x1xf32> to vector<1000x64xf32>
    %mul3A_72 = arith.mulf %mul3A_71, %get3A_1 : vector<1000x64xf32>
    %swap3A_73 = arith.constant 2 : index
    %swap3A_74 = arith.constant 0 : index
    %swap3A_75 = arith.constant 0 : index
    %swap3A_76 = vector.load %arg4[%swap3A_73, %swap3A_74, %swap3A_75] : memref<8x1000x80xf32, #tpu.memory_space<vmem>>, vector<1x1000x64xf32>
    %swap3A_77 = vector.shape_cast %swap3A_76 : vector<1x1000x64xf32> to vector<1000x64xf32>
    %swap3A_78 = vector.shape_cast %mul3A_72 : vector<1000x64xf32> to vector<1x1000x64xf32>
    tpu.vector_store %arg4[%swap3A_73, %swap3A_74, %swap3A_75], %swap3A_78 {strides = array<i32>} : memref<8x1000x80xf32, #tpu.memory_space<vmem>>, vector<1x1000x64xf32>,
    %swap3A_79 = arith.constant 2 : index
    %swap3A_80 = arith.constant 0 : index
    %swap3A_81 = arith.constant 64 : index
    %swap3A_82 = vector.load %arg4[%swap3A_79, %swap3A_80, %swap3A_81] : memref<8x1000x80xf32, #tpu.memory_space<vmem>>, vector<1x1000x1xf32>
    %swap3A_83 = vector.shape_cast %swap3A_82 : vector<1x1000x1xf32> to vector<1000x1xf32>
    %swap3A_84 = vector.shape_cast %exp3A_70 : vector<1000x1xf32> to vector<1x1000x1xf32>
    tpu.vector_store %arg4[%swap3A_79, %swap3A_80, %swap3A_81], %swap3A_84 {strides = array<i32>} : memref<8x1000x80xf32, #tpu.memory_space<vmem>>, vector<1x1000x1xf32>,
    %broadcast_in_dim3A_85 = arith.constant 0.000000e+00 : f32
    %broadcast_in_dim3A_86 = vector.broadcast %broadcast_in_dim3A_85 : f32 to vector<1000x15xf32>
    %swap3A_87 = arith.constant 2 : index
    %swap3A_88 = arith.constant 0 : index
    %swap3A_89 = arith.constant 65 : index
    %swap3A_90 = vector.load %arg4[%swap3A_87, %swap3A_88, %swap3A_89] : memref<8x1000x80xf32, #tpu.memory_space<vmem>>, vector<1x1000x15xf32>
    %swap3A_91 = vector.shape_cast %swap3A_90 : vector<1x1000x15xf32> to vector<1000x15xf32>
    %swap3A_92 = vector.shape_cast %broadcast_in_dim3A_86 : vector<1000x15xf32> to vector<1x1000x15xf32>
    tpu.vector_store %arg4[%swap3A_87, %swap3A_88, %swap3A_89], %swap3A_92 {strides = array<i32>} : memref<8x1000x80xf32, #tpu.memory_space<vmem>>, vector<1x1000x15xf32>,
    %get3A_93 = arith.constant 0 : index
    %get3A_94 = arith.constant 3 : index
    %get3A_95 = vector.load %arg2[%get3A_93, %get3A_94] : memref<1000x8xf32, #tpu.memory_space<vmem>>, vector<1000x1xf32>
    %get3A_96 = arith.constant 0 : index
    %get3A_97 = arith.constant 3 : index
    %get3A_98 = vector.load %arg3[%get3A_96, %get3A_97] : memref<1x8xf32, #tpu.memory_space<vmem>>, vector<1x1xf32>
    %get3A_99 = vector.extract %get3A_98[0, 0] : f32 from vector<1x1xf32>
    %sub3A_100 = vector.broadcast %get3A_99 : f32 to vector<1000x1xf32>
    %sub3A_101 = arith.subf %get3A_95, %sub3A_100 : vector<1000x1xf32>
    %exp3A_102 = math.exp %sub3A_101 : vector<1000x1xf32>
    %mul3A_103 = vector.broadcast %exp3A_102 : vector<1000x1xf32> to vector<1000x64xf32>
    %mul3A_104 = arith.mulf %mul3A_103, %get3A_1 : vector<1000x64xf32>
    %swap3A_105 = arith.constant 3 : index
    %swap3A_106 = arith.constant 0 : index
    %swap3A_107 = arith.constant 0 : index
    %swap3A_108 = vector.load %arg4[%swap3A_105, %swap3A_106, %swap3A_107] : memref<8x1000x80xf32, #tpu.memory_space<vmem>>, vector<1x1000x64xf32>
    %swap3A_109 = vector.shape_cast %swap3A_108 : vector<1x1000x64xf32> to vector<1000x64xf32>
    %swap3A_110 = vector.shape_cast %mul3A_104 : vector<1000x64xf32> to vector<1x1000x64xf32>
    tpu.vector_store %arg4[%swap3A_105, %swap3A_106, %swap3A_107], %swap3A_110 {strides = array<i32>} : memref<8x1000x80xf32, #tpu.memory_space<vmem>>, vector<1x1000x64xf32>,
    %swap3A_111 = arith.constant 3 : index
    %swap3A_112 = arith.constant 0 : index
    %swap3A_113 = arith.constant 64 : index
    %swap3A_114 = vector.load %arg4[%swap3A_111, %swap3A_112, %swap3A_113] : memref<8x1000x80xf32, #tpu.memory_space<vmem>>, vector<1x1000x1xf32>
    %swap3A_115 = vector.shape_cast %swap3A_114 : vector<1x1000x1xf32> to vector<1000x1xf32>
    %swap3A_116 = vector.shape_cast %exp3A_102 : vector<1000x1xf32> to vector<1x1000x1xf32>
    tpu.vector_store %arg4[%swap3A_111, %swap3A_112, %swap3A_113], %swap3A_116 {strides = array<i32>} : memref<8x1000x80xf32, #tpu.memory_space<vmem>>, vector<1x1000x1xf32>,
    %broadcast_in_dim3A_117 = arith.constant 0.000000e+00 : f32
    %broadcast_in_dim3A_118 = vector.broadcast %broadcast_in_dim3A_117 : f32 to vector<1000x15xf32>
    %swap3A_119 = arith.constant 3 : index
    %swap3A_120 = arith.constant 0 : index
    %swap3A_121 = arith.constant 65 : index
    %swap3A_122 = vector.load %arg4[%swap3A_119, %swap3A_120, %swap3A_121] : memref<8x1000x80xf32, #tpu.memory_space<vmem>>, vector<1x1000x15xf32>
    %swap3A_123 = vector.shape_cast %swap3A_122 : vector<1x1000x15xf32> to vector<1000x15xf32>
    %swap3A_124 = vector.shape_cast %broadcast_in_dim3A_118 : vector<1000x15xf32> to vector<1x1000x15xf32>
    tpu.vector_store %arg4[%swap3A_119, %swap3A_120, %swap3A_121], %swap3A_124 {strides = array<i32>} : memref<8x1000x80xf32, #tpu.memory_space<vmem>>, vector<1x1000x15xf32>,
    %get3A_125 = arith.constant 0 : index
    %get3A_126 = arith.constant 4 : index
    %get3A_127 = vector.load %arg2[%get3A_125, %get3A_126] : memref<1000x8xf32, #tpu.memory_space<vmem>>, vector<1000x1xf32>
    %get3A_128 = arith.constant 0 : index
    %get3A_129 = arith.constant 4 : index
    %get3A_130 = vector.load %arg3[%get3A_128, %get3A_129] : memref<1x8xf32, #tpu.memory_space<vmem>>, vector<1x1xf32>
    %get3A_131 = vector.extract %get3A_130[0, 0] : f32 from vector<1x1xf32>
    %sub3A_132 = vector.broadcast %get3A_131 : f32 to vector<1000x1xf32>
    %sub3A_133 = arith.subf %get3A_127, %sub3A_132 : vector<1000x1xf32>
    %exp3A_134 = math.exp %sub3A_133 : vector<1000x1xf32>
    %mul3A_135 = vector.broadcast %exp3A_134 : vector<1000x1xf32> to vector<1000x64xf32>
    %mul3A_136 = arith.mulf %mul3A_135, %get3A_1 : vector<1000x64xf32>
    %swap3A_137 = arith.constant 4 : index
    %swap3A_138 = arith.constant 0 : index
    %swap3A_139 = arith.constant 0 : index
    %swap3A_140 = vector.load %arg4[%swap3A_137, %swap3A_138, %swap3A_139] : memref<8x1000x80xf32, #tpu.memory_space<vmem>>, vector<1x1000x64xf32>
    %swap3A_141 = vector.shape_cast %swap3A_140 : vector<1x1000x64xf32> to vector<1000x64xf32>
    %swap3A_142 = vector.shape_cast %mul3A_136 : vector<1000x64xf32> to vector<1x1000x64xf32>
    tpu.vector_store %arg4[%swap3A_137, %swap3A_138, %swap3A_139], %swap3A_142 {strides = array<i32>} : memref<8x1000x80xf32, #tpu.memory_space<vmem>>, vector<1x1000x64xf32>,
    %swap3A_143 = arith.constant 4 : index
    %swap3A_144 = arith.constant 0 : index
    %swap3A_145 = arith.constant 64 : index
    %swap3A_146 = vector.load %arg4[%swap3A_143, %swap3A_144, %swap3A_145] : memref<8x1000x80xf32, #tpu.memory_space<vmem>>, vector<1x1000x1xf32>
    %swap3A_147 = vector.shape_cast %swap3A_146 : vector<1x1000x1xf32> to vector<1000x1xf32>
    %swap3A_148 = vector.shape_cast %exp3A_134 : vector<1000x1xf32> to vector<1x1000x1xf32>
    tpu.vector_store %arg4[%swap3A_143, %swap3A_144, %swap3A_145], %swap3A_148 {strides = array<i32>} : memref<8x1000x80xf32, #tpu.memory_space<vmem>>, vector<1x1000x1xf32>,
    %broadcast_in_dim3A_149 = arith.constant 0.000000e+00 : f32
    %broadcast_in_dim3A_150 = vector.broadcast %broadcast_in_dim3A_149 : f32 to vector<1000x15xf32>
    %swap3A_151 = arith.constant 4 : index
    %swap3A_152 = arith.constant 0 : index
    %swap3A_153 = arith.constant 65 : index
    %swap3A_154 = vector.load %arg4[%swap3A_151, %swap3A_152, %swap3A_153] : memref<8x1000x80xf32, #tpu.memory_space<vmem>>, vector<1x1000x15xf32>
    %swap3A_155 = vector.shape_cast %swap3A_154 : vector<1x1000x15xf32> to vector<1000x15xf32>
    %swap3A_156 = vector.shape_cast %broadcast_in_dim3A_150 : vector<1000x15xf32> to vector<1x1000x15xf32>
    tpu.vector_store %arg4[%swap3A_151, %swap3A_152, %swap3A_153], %swap3A_156 {strides = array<i32>} : memref<8x1000x80xf32, #tpu.memory_space<vmem>>, vector<1x1000x15xf32>,
    %get3A_157 = arith.constant 0 : index
    %get3A_158 = arith.constant 5 : index
    %get3A_159 = vector.load %arg2[%get3A_157, %get3A_158] : memref<1000x8xf32, #tpu.memory_space<vmem>>, vector<1000x1xf32>
    %get3A_160 = arith.constant 0 : index
    %get3A_161 = arith.constant 5 : index
    %get3A_162 = vector.load %arg3[%get3A_160, %get3A_161] : memref<1x8xf32, #tpu.memory_space<vmem>>, vector<1x1xf32>
    %get3A_163 = vector.extract %get3A_162[0, 0] : f32 from vector<1x1xf32>
    %sub3A_164 = vector.broadcast %get3A_163 : f32 to vector<1000x1xf32>
    %sub3A_165 = arith.subf %get3A_159, %sub3A_164 : vector<1000x1xf32>
    %exp3A_166 = math.exp %sub3A_165 : vector<1000x1xf32>
    %mul3A_167 = vector.broadcast %exp3A_166 : vector<1000x1xf32> to vector<1000x64xf32>
    %mul3A_168 = arith.mulf %mul3A_167, %get3A_1 : vector<1000x64xf32>
    %swap3A_169 = arith.constant 5 : index
    %swap3A_170 = arith.constant 0 : index
    %swap3A_171 = arith.constant 0 : index
    %swap3A_172 = vector.load %arg4[%swap3A_169, %swap3A_170, %swap3A_171] : memref<8x1000x80xf32, #tpu.memory_space<vmem>>, vector<1x1000x64xf32>
    %swap3A_173 = vector.shape_cast %swap3A_172 : vector<1x1000x64xf32> to vector<1000x64xf32>
    %swap3A_174 = vector.shape_cast %mul3A_168 : vector<1000x64xf32> to vector<1x1000x64xf32>
    tpu.vector_store %arg4[%swap3A_169, %swap3A_170, %swap3A_171], %swap3A_174 {strides = array<i32>} : memref<8x1000x80xf32, #tpu.memory_space<vmem>>, vector<1x1000x64xf32>,
    %swap3A_175 = arith.constant 5 : index
    %swap3A_176 = arith.constant 0 : index
    %swap3A_177 = arith.constant 64 : index
    %swap3A_178 = vector.load %arg4[%swap3A_175, %swap3A_176, %swap3A_177] : memref<8x1000x80xf32, #tpu.memory_space<vmem>>, vector<1x1000x1xf32>
    %swap3A_179 = vector.shape_cast %swap3A_178 : vector<1x1000x1xf32> to vector<1000x1xf32>
    %swap3A_180 = vector.shape_cast %exp3A_166 : vector<1000x1xf32> to vector<1x1000x1xf32>
    tpu.vector_store %arg4[%swap3A_175, %swap3A_176, %swap3A_177], %swap3A_180 {strides = array<i32>} : memref<8x1000x80xf32, #tpu.memory_space<vmem>>, vector<1x1000x1xf32>,
    %broadcast_in_dim3A_181 = arith.constant 0.000000e+00 : f32
    %broadcast_in_dim3A_182 = vector.broadcast %broadcast_in_dim3A_181 : f32 to vector<1000x15xf32>
    %swap3A_183 = arith.constant 5 : index
    %swap3A_184 = arith.constant 0 : index
    %swap3A_185 = arith.constant 65 : index
    %swap3A_186 = vector.load %arg4[%swap3A_183, %swap3A_184, %swap3A_185] : memref<8x1000x80xf32, #tpu.memory_space<vmem>>, vector<1x1000x15xf32>
    %swap3A_187 = vector.shape_cast %swap3A_186 : vector<1x1000x15xf32> to vector<1000x15xf32>
    %swap3A_188 = vector.shape_cast %broadcast_in_dim3A_182 : vector<1000x15xf32> to vector<1x1000x15xf32>
    tpu.vector_store %arg4[%swap3A_183, %swap3A_184, %swap3A_185], %swap3A_188 {strides = array<i32>} : memref<8x1000x80xf32, #tpu.memory_space<vmem>>, vector<1x1000x15xf32>,
    %get3A_189 = arith.constant 0 : index
    %get3A_190 = arith.constant 6 : index
    %get3A_191 = vector.load %arg2[%get3A_189, %get3A_190] : memref<1000x8xf32, #tpu.memory_space<vmem>>, vector<1000x1xf32>
    %get3A_192 = arith.constant 0 : index
    %get3A_193 = arith.constant 6 : index
    %get3A_194 = vector.load %arg3[%get3A_192, %get3A_193] : memref<1x8xf32, #tpu.memory_space<vmem>>, vector<1x1xf32>
    %get3A_195 = vector.extract %get3A_194[0, 0] : f32 from vector<1x1xf32>
    %sub3A_196 = vector.broadcast %get3A_195 : f32 to vector<1000x1xf32>
    %sub3A_197 = arith.subf %get3A_191, %sub3A_196 : vector<1000x1xf32>
    %exp3A_198 = math.exp %sub3A_197 : vector<1000x1xf32>
    %mul3A_199 = vector.broadcast %exp3A_198 : vector<1000x1xf32> to vector<1000x64xf32>
    %mul3A_200 = arith.mulf %mul3A_199, %get3A_1 : vector<1000x64xf32>
    %swap3A_201 = arith.constant 6 : index
    %swap3A_202 = arith.constant 0 : index
    %swap3A_203 = arith.constant 0 : index
    %swap3A_204 = vector.load %arg4[%swap3A_201, %swap3A_202, %swap3A_203] : memref<8x1000x80xf32, #tpu.memory_space<vmem>>, vector<1x1000x64xf32>
    %swap3A_205 = vector.shape_cast %swap3A_204 : vector<1x1000x64xf32> to vector<1000x64xf32>
    %swap3A_206 = vector.shape_cast %mul3A_200 : vector<1000x64xf32> to vector<1x1000x64xf32>
    tpu.vector_store %arg4[%swap3A_201, %swap3A_202, %swap3A_203], %swap3A_206 {strides = array<i32>} : memref<8x1000x80xf32, #tpu.memory_space<vmem>>, vector<1x1000x64xf32>,
    %swap3A_207 = arith.constant 6 : index
    %swap3A_208 = arith.constant 0 : index
    %swap3A_209 = arith.constant 64 : index
    %swap3A_210 = vector.load %arg4[%swap3A_207, %swap3A_208, %swap3A_209] : memref<8x1000x80xf32, #tpu.memory_space<vmem>>, vector<1x1000x1xf32>
    %swap3A_211 = vector.shape_cast %swap3A_210 : vector<1x1000x1xf32> to vector<1000x1xf32>
    %swap3A_212 = vector.shape_cast %exp3A_198 : vector<1000x1xf32> to vector<1x1000x1xf32>
    tpu.vector_store %arg4[%swap3A_207, %swap3A_208, %swap3A_209], %swap3A_212 {strides = array<i32>} : memref<8x1000x80xf32, #tpu.memory_space<vmem>>, vector<1x1000x1xf32>,
    %broadcast_in_dim3A_213 = arith.constant 0.000000e+00 : f32
    %broadcast_in_dim3A_214 = vector.broadcast %broadcast_in_dim3A_213 : f32 to vector<1000x15xf32>
    %swap3A_215 = arith.constant 6 : index
    %swap3A_216 = arith.constant 0 : index
    %swap3A_217 = arith.constant 65 : index
    %swap3A_218 = vector.load %arg4[%swap3A_215, %swap3A_216, %swap3A_217] : memref<8x1000x80xf32, #tpu.memory_space<vmem>>, vector<1x1000x15xf32>
    %swap3A_219 = vector.shape_cast %swap3A_218 : vector<1x1000x15xf32> to vector<1000x15xf32>
    %swap3A_220 = vector.shape_cast %broadcast_in_dim3A_214 : vector<1000x15xf32> to vector<1x1000x15xf32>
    tpu.vector_store %arg4[%swap3A_215, %swap3A_216, %swap3A_217], %swap3A_220 {strides = array<i32>} : memref<8x1000x80xf32, #tpu.memory_space<vmem>>, vector<1x1000x15xf32>,
    %get3A_221 = arith.constant 0 : index
    %get3A_222 = arith.constant 7 : index
    %get3A_223 = vector.load %arg2[%get3A_221, %get3A_222] : memref<1000x8xf32, #tpu.memory_space<vmem>>, vector<1000x1xf32>
    %get3A_224 = arith.constant 0 : index
    %get3A_225 = arith.constant 7 : index
    %get3A_226 = vector.load %arg3[%get3A_224, %get3A_225] : memref<1x8xf32, #tpu.memory_space<vmem>>, vector<1x1xf32>
    %get3A_227 = vector.extract %get3A_226[0, 0] : f32 from vector<1x1xf32>
    %sub3A_228 = vector.broadcast %get3A_227 : f32 to vector<1000x1xf32>
    %sub3A_229 = arith.subf %get3A_223, %sub3A_228 : vector<1000x1xf32>
    %exp3A_230 = math.exp %sub3A_229 : vector<1000x1xf32>
    %mul3A_231 = vector.broadcast %exp3A_230 : vector<1000x1xf32> to vector<1000x64xf32>
    %mul3A_232 = arith.mulf %mul3A_231, %get3A_1 : vector<1000x64xf32>
    %swap3A_233 = arith.constant 7 : index
    %swap3A_234 = arith.constant 0 : index
    %swap3A_235 = arith.constant 0 : index
    %swap3A_236 = vector.load %arg4[%swap3A_233, %swap3A_234, %swap3A_235] : memref<8x1000x80xf32, #tpu.memory_space<vmem>>, vector<1x1000x64xf32>
    %swap3A_237 = vector.shape_cast %swap3A_236 : vector<1x1000x64xf32> to vector<1000x64xf32>
    %swap3A_238 = vector.shape_cast %mul3A_232 : vector<1000x64xf32> to vector<1x1000x64xf32>
    tpu.vector_store %arg4[%swap3A_233, %swap3A_234, %swap3A_235], %swap3A_238 {strides = array<i32>} : memref<8x1000x80xf32, #tpu.memory_space<vmem>>, vector<1x1000x64xf32>,
    %swap3A_239 = arith.constant 7 : index
    %swap3A_240 = arith.constant 0 : index
    %swap3A_241 = arith.constant 64 : index
    %swap3A_242 = vector.load %arg4[%swap3A_239, %swap3A_240, %swap3A_241] : memref<8x1000x80xf32, #tpu.memory_space<vmem>>, vector<1x1000x1xf32>
    %swap3A_243 = vector.shape_cast %swap3A_242 : vector<1x1000x1xf32> to vector<1000x1xf32>
    %swap3A_244 = vector.shape_cast %exp3A_230 : vector<1000x1xf32> to vector<1x1000x1xf32>
    tpu.vector_store %arg4[%swap3A_239, %swap3A_240, %swap3A_241], %swap3A_244 {strides = array<i32>} : memref<8x1000x80xf32, #tpu.memory_space<vmem>>, vector<1x1000x1xf32>,
    %broadcast_in_dim3A_245 = arith.constant 0.000000e+00 : f32
    %broadcast_in_dim3A_246 = vector.broadcast %broadcast_in_dim3A_245 : f32 to vector<1000x15xf32>
    %swap3A_247 = arith.constant 7 : index
    %swap3A_248 = arith.constant 0 : index
    %swap3A_249 = arith.constant 65 : index
    %swap3A_250 = vector.load %arg4[%swap3A_247, %swap3A_248, %swap3A_249] : memref<8x1000x80xf32, #tpu.memory_space<vmem>>, vector<1x1000x15xf32>
    %swap3A_251 = vector.shape_cast %swap3A_250 : vector<1x1000x15xf32> to vector<1000x15xf32>
    %swap3A_252 = vector.shape_cast %broadcast_in_dim3A_246 : vector<1000x15xf32> to vector<1x1000x15xf32>
    tpu.vector_store %arg4[%swap3A_247, %swap3A_248, %swap3A_249], %swap3A_252 {strides = array<i32>} : memref<8x1000x80xf32, #tpu.memory_space<vmem>>, vector<1x1000x15xf32>,
    return
  }
  func.func @transform_0(%arg0: i32) -> (i32, i32) {
    %c0_i32 = arith.constant 0 : i32
    %c0_i32_0 = arith.constant 0 : i32
    return %arg0, %c0_i32 : i32, i32
  }
  func.func @transform_1(%arg0: i32) -> (i32, i32) {
    %c0_i32 = arith.constant 0 : i32
    %c0_i32_0 = arith.constant 0 : i32
    return %arg0, %c0_i32 : i32, i32
  }
  func.func @transform_2(%arg0: i32) -> (i32, i32) {
    %c0_i32 = arith.constant 0 : i32
    %c0_i32_0 = arith.constant 0 : i32
    %c0_i32_1 = arith.constant 0 : i32
    return %c0_i32, %c0_i32_0 : i32, i32
  }
  func.func @transform_3(%arg0: i32) -> (i32, i32, i32) {
    %c0_i32 = arith.constant 0 : i32
    %c0_i32_0 = arith.constant 0 : i32
    %c0_i32_1 = arith.constant 0 : i32
    return %c0_i32, %arg0, %c0_i32_0 : i32, i32, i32
  }
}

module attributes {stable_mosaic.version = 14 : i64} {
  func.func @_k3_body(%arg0: i32, %arg1: memref<2x4x512x80xf32, #tpu.memory_space<vmem>>, %arg2: memref<128x256xf32, #tpu.memory_space<vmem>>, %arg3: memref<1x128xf32, #tpu.memory_space<vmem>>, %arg4: memref<512x256xf32, #tpu.memory_space<vmem>>, %arg5: memref<512x256xf32, #tpu.memory_space<vmem>>, %arg6: memref<2x128xf32, #tpu.memory_space<vmem>>) attributes {dimension_semantics = [#tpu.dimension_semantics<arbitrary>], iteration_bounds = array<i64: 16>, scalar_prefetch = 0 : i64, scratch_operands = 0 : i64, tpu.core_type = #tpu.core_type<tc>, window_params = [{transform_indices = @transform_0, window_bounds = array<i64: 2, 4, 512, 80>}, {pipeline_mode = #tpu.pipeline_mode<synchronous>, transform_indices = @transform_1, window_bounds = array<i64: 128, 256>}, {pipeline_mode = #tpu.pipeline_mode<synchronous>, transform_indices = @transform_2, window_bounds = array<i64: 1, 128>}, {transform_indices = @transform_3, window_bounds = array<i64: 512, 256>}, {transform_indices = @transform_4, window_bounds = array<i64: 512, 256>}, {pipeline_mode = #tpu.pipeline_mode<synchronous>, transform_indices = @transform_5, window_bounds = array<i64: 2, 128>}]} {
    %get3A = arith.constant 0 : index
    %get3A_0 = arith.constant 0 : index
    %get3A_1 = arith.constant 0 : index
    %get3A_2 = arith.constant 0 : index
    %get3A_3 = vector.load %arg1[%get3A, %get3A_0, %get3A_1, %get3A_2] : memref<2x4x512x80xf32, #tpu.memory_space<vmem>>, vector<1x1x512x64xf32>
    %get3A_4 = vector.shape_cast %get3A_3 : vector<1x1x512x64xf32> to vector<512x64xf32>
    %get3A_5 = arith.constant 0 : index
    %get3A_6 = arith.constant 0 : index
    %get3A_7 = arith.constant 0 : index
    %get3A_8 = arith.constant 64 : index
    %get3A_9 = vector.load %arg1[%get3A_5, %get3A_6, %get3A_7, %get3A_8] : memref<2x4x512x80xf32, #tpu.memory_space<vmem>>, vector<1x1x512x1xf32>
    %get3A_10 = vector.shape_cast %get3A_9 : vector<1x1x512x1xf32> to vector<512x1xf32>
    %ne3A = arith.constant 0.000000e+00 : f32
    %ne3A_11 = vector.broadcast %ne3A : f32 to vector<512x1xf32>
    %ne3A_12 = arith.cmpf one, %get3A_10, %ne3A_11 : vector<512x1xf32>
    %div3A = vector.broadcast %get3A_10 : vector<512x1xf32> to vector<512x64xf32>
    %div3A_13 = arith.divf %get3A_4, %div3A : vector<512x64xf32>
    %jit3A = arith.constant 0.000000e+00 : f32
    %broadcast_in_dim3A = vector.shape_cast %ne3A_12 : vector<512x1xi1> to vector<512x1xi1>
    %broadcast_in_dim3A_14 = vector.broadcast %broadcast_in_dim3A : vector<512x1xi1> to vector<512x64xi1>
    %broadcast_in_dim3A_15 = vector.broadcast %jit3A : f32 to vector<512x64xf32>
    %select_n3A = arith.select %broadcast_in_dim3A_14, %div3A_13, %broadcast_in_dim3A_15 : vector<512x64xi1>, vector<512x64xf32>
    %get3A_16 = arith.constant 0 : index
    %get3A_17 = arith.constant 1 : index
    %get3A_18 = arith.constant 0 : index
    %get3A_19 = arith.constant 0 : index
    %get3A_20 = vector.load %arg1[%get3A_16, %get3A_17, %get3A_18, %get3A_19] : memref<2x4x512x80xf32, #tpu.memory_space<vmem>>, vector<1x1x512x64xf32>
    %get3A_21 = vector.shape_cast %get3A_20 : vector<1x1x512x64xf32> to vector<512x64xf32>
    %get3A_22 = arith.constant 0 : index
    %get3A_23 = arith.constant 1 : index
    %get3A_24 = arith.constant 0 : index
    %get3A_25 = arith.constant 64 : index
    %get3A_26 = vector.load %arg1[%get3A_22, %get3A_23, %get3A_24, %get3A_25] : memref<2x4x512x80xf32, #tpu.memory_space<vmem>>, vector<1x1x512x1xf32>
    %get3A_27 = vector.shape_cast %get3A_26 : vector<1x1x512x1xf32> to vector<512x1xf32>
    %ne3A_28 = arith.constant 0.000000e+00 : f32
    %ne3A_29 = vector.broadcast %ne3A_28 : f32 to vector<512x1xf32>
    %ne3A_30 = arith.cmpf one, %get3A_27, %ne3A_29 : vector<512x1xf32>
    %div3A_31 = vector.broadcast %get3A_27 : vector<512x1xf32> to vector<512x64xf32>
    %div3A_32 = arith.divf %get3A_21, %div3A_31 : vector<512x64xf32>
    %jit3A_33 = arith.constant 0.000000e+00 : f32
    %broadcast_in_dim3A_34 = vector.shape_cast %ne3A_30 : vector<512x1xi1> to vector<512x1xi1>
    %broadcast_in_dim3A_35 = vector.broadcast %broadcast_in_dim3A_34 : vector<512x1xi1> to vector<512x64xi1>
    %broadcast_in_dim3A_36 = vector.broadcast %jit3A_33 : f32 to vector<512x64xf32>
    %select_n3A_37 = arith.select %broadcast_in_dim3A_35, %div3A_32, %broadcast_in_dim3A_36 : vector<512x64xi1>, vector<512x64xf32>
    %get3A_38 = arith.constant 0 : index
    %get3A_39 = arith.constant 2 : index
    %get3A_40 = arith.constant 0 : index
    %get3A_41 = arith.constant 0 : index
    %get3A_42 = vector.load %arg1[%get3A_38, %get3A_39, %get3A_40, %get3A_41] : memref<2x4x512x80xf32, #tpu.memory_space<vmem>>, vector<1x1x512x64xf32>
    %get3A_43 = vector.shape_cast %get3A_42 : vector<1x1x512x64xf32> to vector<512x64xf32>
    %get3A_44 = arith.constant 0 : index
    %get3A_45 = arith.constant 2 : index
    %get3A_46 = arith.constant 0 : index
    %get3A_47 = arith.constant 64 : index
    %get3A_48 = vector.load %arg1[%get3A_44, %get3A_45, %get3A_46, %get3A_47] : memref<2x4x512x80xf32, #tpu.memory_space<vmem>>, vector<1x1x512x1xf32>
    %get3A_49 = vector.shape_cast %get3A_48 : vector<1x1x512x1xf32> to vector<512x1xf32>
    %ne3A_50 = arith.constant 0.000000e+00 : f32
    %ne3A_51 = vector.broadcast %ne3A_50 : f32 to vector<512x1xf32>
    %ne3A_52 = arith.cmpf one, %get3A_49, %ne3A_51 : vector<512x1xf32>
    %div3A_53 = vector.broadcast %get3A_49 : vector<512x1xf32> to vector<512x64xf32>
    %div3A_54 = arith.divf %get3A_43, %div3A_53 : vector<512x64xf32>
    %jit3A_55 = arith.constant 0.000000e+00 : f32
    %broadcast_in_dim3A_56 = vector.shape_cast %ne3A_52 : vector<512x1xi1> to vector<512x1xi1>
    %broadcast_in_dim3A_57 = vector.broadcast %broadcast_in_dim3A_56 : vector<512x1xi1> to vector<512x64xi1>
    %broadcast_in_dim3A_58 = vector.broadcast %jit3A_55 : f32 to vector<512x64xf32>
    %select_n3A_59 = arith.select %broadcast_in_dim3A_57, %div3A_54, %broadcast_in_dim3A_58 : vector<512x64xi1>, vector<512x64xf32>
    %get3A_60 = arith.constant 0 : index
    %get3A_61 = arith.constant 3 : index
    %get3A_62 = arith.constant 0 : index
    %get3A_63 = arith.constant 0 : index
    %get3A_64 = vector.load %arg1[%get3A_60, %get3A_61, %get3A_62, %get3A_63] : memref<2x4x512x80xf32, #tpu.memory_space<vmem>>, vector<1x1x512x64xf32>
    %get3A_65 = vector.shape_cast %get3A_64 : vector<1x1x512x64xf32> to vector<512x64xf32>
    %get3A_66 = arith.constant 0 : index
    %get3A_67 = arith.constant 3 : index
    %get3A_68 = arith.constant 0 : index
    %get3A_69 = arith.constant 64 : index
    %get3A_70 = vector.load %arg1[%get3A_66, %get3A_67, %get3A_68, %get3A_69] : memref<2x4x512x80xf32, #tpu.memory_space<vmem>>, vector<1x1x512x1xf32>
    %get3A_71 = vector.shape_cast %get3A_70 : vector<1x1x512x1xf32> to vector<512x1xf32>
    %ne3A_72 = arith.constant 0.000000e+00 : f32
    %ne3A_73 = vector.broadcast %ne3A_72 : f32 to vector<512x1xf32>
    %ne3A_74 = arith.cmpf one, %get3A_71, %ne3A_73 : vector<512x1xf32>
    %div3A_75 = vector.broadcast %get3A_71 : vector<512x1xf32> to vector<512x64xf32>
    %div3A_76 = arith.divf %get3A_65, %div3A_75 : vector<512x64xf32>
    %jit3A_77 = arith.constant 0.000000e+00 : f32
    %broadcast_in_dim3A_78 = vector.shape_cast %ne3A_74 : vector<512x1xi1> to vector<512x1xi1>
    %broadcast_in_dim3A_79 = vector.broadcast %broadcast_in_dim3A_78 : vector<512x1xi1> to vector<512x64xi1>
    %broadcast_in_dim3A_80 = vector.broadcast %jit3A_77 : f32 to vector<512x64xf32>
    %select_n3A_81 = arith.select %broadcast_in_dim3A_79, %div3A_76, %broadcast_in_dim3A_80 : vector<512x64xi1>, vector<512x64xf32>
    %concatenate3A = tpu.concatenate %select_n3A, %select_n3A_37, %select_n3A_59, %select_n3A_81 in 1 : vector<512x64xf32>, vector<512x64xf32>, vector<512x64xf32>, vector<512x64xf32> -> vector<512x256xf32>
    %gt3A = arith.constant 0.000000e+00 : f32
    %gt3A_82 = vector.broadcast %gt3A : f32 to vector<512x256xf32>
    %gt3A_83 = arith.cmpf ogt, %concatenate3A, %gt3A_82 : vector<512x256xf32>
    %exp3A = math.exp %concatenate3A : vector<512x256xf32>
    %sub3A = arith.constant 1.000000e+00 : f32
    %sub3A_84 = vector.broadcast %sub3A : f32 to vector<512x256xf32>
    %sub3A_85 = arith.subf %exp3A, %sub3A_84 : vector<512x256xf32>
    %select_n3A_86 = arith.select %gt3A_83, %concatenate3A, %sub3A_85 : vector<512x256xi1>, vector<512x256xf32>
    %swap3A = arith.constant 0 : index
    %swap3A_87 = arith.constant 0 : index
    %swap3A_88 = vector.load %arg4[%swap3A, %swap3A_87] : memref<512x256xf32, #tpu.memory_space<vmem>>, vector<512x256xf32>
    tpu.vector_store %arg4[%swap3A, %swap3A_87], %select_n3A_86 {strides = array<i32>} : memref<512x256xf32, #tpu.memory_space<vmem>>, vector<512x256xf32>,
    %get3A_89 = arith.constant 1 : index
    %get3A_90 = arith.constant 0 : index
    %get3A_91 = arith.constant 0 : index
    %get3A_92 = arith.constant 0 : index
    %get3A_93 = vector.load %arg1[%get3A_89, %get3A_90, %get3A_91, %get3A_92] : memref<2x4x512x80xf32, #tpu.memory_space<vmem>>, vector<1x1x512x64xf32>
    %get3A_94 = vector.shape_cast %get3A_93 : vector<1x1x512x64xf32> to vector<512x64xf32>
    %get3A_95 = arith.constant 1 : index
    %get3A_96 = arith.constant 0 : index
    %get3A_97 = arith.constant 0 : index
    %get3A_98 = arith.constant 64 : index
    %get3A_99 = vector.load %arg1[%get3A_95, %get3A_96, %get3A_97, %get3A_98] : memref<2x4x512x80xf32, #tpu.memory_space<vmem>>, vector<1x1x512x1xf32>
    %get3A_100 = vector.shape_cast %get3A_99 : vector<1x1x512x1xf32> to vector<512x1xf32>
    %ne3A_101 = arith.constant 0.000000e+00 : f32
    %ne3A_102 = vector.broadcast %ne3A_101 : f32 to vector<512x1xf32>
    %ne3A_103 = arith.cmpf one, %get3A_100, %ne3A_102 : vector<512x1xf32>
    %div3A_104 = vector.broadcast %get3A_100 : vector<512x1xf32> to vector<512x64xf32>
    %div3A_105 = arith.divf %get3A_94, %div3A_104 : vector<512x64xf32>
    %jit3A_106 = arith.constant 0.000000e+00 : f32
    %broadcast_in_dim3A_107 = vector.shape_cast %ne3A_103 : vector<512x1xi1> to vector<512x1xi1>
    %broadcast_in_dim3A_108 = vector.broadcast %broadcast_in_dim3A_107 : vector<512x1xi1> to vector<512x64xi1>
    %broadcast_in_dim3A_109 = vector.broadcast %jit3A_106 : f32 to vector<512x64xf32>
    %select_n3A_110 = arith.select %broadcast_in_dim3A_108, %div3A_105, %broadcast_in_dim3A_109 : vector<512x64xi1>, vector<512x64xf32>
    %get3A_111 = arith.constant 1 : index
    %get3A_112 = arith.constant 1 : index
    %get3A_113 = arith.constant 0 : index
    %get3A_114 = arith.constant 0 : index
    %get3A_115 = vector.load %arg1[%get3A_111, %get3A_112, %get3A_113, %get3A_114] : memref<2x4x512x80xf32, #tpu.memory_space<vmem>>, vector<1x1x512x64xf32>
    %get3A_116 = vector.shape_cast %get3A_115 : vector<1x1x512x64xf32> to vector<512x64xf32>
    %get3A_117 = arith.constant 1 : index
    %get3A_118 = arith.constant 1 : index
    %get3A_119 = arith.constant 0 : index
    %get3A_120 = arith.constant 64 : index
    %get3A_121 = vector.load %arg1[%get3A_117, %get3A_118, %get3A_119, %get3A_120] : memref<2x4x512x80xf32, #tpu.memory_space<vmem>>, vector<1x1x512x1xf32>
    %get3A_122 = vector.shape_cast %get3A_121 : vector<1x1x512x1xf32> to vector<512x1xf32>
    %ne3A_123 = arith.constant 0.000000e+00 : f32
    %ne3A_124 = vector.broadcast %ne3A_123 : f32 to vector<512x1xf32>
    %ne3A_125 = arith.cmpf one, %get3A_122, %ne3A_124 : vector<512x1xf32>
    %div3A_126 = vector.broadcast %get3A_122 : vector<512x1xf32> to vector<512x64xf32>
    %div3A_127 = arith.divf %get3A_116, %div3A_126 : vector<512x64xf32>
    %jit3A_128 = arith.constant 0.000000e+00 : f32
    %broadcast_in_dim3A_129 = vector.shape_cast %ne3A_125 : vector<512x1xi1> to vector<512x1xi1>
    %broadcast_in_dim3A_130 = vector.broadcast %broadcast_in_dim3A_129 : vector<512x1xi1> to vector<512x64xi1>
    %broadcast_in_dim3A_131 = vector.broadcast %jit3A_128 : f32 to vector<512x64xf32>
    %select_n3A_132 = arith.select %broadcast_in_dim3A_130, %div3A_127, %broadcast_in_dim3A_131 : vector<512x64xi1>, vector<512x64xf32>
    %get3A_133 = arith.constant 1 : index
    %get3A_134 = arith.constant 2 : index
    %get3A_135 = arith.constant 0 : index
    %get3A_136 = arith.constant 0 : index
    %get3A_137 = vector.load %arg1[%get3A_133, %get3A_134, %get3A_135, %get3A_136] : memref<2x4x512x80xf32, #tpu.memory_space<vmem>>, vector<1x1x512x64xf32>
    %get3A_138 = vector.shape_cast %get3A_137 : vector<1x1x512x64xf32> to vector<512x64xf32>
    %get3A_139 = arith.constant 1 : index
    %get3A_140 = arith.constant 2 : index
    %get3A_141 = arith.constant 0 : index
    %get3A_142 = arith.constant 64 : index
    %get3A_143 = vector.load %arg1[%get3A_139, %get3A_140, %get3A_141, %get3A_142] : memref<2x4x512x80xf32, #tpu.memory_space<vmem>>, vector<1x1x512x1xf32>
    %get3A_144 = vector.shape_cast %get3A_143 : vector<1x1x512x1xf32> to vector<512x1xf32>
    %ne3A_145 = arith.constant 0.000000e+00 : f32
    %ne3A_146 = vector.broadcast %ne3A_145 : f32 to vector<512x1xf32>
    %ne3A_147 = arith.cmpf one, %get3A_144, %ne3A_146 : vector<512x1xf32>
    %div3A_148 = vector.broadcast %get3A_144 : vector<512x1xf32> to vector<512x64xf32>
    %div3A_149 = arith.divf %get3A_138, %div3A_148 : vector<512x64xf32>
    %jit3A_150 = arith.constant 0.000000e+00 : f32
    %broadcast_in_dim3A_151 = vector.shape_cast %ne3A_147 : vector<512x1xi1> to vector<512x1xi1>
    %broadcast_in_dim3A_152 = vector.broadcast %broadcast_in_dim3A_151 : vector<512x1xi1> to vector<512x64xi1>
    %broadcast_in_dim3A_153 = vector.broadcast %jit3A_150 : f32 to vector<512x64xf32>
    %select_n3A_154 = arith.select %broadcast_in_dim3A_152, %div3A_149, %broadcast_in_dim3A_153 : vector<512x64xi1>, vector<512x64xf32>
    %get3A_155 = arith.constant 1 : index
    %get3A_156 = arith.constant 3 : index
    %get3A_157 = arith.constant 0 : index
    %get3A_158 = arith.constant 0 : index
    %get3A_159 = vector.load %arg1[%get3A_155, %get3A_156, %get3A_157, %get3A_158] : memref<2x4x512x80xf32, #tpu.memory_space<vmem>>, vector<1x1x512x64xf32>
    %get3A_160 = vector.shape_cast %get3A_159 : vector<1x1x512x64xf32> to vector<512x64xf32>
    %get3A_161 = arith.constant 1 : index
    %get3A_162 = arith.constant 3 : index
    %get3A_163 = arith.constant 0 : index
    %get3A_164 = arith.constant 64 : index
    %get3A_165 = vector.load %arg1[%get3A_161, %get3A_162, %get3A_163, %get3A_164] : memref<2x4x512x80xf32, #tpu.memory_space<vmem>>, vector<1x1x512x1xf32>
    %get3A_166 = vector.shape_cast %get3A_165 : vector<1x1x512x1xf32> to vector<512x1xf32>
    %ne3A_167 = arith.constant 0.000000e+00 : f32
    %ne3A_168 = vector.broadcast %ne3A_167 : f32 to vector<512x1xf32>
    %ne3A_169 = arith.cmpf one, %get3A_166, %ne3A_168 : vector<512x1xf32>
    %div3A_170 = vector.broadcast %get3A_166 : vector<512x1xf32> to vector<512x64xf32>
    %div3A_171 = arith.divf %get3A_160, %div3A_170 : vector<512x64xf32>
    %jit3A_172 = arith.constant 0.000000e+00 : f32
    %broadcast_in_dim3A_173 = vector.shape_cast %ne3A_169 : vector<512x1xi1> to vector<512x1xi1>
    %broadcast_in_dim3A_174 = vector.broadcast %broadcast_in_dim3A_173 : vector<512x1xi1> to vector<512x64xi1>
    %broadcast_in_dim3A_175 = vector.broadcast %jit3A_172 : f32 to vector<512x64xf32>
    %select_n3A_176 = arith.select %broadcast_in_dim3A_174, %div3A_171, %broadcast_in_dim3A_175 : vector<512x64xi1>, vector<512x64xf32>
    %concatenate3A_177 = tpu.concatenate %select_n3A_110, %select_n3A_132, %select_n3A_154, %select_n3A_176 in 1 : vector<512x64xf32>, vector<512x64xf32>, vector<512x64xf32>, vector<512x64xf32> -> vector<512x256xf32>
    %gt3A_178 = arith.constant 0.000000e+00 : f32
    %gt3A_179 = vector.broadcast %gt3A_178 : f32 to vector<512x256xf32>
    %gt3A_180 = arith.cmpf ogt, %concatenate3A_177, %gt3A_179 : vector<512x256xf32>
    %exp3A_181 = math.exp %concatenate3A_177 : vector<512x256xf32>
    %sub3A_182 = arith.constant 1.000000e+00 : f32
    %sub3A_183 = vector.broadcast %sub3A_182 : f32 to vector<512x256xf32>
    %sub3A_184 = arith.subf %exp3A_181, %sub3A_183 : vector<512x256xf32>
    %select_n3A_185 = arith.select %gt3A_180, %concatenate3A_177, %sub3A_184 : vector<512x256xi1>, vector<512x256xf32>
    %swap3A_186 = arith.constant 0 : index
    %swap3A_187 = arith.constant 0 : index
    %swap3A_188 = vector.load %arg5[%swap3A_186, %swap3A_187] : memref<512x256xf32, #tpu.memory_space<vmem>>, vector<512x256xf32>
    tpu.vector_store %arg5[%swap3A_186, %swap3A_187], %select_n3A_185 {strides = array<i32>} : memref<512x256xf32, #tpu.memory_space<vmem>>, vector<512x256xf32>,
    %get3A_189 = arith.constant 0 : index
    %get3A_190 = arith.constant 0 : index
    %get3A_191 = vector.load %arg2[%get3A_189, %get3A_190] : memref<128x256xf32, #tpu.memory_space<vmem>>, vector<128x256xf32>
    %transpose3A = tpu.transpose %get3A_191, [1, 0] : vector<128x256xf32> -> vector<256x128xf32>
    %dot_general3A = arith.constant dense<0.000000e+00> : vector<512x128xf32>
    %dot_general3A_192 = tpu.matmul %select_n3A_86, %transpose3A, %dot_general3A {dimension_numbers = #tpu.dot_dimension_numbers<[1], [0], [0], [1], [0, 0, 1, 1], [], []>, transpose_lhs_hint = false} : vector<512x256xf32>, vector<256x128xf32>, vector<512x128xf32> -> vector<512x128xf32>
    %get3A_193 = arith.constant 0 : index
    %get3A_194 = arith.constant 0 : index
    %get3A_195 = vector.load %arg3[%get3A_193, %get3A_194] : memref<1x128xf32, #tpu.memory_space<vmem>>, vector<1x128xf32>
    %add3A = vector.broadcast %get3A_195 : vector<1x128xf32> to vector<512x128xf32>
    %add3A_196 = arith.addf %dot_general3A_192, %add3A : vector<512x128xf32>
    %tanh3A = math.tanh %add3A_196 : vector<512x128xf32>
    %get3A_197 = arith.constant 0 : index
    %get3A_198 = arith.constant 0 : index
    %get3A_199 = vector.load %arg2[%get3A_197, %get3A_198] : memref<128x256xf32, #tpu.memory_space<vmem>>, vector<128x256xf32>
    %transpose3A_200 = tpu.transpose %get3A_199, [1, 0] : vector<128x256xf32> -> vector<256x128xf32>
    %dot_general3A_201 = arith.constant dense<0.000000e+00> : vector<512x128xf32>
    %dot_general3A_202 = tpu.matmul %select_n3A_185, %transpose3A_200, %dot_general3A_201 {dimension_numbers = #tpu.dot_dimension_numbers<[1], [0], [0], [1], [0, 0, 1, 1], [], []>, transpose_lhs_hint = false} : vector<512x256xf32>, vector<256x128xf32>, vector<512x128xf32> -> vector<512x128xf32>
    %get3A_203 = arith.constant 0 : index
    %get3A_204 = arith.constant 0 : index
    %get3A_205 = vector.load %arg3[%get3A_203, %get3A_204] : memref<1x128xf32, #tpu.memory_space<vmem>>, vector<1x128xf32>
    %add3A_206 = vector.broadcast %get3A_205 : vector<1x128xf32> to vector<512x128xf32>
    %add3A_207 = arith.addf %dot_general3A_202, %add3A_206 : vector<512x128xf32>
    %tanh3A_208 = math.tanh %add3A_207 : vector<512x128xf32>
    %reduce_sum3A = arith.constant dense<0.000000e+00> : vector<128xf32>
    %reduce_sum3A_209 = vector.multi_reduction <add>, %tanh3A, %reduce_sum3A [0] : vector<512x128xf32> to vector<128xf32>
    %reduce_sum3A_210 = arith.constant dense<0.000000e+00> : vector<128xf32>
    %reduce_sum3A_211 = vector.multi_reduction <add>, %tanh3A_208, %reduce_sum3A_210 [0] : vector<512x128xf32> to vector<128xf32>
    %stack3A = vector.shape_cast %reduce_sum3A_209 : vector<128xf32> to vector<1x128xf32>
    %stack3A_212 = vector.shape_cast %reduce_sum3A_211 : vector<128xf32> to vector<1x128xf32>
    %stack3A_213 = tpu.concatenate %stack3A, %stack3A_212 in 0 : vector<1x128xf32>, vector<1x128xf32> -> vector<2x128xf32>
    %eq3A = arith.constant 0 : i32
    %eq3A_214 = arith.cmpi eq, %arg0, %eq3A : i32
    %convert_element_type3A = arith.extui %eq3A_214 : i1 to i32
    %cond3A = arith.constant 0 : i32
    %cond3A_215 = arith.cmpi ne, %convert_element_type3A, %cond3A : i32
    scf.if %cond3A_215 {
      %swap3A_221 = arith.constant 0 : index
      %swap3A_222 = arith.constant 0 : index
      %swap3A_223 = vector.load %arg6[%swap3A_221, %swap3A_222] : memref<2x128xf32, #tpu.memory_space<vmem>>, vector<2x128xf32>
      tpu.vector_store %arg6[%swap3A_221, %swap3A_222], %stack3A_213 {strides = array<i32>} : memref<2x128xf32, #tpu.memory_space<vmem>>, vector<2x128xf32>,
    } else {
    }
    %ne3A_216 = arith.constant 0 : i32
    %ne3A_217 = arith.cmpi ne, %arg0, %ne3A_216 : i32
    %convert_element_type3A_218 = arith.extui %ne3A_217 : i1 to i32
    %cond3A_219 = arith.constant 0 : i32
    %cond3A_220 = arith.cmpi ne, %convert_element_type3A_218, %cond3A_219 : i32
    scf.if %cond3A_220 {
      %get3A_221 = arith.constant 0 : index
      %get3A_222 = arith.constant 0 : index
      %get3A_223 = vector.load %arg6[%get3A_221, %get3A_222] : memref<2x128xf32, #tpu.memory_space<vmem>>, vector<2x128xf32>
      %add3A_224 = arith.addf %get3A_223, %stack3A_213 : vector<2x128xf32>
      %swap3A_225 = arith.constant 0 : index
      %swap3A_226 = arith.constant 0 : index
      %swap3A_227 = vector.load %arg6[%swap3A_225, %swap3A_226] : memref<2x128xf32, #tpu.memory_space<vmem>>, vector<2x128xf32>
      tpu.vector_store %arg6[%swap3A_225, %swap3A_226], %add3A_224 {strides = array<i32>} : memref<2x128xf32, #tpu.memory_space<vmem>>, vector<2x128xf32>,
    } else {
    }
    return
  }
  func.func @transform_0(%arg0: i32) -> (i32, i32, i32, i32) {
    %c0_i32 = arith.constant 0 : i32
    %c0_i32_0 = arith.constant 0 : i32
    %c0_i32_1 = arith.constant 0 : i32
    %c0_i32_2 = arith.constant 0 : i32
    return %c0_i32, %c0_i32_0, %arg0, %c0_i32_1 : i32, i32, i32, i32
  }
  func.func @transform_1(%arg0: i32) -> (i32, i32) {
    %c0_i32 = arith.constant 0 : i32
    %c0_i32_0 = arith.constant 0 : i32
    %c0_i32_1 = arith.constant 0 : i32
    return %c0_i32, %c0_i32_0 : i32, i32
  }
  func.func @transform_2(%arg0: i32) -> (i32, i32) {
    %c0_i32 = arith.constant 0 : i32
    %c0_i32_0 = arith.constant 0 : i32
    %c0_i32_1 = arith.constant 0 : i32
    return %c0_i32, %c0_i32_0 : i32, i32
  }
  func.func @transform_3(%arg0: i32) -> (i32, i32) {
    %c0_i32 = arith.constant 0 : i32
    %c0_i32_0 = arith.constant 0 : i32
    return %arg0, %c0_i32 : i32, i32
  }
  func.func @transform_4(%arg0: i32) -> (i32, i32) {
    %c0_i32 = arith.constant 0 : i32
    %c0_i32_0 = arith.constant 0 : i32
    return %arg0, %c0_i32 : i32, i32
  }
  func.func @transform_5(%arg0: i32) -> (i32, i32) {
    %c0_i32 = arith.constant 0 : i32
    %c0_i32_0 = arith.constant 0 : i32
    %c0_i32_1 = arith.constant 0 : i32
    return %c0_i32, %c0_i32_0 : i32, i32
  }
}

module attributes {stable_mosaic.version = 14 : i64} {
  func.func @_k4_body(%arg0: i32, %arg1: memref<1024x256xf32, #tpu.memory_space<vmem>>, %arg2: memref<1024x256xf32, #tpu.memory_space<vmem>>, %arg3: memref<2x128xf32, #tpu.memory_space<vmem>>, %arg4: memref<1x128xf32, #tpu.memory_space<vmem>>, %arg5: memref<64x256xf32, #tpu.memory_space<vmem>>, %arg6: memref<1x64xf32, #tpu.memory_space<vmem>>, %arg7: memref<1024x64xf32, #tpu.memory_space<vmem>>, %arg8: memref<1024x256xf32, #tpu.memory_space<vmem>>) attributes {dimension_semantics = [#tpu.dimension_semantics<arbitrary>], iteration_bounds = array<i64: 8>, scalar_prefetch = 0 : i64, scratch_operands = 0 : i64, tpu.core_type = #tpu.core_type<tc>, window_params = [{transform_indices = @transform_0, window_bounds = array<i64: 1024, 256>}, {transform_indices = @transform_1, window_bounds = array<i64: 1024, 256>}, {pipeline_mode = #tpu.pipeline_mode<synchronous>, transform_indices = @transform_2, window_bounds = array<i64: 2, 128>}, {pipeline_mode = #tpu.pipeline_mode<synchronous>, transform_indices = @transform_3, window_bounds = array<i64: 1, 128>}, {pipeline_mode = #tpu.pipeline_mode<synchronous>, transform_indices = @transform_4, window_bounds = array<i64: 64, 256>}, {pipeline_mode = #tpu.pipeline_mode<synchronous>, transform_indices = @transform_5, window_bounds = array<i64: 1, 64>}, {transform_indices = @transform_6, window_bounds = array<i64: 1024, 64>}, {transform_indices = @transform_7, window_bounds = array<i64: 1024, 256>}]} {
    %get3A = arith.constant 0 : index
    %get3A_0 = arith.constant 0 : index
    %get3A_1 = vector.load %arg3[%get3A, %get3A_0] : memref<2x128xf32, #tpu.memory_space<vmem>>, vector<2x128xf32>
    %div3A = arith.constant 8.192000e+03 : f32
    %div3A_2 = vector.broadcast %div3A : f32 to vector<2x128xf32>
    %div3A_3 = arith.divf %get3A_1, %div3A_2 : vector<2x128xf32>
    %get3A_4 = arith.constant 0 : index
    %get3A_5 = arith.constant 0 : index
    %get3A_6 = vector.load %arg4[%get3A_4, %get3A_5] : memref<1x128xf32, #tpu.memory_space<vmem>>, vector<1x128xf32>
    %transpose3A = tpu.transpose %get3A_6, [1, 0] : vector<1x128xf32> -> vector<128x1xf32>
    %dot_general3A = arith.constant dense<0.000000e+00> : vector<2x1xf32>
    %dot_general3A_7 = tpu.matmul %div3A_3, %transpose3A, %dot_general3A {dimension_numbers = #tpu.dot_dimension_numbers<[1], [0], [0], [1], [0, 0, 1, 1], [], []>, transpose_lhs_hint = false} : vector<2x128xf32>, vector<128x1xf32>, vector<2x1xf32> -> vector<2x1xf32>
    %reduce_max3A = vector.shape_cast %dot_general3A_7 : vector<2x1xf32> to vector<1x2x1xf32>
    %reduce_max3A_8 = arith.constant dense<0xFF800000> : vector<1xf32>
    %reduce_max3A_9 = vector.multi_reduction <maximumf>, %reduce_max3A, %reduce_max3A_8 [1, 2] : vector<1x2x1xf32> to vector<1xf32>
    %reduce_max3A_10 = vector.shape_cast %reduce_max3A_9 : vector<1xf32> to vector<1x1x1xf32>
    %reduce_max3A_11 = vector.extract %reduce_max3A_10[0, 0, 0] : f32 from vector<1x1x1xf32>
    %sub3A = vector.broadcast %reduce_max3A_11 : f32 to vector<2x1xf32>
    %sub3A_12 = arith.subf %dot_general3A_7, %sub3A : vector<2x1xf32>
    %exp3A = math.exp %sub3A_12 : vector<2x1xf32>
    %reduce_sum3A = vector.shape_cast %exp3A : vector<2x1xf32> to vector<1x2x1xf32>
    %reduce_sum3A_13 = arith.constant dense<0.000000e+00> : vector<1xf32>
    %reduce_sum3A_14 = vector.multi_reduction <add>, %reduce_sum3A, %reduce_sum3A_13 [1, 2] : vector<1x2x1xf32> to vector<1xf32>
    %reduce_sum3A_15 = vector.shape_cast %reduce_sum3A_14 : vector<1xf32> to vector<1x1x1xf32>
    %reduce_sum3A_16 = vector.extract %reduce_sum3A_15[0, 0, 0] : f32 from vector<1x1x1xf32>
    %div3A_17 = vector.broadcast %reduce_sum3A_16 : f32 to vector<2x1xf32>
    %div3A_18 = arith.divf %exp3A, %div3A_17 : vector<2x1xf32>
    %slice3A = vector.extract_strided_slice %div3A_18 {offsets = [0, 0], sizes = [1, 1], strides = [1, 1]} : vector<2x1xf32> to vector<1x1xf32>
    %squeeze3A = vector.extract %slice3A[0, 0] : f32 from vector<1x1xf32>
    %get3A_19 = arith.constant 0 : index
    %get3A_20 = arith.constant 0 : index
    %get3A_21 = vector.load %arg1[%get3A_19, %get3A_20] : memref<1024x256xf32, #tpu.memory_space<vmem>>, vector<1024x256xf32>
    %mul3A = vector.broadcast %squeeze3A : f32 to vector<1024x256xf32>
    %mul3A_22 = arith.mulf %mul3A, %get3A_21 : vector<1024x256xf32>
    %slice3A_23 = vector.extract_strided_slice %div3A_18 {offsets = [1, 0], sizes = [1, 1], strides = [1, 1]} : vector<2x1xf32> to vector<1x1xf32>
    %squeeze3A_24 = vector.extract %slice3A_23[0, 0] : f32 from vector<1x1xf32>
    %get3A_25 = arith.constant 0 : index
    %get3A_26 = arith.constant 0 : index
    %get3A_27 = vector.load %arg2[%get3A_25, %get3A_26] : memref<1024x256xf32, #tpu.memory_space<vmem>>, vector<1024x256xf32>
    %mul3A_28 = vector.broadcast %squeeze3A_24 : f32 to vector<1024x256xf32>
    %mul3A_29 = arith.mulf %mul3A_28, %get3A_27 : vector<1024x256xf32>
    %add3A = arith.addf %mul3A_22, %mul3A_29 : vector<1024x256xf32>
    %swap3A = arith.constant 0 : index
    %swap3A_30 = arith.constant 0 : index
    %swap3A_31 = vector.load %arg8[%swap3A, %swap3A_30] : memref<1024x256xf32, #tpu.memory_space<vmem>>, vector<1024x256xf32>
    tpu.vector_store %arg8[%swap3A, %swap3A_30], %add3A {strides = array<i32>} : memref<1024x256xf32, #tpu.memory_space<vmem>>, vector<1024x256xf32>,
    %get3A_32 = arith.constant 0 : index
    %get3A_33 = arith.constant 0 : index
    %get3A_34 = vector.load %arg5[%get3A_32, %get3A_33] : memref<64x256xf32, #tpu.memory_space<vmem>>, vector<64x256xf32>
    %transpose3A_35 = tpu.transpose %get3A_34, [1, 0] : vector<64x256xf32> -> vector<256x64xf32>
    %dot_general3A_36 = arith.constant dense<0.000000e+00> : vector<1024x64xf32>
    %dot_general3A_37 = tpu.matmul %add3A, %transpose3A_35, %dot_general3A_36 {dimension_numbers = #tpu.dot_dimension_numbers<[1], [0], [0], [1], [0, 0, 1, 1], [], []>, transpose_lhs_hint = false} : vector<1024x256xf32>, vector<256x64xf32>, vector<1024x64xf32> -> vector<1024x64xf32>
    %get3A_38 = arith.constant 0 : index
    %get3A_39 = arith.constant 0 : index
    %get3A_40 = vector.load %arg6[%get3A_38, %get3A_39] : memref<1x64xf32, #tpu.memory_space<vmem>>, vector<1x64xf32>
    %add3A_41 = vector.broadcast %get3A_40 : vector<1x64xf32> to vector<1024x64xf32>
    %add3A_42 = arith.addf %dot_general3A_37, %add3A_41 : vector<1024x64xf32>
    %swap3A_43 = arith.constant 0 : index
    %swap3A_44 = arith.constant 0 : index
    %swap3A_45 = vector.load %arg7[%swap3A_43, %swap3A_44] : memref<1024x64xf32, #tpu.memory_space<vmem>>, vector<1024x64xf32>
    tpu.vector_store %arg7[%swap3A_43, %swap3A_44], %add3A_42 {strides = array<i32>} : memref<1024x64xf32, #tpu.memory_space<vmem>>, vector<1024x64xf32>,
    return
  }
  func.func @transform_0(%arg0: i32) -> (i32, i32) {
    %c0_i32 = arith.constant 0 : i32
    %c0_i32_0 = arith.constant 0 : i32
    return %arg0, %c0_i32 : i32, i32
  }
  func.func @transform_1(%arg0: i32) -> (i32, i32) {
    %c0_i32 = arith.constant 0 : i32
    %c0_i32_0 = arith.constant 0 : i32
    return %arg0, %c0_i32 : i32, i32
  }
  func.func @transform_2(%arg0: i32) -> (i32, i32) {
    %c0_i32 = arith.constant 0 : i32
    %c0_i32_0 = arith.constant 0 : i32
    %c0_i32_1 = arith.constant 0 : i32
    return %c0_i32, %c0_i32_0 : i32, i32
  }
  func.func @transform_3(%arg0: i32) -> (i32, i32) {
    %c0_i32 = arith.constant 0 : i32
    %c0_i32_0 = arith.constant 0 : i32
    %c0_i32_1 = arith.constant 0 : i32
    return %c0_i32, %c0_i32_0 : i32, i32
  }
  func.func @transform_4(%arg0: i32) -> (i32, i32) {
    %c0_i32 = arith.constant 0 : i32
    %c0_i32_0 = arith.constant 0 : i32
    %c0_i32_1 = arith.constant 0 : i32
    return %c0_i32, %c0_i32_0 : i32, i32
  }
  func.func @transform_5(%arg0: i32) -> (i32, i32) {
    %c0_i32 = arith.constant 0 : i32
    %c0_i32_0 = arith.constant 0 : i32
    %c0_i32_1 = arith.constant 0 : i32
    return %c0_i32, %c0_i32_0 : i32, i32
  }
  func.func @transform_6(%arg0: i32) -> (i32, i32) {
    %c0_i32 = arith.constant 0 : i32
    %c0_i32_0 = arith.constant 0 : i32
    return %arg0, %c0_i32 : i32, i32
  }
  func.func @transform_7(%arg0: i32) -> (i32, i32) {
    %c0_i32 = arith.constant 0 : i32
    %c0_i32_0 = arith.constant 0 : i32
    return %arg0, %c0_i32 : i32, i32
  }
}

</mosaic_0001>

<sc_bundles>
// kernel: kernel.7.cloned.1.call-start
scs
__scs_entry_jumppad:
0x0: {  	(pc) =	sbr.rel $0x88, $3  }
0x1: {  	(tag) =	ssettag $0x0;
	lr =	simm.s32 $0x1  }
0x2: {  	[smem:$0x3F91] =	sst lr;
	_ =	strace $0xD0000000  }
0x3: {  	_ = 	snop  }
0x4: {  	_ = 	snop  }
0x5: {  	_ = 	snop  }
0x6: {  	_ = 	snop  }
0x7: {  	_ = 	snop  }
__scs_overlays_trampoline_lowered:
0x8: {  	[smem:$0x3FA0] =	sst s0  }
0x9: {  	[smem:$0x3FA1] =	sst s1  }
0xa: {  	[smem:$0x3FA2] =	sst s2  }
0xb: {  	[smem:$0x3FA3] =	sst s3  }
0xc: {  	[smem:$0x3FA4] =	sst s4  }
0xd: {  	[smem:$0x3FA5] =	sst s5  }
0xe: {  	[smem:$0x3FA6] =	sst s6  }
0xf: {  	[smem:$0x3FA7] =	sst s7  }
0x10: {  	[smem:$0x3FA8] =	sst s8  }
0x11: {  	[smem:$0x3FA9] =	sst s9;
	s0 =	simm.s32 @!p0 $0x0  }
0x12: {  	s1 =	sld [smem:$0x3F8F];
	s0 =	simm.s32 @p0 $0x1  }
0x13: {  	[smem:$0x3FAA] =	sst s0;
	s0 =	simm.s32 @!p1 $0x0  }
0x14: {  	s2 =	sld [smem:$0x3F8E];
	s0 =	simm.s32 @p1 $0x1  }
0x15: {  	[smem:$0x3FAB] =	sst s0;
	s0 =	simm.s32 @!p2 $0x0  }
0x16: {  	s3 =	sld [smem:$0x3FDB];
	s0 =	simm.s32 @p2 $0x1  }
0x17: {  	s4 =	simm.s32 $0x1BF5;
	[smem:$0x3FAD] =	sst s0  }
0x18: {  	s0 =	sld [smem:$0x3F90];
	_ =	swait.ge [sflag:s4], $0x0  }
0x19: {  	s7 =	sld [smem:$0x3F91]  }
0x1a: {  	s8 =	sadd.s32 $0xFFFFE003, lr  }
0x1b: {  	s9 =	sadd.s32 $0xFFFFFEF7, lr;
	s5 =	simm.s32 $0xFFFFFFFF;
	p2 =	slt.u32 s8, $0xFFFFF086  }
0x1c: {  	p1 =	slt.u32 s9, $0xF7A;
	s5 =	simm.s32 @!p2 $0x0  }
0x1d: {  	s5 =	simm.s32 @p1 $0x1;
	p0 =	seq.s32 s7, s2  }
0x1e: {  	s7 =	smul.u32 @!p0 $0xF7A, s2;
	p2 =	seq.s32 @!p0 s5, $0x0  }
0x1f: {  	s9 =	smul.u32 $0xF7A, s1;
	s8 =	simm.s32 @!p0 $0x1BF5;
	p2 =	por !p2, p0  }
0x20: {  	[sflag:s8] =	ssyncset.s32 @!p0 $0xFFFFF086;
	s6 =	sadd.s32 @!p0 s3, s7;
	s7 =	simm.s32 @!p0 $0x108  }
0x21: {  	s3 =	sadd.s32 s3, s9;
	s6 =	sadd.s32 @!p0 $0x88, s6;
	s7 =	simm.s32 @p2 $0x1082  }
0x22: {  	[simem:s7], [sflag:s8] =	dma.local @!p0 [hbm:s6], $0xF7A  }
0x23: {  	s9 =	sor.u32 $0xD0000000, s2;
	s6 =	simm.s32 $0x108;
	_ =	swait.ge @!p0 [sflag:s8], $0x0  }
0x24: {  	s3 =	sadd.s32 $0x88, s3;
	s6 =	simm.s32 @!p1 $0x1082;
	[sflag:s4] =	ssyncset.s32 $0xFFFFF086  }
0x25: {  	[simem:s6], [sflag:s4] =	dma.local [hbm:s3], $0xF7A  }
0x26: {  	[smem:$0x3F91] =	sst s1;
	(tag) =	ssettag s2;
	_ =	strace s9  }
0x27: {  	s1 =	sld [smem:$0x3FA1]  }
0x28: {  	s2 =	sld [smem:$0x3FA2]  }
0x29: {  	s4 =	sld [smem:$0x3FA4]  }
0x2a: {  	p0 =	seq.s32 s5, $0x0;
	s5 =	sld [smem:$0x3FA5]  }
0x2b: {  	s6 =	sld [smem:$0x3FA6]  }
0x2c: {  	s7 =	sld [smem:$0x3FA7]  }
0x2d: {  	s3 =	simm.s32 $0x108;
	s8 =	sld [smem:$0x3FA8]  }
0x2e: {  	s3 =	simm.s32 @!p0 $0x1082;
	s9 =	sld [smem:$0x3FA9]  }
0x2f: {  	lr =	sadd.s32 s0, s3;
	s0 =	sld [smem:$0x3FA0]  }
0x30: {  	s3 =	sld [smem:$0x3FA3]  }
0x31: {  	[smem:$0x3FAC] =	sst s10  }
0x32: {  	s10 =	sld [smem:$0x3FAA];
	_ =	sdelay $0x3  }
0x33: {  	p0 =	seq.s32 s10, $0x1;
	s10 =	sld [smem:$0x3FAC];
	_ =	sdelay $0x3  }
0x34: {  	[smem:$0x3FAC] =	sst s10  }
0x35: {  	s10 =	sld [smem:$0x3FAB];
	_ =	sdelay $0x3  }
0x36: {  	p1 =	seq.s32 s10, $0x1;
	s10 =	sld [smem:$0x3FAC];
	_ =	sdelay $0x3  }
0x37: {  	[smem:$0x3FAC] =	sst s10  }
0x38: {  	s10 =	sld [smem:$0x3FAD]  }
0x39: {  	_ = 	snop;
	(pc) =	sbr.ind lr, $3  }
0x3a: {  	_ = 	snop  }
0x3b: {  	_ = 	snop  }
0x3c: {  	p2 =	seq.s32 s10, $0x1;
	s10 =	sld [smem:$0x3FAC]  }
0x3d: {  	_ =	shalt  }
0x3e: {  	_ =	shalt  }
0x3f: {  	_ =	shalt  }
0x40: {  	_ =	shalt  }
0x41: {  	_ =	shalt  }
0x42: {  	_ =	shalt  }
0x43: {  	_ =	shalt  }
0x44: {  	_ =	shalt  }
0x45: {  	_ =	shalt  }
0x46: {  	_ =	shalt  }
0x47: {  	_ =	shalt  }
0x48: {  	_ =	shalt  }
0x49: {  	_ =	shalt  }
0x4a: {  	_ =	shalt  }
0x4b: {  	_ =	shalt  }
0x4c: {  	_ =	shalt  }
0x4d: {  	_ =	shalt  }
0x4e: {  	_ =	shalt  }
0x4f: {  	_ =	shalt  }
0x50: {  	_ =	shalt  }
0x51: {  	_ =	shalt  }
0x52: {  	_ =	shalt  }
0x53: {  	_ =	shalt  }
0x54: {  	_ =	shalt  }
0x55: {  	_ =	shalt  }
0x56: {  	_ =	shalt  }
0x57: {  	_ =	shalt  }
0x58: {  	_ =	shalt  }
0x59: {  	_ =	shalt  }
0x5a: {  	_ =	shalt  }
0x5b: {  	_ =	shalt  }
0x5c: {  	_ =	shalt  }
0x5d: {  	_ =	shalt  }
0x5e: {  	_ =	shalt  }
0x5f: {  	_ =	shalt  }
0x60: {  	_ =	shalt  }
0x61: {  	_ =	shalt  }
0x62: {  	_ =	shalt  }
0x63: {  	_ =	shalt  }
0x64: {  	_ =	shalt  }
0x65: {  	_ =	shalt  }
0x66: {  	_ =	shalt  }
0x67: {  	_ =	shalt  }
0x68: {  	_ =	shalt  }
0x69: {  	_ =	shalt  }
0x6a: {  	_ =	shalt  }
0x6b: {  	_ =	shalt  }
0x6c: {  	_ =	shalt  }
0x6d: {  	_ =	shalt  }
0x6e: {  	_ =	shalt  }
0x6f: {  	_ =	shalt  }
0x70: {  	_ =	shalt  }
0x71: {  	_ =	shalt  }
0x72: {  	_ =	shalt  }
0x73: {  	_ =	shalt  }
0x74: {  	_ =	shalt  }
0x75: {  	_ =	shalt  }
0x76: {  	_ =	shalt  }
0x77: {  	_ =	shalt  }
0x78: {  	_ =	shalt  }
0x79: {  	_ =	shalt  }
0x7a: {  	_ =	shalt  }
0x7b: {  	_ =	shalt  }
0x7c: {  	_ =	shalt  }
0x7d: {  	_ =	shalt  }
0x7e: {  	_ =	shalt  }
0x7f: {  	_ =	shalt  }
0x80: {  	_ =	shalt  }
0x81: {  	_ =	shalt  }
0x82: {  	_ =	shalt  }
0x83: {  	_ =	shalt  }
0x84: {  	_ =	shalt  }
0x85: {  	_ =	shalt  }
0x86: {  	_ =	shalt  }
0x87: {  	_ =	shalt  }
.Lfunc_end0:
.L_simem_size_0:
called_computation_lowered:
.L_overlay_start_0:
0x88: {  	s2 =	sld [smem:$0x3FD9]  }
0x89: {  	s3 =	sld [smem:$0x3FFE];
	_ =	sdelay $0x1  }
0x8a: {  	s1 =	srdreg.scid  }
0x8b: {  	s0 =	sand.u32 $0x1, s1  }
0x8c: {  	s14 =	sshll.u32 s0, $0xA;
	s2 =	sadd.s32 s3, s2  }
0x8d: {  	s2 =	sadd.s32 s2, s14  }
0x8e: {  	[smem:$0x3FB8] =	sst s2  }
0x8f: {  	_ = 	snop  }
0x90: {  	s2 =	sld [smem:$0x3FC7]  }
0x91: {  	s15 =	sld [smem:$0x3FD0]  }
0x92: {  	s4 =	sld [smem:$0x3FC6]  }
0x93: {  	s5 =	sld [smem:$0x3FC4]  }
0x94: {  	s7 =	simm.s32 $0xA;
	s8 =	simm.s32 $0x10;
	s6 =	sld [smem:$0x3FC3]  }
0x95: {  	[smem:s8], [sflag:s7] =	dma.local [hbm:s15], $0x1  }
0x96: {  	_ =	swait.eq [sflag:s7], $0x1  }
0x97: {  	[sflag:s7] =	ssyncset.done $0x0  }
0x98: {  	s16 =	sld [smem:$0x10];
	[sflag:s7] =	ssyncadd.s32 $0xFFFFFFFF  }
0x99: {  	s17 =	sld [smem:$0x11];
	(tm) =	ssettm $0x1  }
0x9a: {  	s18 =	sld [smem:$0x3FFB];
	_ =	sdelay $0x3  }
0x9b: {  	_ =	strace s18  }
0x9c: {  	s8 =	sld [smem:$0x3FFC];
	_ =	sdelay $0x3  }
0x9d: {  	_ =	strace s8  }
0x9e: {  	s8 =	sld [smem:$0x3FFD];
	_ =	sdelay $0x3  }
0x9f: {  	_ =	strace s8  }
0xa0: {  	_ =	strace $0x8FFFFFFF  }
0xa1: {  	s19 =	sld [smem:$0x3FDB];
	_ =	sdelay $0x1  }
0xa2: {  	s9 =	simm.s32 $_scs_section_size  }
0xa3: {  	s10 =	simm.s32 $_size__tile_overlayer_lowered;
	s11 =	simm.s32 $_tile_overlayer_lowered  }
0xa4: {  	s22 =	simm.s32 $0x1BFF;
	s21 =	sshll.u32 s11, $0x1;
	s8 =	sadd.s32 s9, s19  }
0xa5: {  	s12 =	simm.s32 $0x0;
	s20 =	sshll.u32 s10, $0x1;
	s10 =	sadd.s32 s21, s8  }
0xa6: {  	[timem:s12], [sflag:s22] =	dma.local [hbm:s10], s20  }
0xa7: {  	_ =	swait.ge [sflag:s22], s20  }
0xa8: {  	s9 =	ssub.s32 $0x0, s20;
	[sflag:s22] =	ssyncset.done $0x0  }
0xa9: {  	[sflag:s22] =	ssyncadd.s32 s9;
	_ =	sdelay $0x1  }
0xaa: {  	s23 =	simm.s32 $0x1B8B  }
0xab: {  	_ =	swait.ge [sflag:s23], $0x1  }
0xac: {  	[sflag:s23] =	ssyncset.done $0x0  }
0xad: {  	s25 =	simm.s32 $0x1B8E;
	s24 =	sld [smem:$0x3FFE];
	[sflag:s23] =	ssyncadd.s32 $0xFFFFFFFF  }
0xae: {  	s26 =	simm.s32 $execute0_lowered;
	[smem:$0x3FD2] =	sst s25  }
0xaf: {  	s10 =	sshll.u32 s26, $0x1;
	_ =	strace $0x80000046;
	[dreg:$0x1] =	wrdreg $0xFFFFFFFF  }
0xb0: {  	s28 =	simm.s32 $_size_execute0_lowered;
	s8 =	sadd.s32 s8, s10;
	[dreg:$0x0] =	wrdreg $0x0  }
0xb1: {  	s10 =	sshll.u32 s28, $0x1;
	[dreg:$0x2] =	wrdreg s8  }
0xb2: {  	[dreg:$0x3] =	wrdreg s10  }
0xb3: {  	[dreg:$0x4] =	wrdreg $0xC0  }
0xb4: {  	_ =	task [dreg:s12], $0x5FFFF  }
0xb5: {  	[dreg:$0x1] =	wrdreg $0xFFFFFFFF  }
0xb6: {  	[dreg:$0x0] =	wrdreg $0x60  }
0xb7: {  	[dreg:$0x2] =	wrdreg s24  }
0xb8: {  	[dreg:$0x3] =	wrdreg s16  }
0xb9: {  	[dreg:$0x4] =	wrdreg s2  }
0xba: {  	[dreg:$0x5] =	wrdreg s4  }
0xbb: {  	[dreg:$0x6] =	wrdreg s17  }
0xbc: {  	[dreg:$0x7] =	wrdreg s5  }
0xbd: {  	[dreg:$0x8] =	wrdreg s6  }
0xbe: {  	[dreg:$0x9] =	wrdreg $0x42200  }
0xbf: {  	[dreg:$0xa] =	wrdreg $0x9  }
0xc0: {  	_ =	task.clear_ibuf [dreg:s12], $0xBFFFF;
	_ =	strace $0x90000046  }
0xc1: {  	s29 =	simm.s32 $0x9;
	_ =	strace $0x80000048  }
0xc2: {  	_ =	swait.ge [sflag:s29], $0x1  }
0xc3: {  	[sflag:s29] =	ssyncadd.s32 $0xFFFFFFFF  }
0xc4: {  	_ =	strace $0x90000048  }
0xc5: {  	_ =	sfence  }
0xc6: {  	s30 =	sld [smem:$0x0];
	_ =	sdelay $0x2  }
0xc7: {  	s31 =	sshll.u32 s1, $0xD;
	s1 =	sshrl.u32 s1, $0x2  }
0xc8: {  	s3 =	sand.u32 $0x4000, s31;
	s1 =	sadd.s32 s1, s30  }
0xc9: {  	s0 =	sor.u32 s3, s0;
	s1 =	sshll.u32 s1, $0x11  }
0xca: {  	s0 =	sor.u32 s1, s0  }
0xcb: {  	s0 =	sadd.s32 $0x8F2B, s0  }
0xcc: {  	[sflag:s0] =	ssyncadd.remote.s32 $0x1  }
0xcd: {  	_ =	sfence.sel $0xFFFF  }
0xce: {  	[dreg:$0x0] =	wrdreg $0xFFFFFFFF;
	(pc) =	sbr.abs _section_cstart, $3  }
0xcf: {  	[dreg:$0x1] =	wrdreg $0xFFFFFFFF  }
0xd0: {  	_ =	task.clear_ibuf [dreg:s12], $0x2FFFF;
	_ =	strace $0x9FFFFFFF  }
0xd1: {  	(tm) =	ssettm $0x7FFFFFFF  }
tec
execute0_lowered:
.L_overlay_start_1:
0x0: {  	(tag) =	ssettag $0x1  }
0x1: {  	s0 =	rddreg [dreg:$0x0]  }
0x2: {  	s3 =	rddreg [dreg:$0x1]  }
0x3: {  	s6 =	rddreg [dreg:$0x2]  }
0x4: {  	s1 =	simm.s32 $0x0;
	s2 =	srdreg.scid;
	s18 =	stileid.u32  }
0x5: {  	[smem:$0x7FF] =	sst s1;
	s9 =	sadd.s32 $0x3A00, s0;
	s2 =	sand.u32 $0x1, s2  }
0x6: {  	s10 =	sshll.u32 s18, $0x9;
	s5 =	ssub.s32 $0x2, s2;
	s11 =	sshll.u32 s2, $0xE  }
0x7: {  	s4 =	sor.u32 $0x80, s10;
	s12 =	sshrl.u32 s5, $0x1;
	s7 =	sor.u32 s10, s11  }
0x8: {  	s8 =	sor.u32 s11, s4;
	s17 =	sor.u32 $0x2000, s11;
	s13 =	smul.u32 $0xA, s7  }
0x9: {  	s23 =	sor.u32 $0x8000, s11;
	s7 =	sor.u32 $0x100, s10;
	s14 =	smul.u32 $0xA, s8  }
0xa: {  	s8 =	sor.u32 $0x180, s10;
	s5 =	ssub.s32 s5, s12;
	s26 =	sor.u32 s10, s17  }
0xb: {  	s20 =	sor.u32 s4, s17;
	s15 =	sor.u32 s11, s7;
	s16 =	sor.u32 s11, s8  }
0xc: {  	s21 =	sor.u32 s7, s17;
	s22 =	sor.u32 s8, s17;
	s15 =	smul.u32 $0xA, s15  }
0xd: {  	s11 =	sor.u32 $0xA000, s11;
	s5 =	smax.u32 s5, $0x1;
	s25 =	smul.u32 $0xA, s16  }
0xe: {  	s13 =	sadd.s32 s9, s13;
	s14 =	sadd.s32 s9, s14;
	s16 =	smul.u32 $0xA, s26  }
0xf: {  	s24 =	smul.u32 $0xA, s22;
	s22 =	sor.u32 s7, s11;
	[dreg:$0x9] =	wrdreg s13  }
0x10: {  	[dreg:$0xa] =	wrdreg s14;
	s19 =	sadd.s32 s9, s15;
	s12 =	sadd.s32 s9, s25  }
0x11: {  	s13 =	sadd.s32 s9, s16;
	[dreg:$0xc] =	wrdreg s12;
	s12 =	smul.u32 $0xA, s20  }
0x12: {  	s25 =	sor.u32 s10, s23;
	[dreg:$0xd] =	wrdreg s13;
	s13 =	smul.u32 $0xA, s21  }
0x13: {  	s16 =	sor.u32 s4, s23;
	s15 =	sor.u32 s8, s23;
	s26 =	smul.u32 $0xA, s25  }
0x14: {  	s10 =	sor.u32 s10, s11;
	[dreg:$0xb] =	wrdreg s19;
	s17 =	smul.u32 $0xA, s16  }
0x15: {  	s19 =	sor.u32 s7, s23;
	s20 =	smul.u32 $0xA, s15;
	s15 =	rddreg [dreg:$0x3]  }
0x16: {  	s10 =	smul.u32 $0xA, s10;
	s23 =	rddreg [dreg:$0x4];
	s12 =	sadd.s32 s9, s12  }
0x17: {  	s21 =	sor.u32 s4, s11;
	s13 =	sadd.s32 s9, s13;
	[dreg:$0xe] =	wrdreg s12  }
0x18: {  	s25 =	smul.u32 $0x4E2, s18;
	s10 =	sadd.s32 s9, s10;
	[dreg:$0xf] =	wrdreg s13  }
0x19: {  	s11 =	sor.u32 s8, s11;
	s14 =	smul.u32 $0xA, s19;
	[dreg:$0x15] =	wrdreg s10  }
0x1a: {  	s11 =	smul.u32 $0xA, s11;
	s12 =	sadd.s32 s9, s24;
	s24 =	rddreg [dreg:$0x5]  }
0x1b: {  	s19 =	sadd.s32 s25, s6;
	s13 =	sadd.s32 s9, s26;
	[dreg:$0x10] =	wrdreg s12  }
0x1c: {  	s23 =	sadd.s32 s25, s23;
	s14 =	sadd.s32 s9, s14;
	[dreg:$0x11] =	wrdreg s13  }
0x1d: {  	s26 =	smul.u32 $0x61A80, s18;
	s10 =	sshrl.u32 s4, $0x3;
	[dreg:$0x13] =	wrdreg s14  }
0x1e: {  	s12 =	sadd.s32 s9, s17;
	s14 =	smul.u32 $0xA, s22;
	s17 =	rddreg [dreg:$0x6]  }
0x1f: {  	s13 =	sadd.s32 s9, s20;
	s20 =	rddreg [dreg:$0x7];
	s22 =	sadd.s32 s25, s24  }
0x20: {  	s24 =	sadd.s32 $0xF42C00, s0;
	s29 =	sadd.s32 s15, s10;
	[dreg:$0x12] =	wrdreg s12  }
0x21: {  	s12 =	smul.u32 $0xA, s21;
	[dreg:$0x14] =	wrdreg s13;
	s21 =	sadd.s32 s25, s3  }
0x22: {  	s25 =	sadd.s32 $0x800, s0;
	s6 =	sshrl.u32 s26, $0x2;
	s13 =	sshrl.u32 s8, $0x3  }
0x23: {  	s16 =	sadd.s32 s17, s10;
	s8 =	simm.s32 $0xA0;
	s10 =	simm.s32 $0x19A0  }
0x24: {  	s14 =	sadd.s32 s9, s14;
	s26 =	sadd.s32 s6, s20;
	s31 =	sadd.s32 s15, s13  }
0x25: {  	s6 =	simm.s32 $0x2;
	s12 =	sadd.s32 s9, s12;
	[dreg:$0x17] =	wrdreg s14  }
0x26: {  	s9 =	sadd.s32 s9, s11;
	s11 =	sshrl.u32 s7, $0x3;
	[dreg:$0x16] =	wrdreg s12  }
0x27: {  	s14 =	sshll.u32 s18, $0x6;
	s7 =	simm.s32 $0x50;
	[dreg:$0x18] =	wrdreg s9  }
0x28: {  	s9 =	smul.u32 $0x30D40, s2;
	s28 =	sadd.s32 s15, s14;
	s30 =	sadd.s32 s15, s11  }
0x29: {  	s0 =	sadd.s32 s17, s11;
	s2 =	sadd.s32 s17, s13;
	s3 =	sadd.s32 s17, s14  }
0x2a: {  	s4 =	sor.u32 $0x1C02, s14;
	s11 =	simm.s32 $0x80;
	s12 =	simm.s32 $0x1A20  }
0x2b: {  	s15 =	sadd.s32 $0x186A0, s9;
	s17 =	sadd.s32 $0x61A80, s9;
	s18 =	sadd.s32 $0x7A120, s9;
	v0 =	vmov s9  }
0x2c: {  	s13 =	simm.s32 $0x0;
	_ =	strace $0x80000047;
	s9 =	simm.s32 $0x1;
	v1 =	vmov s15;
	v2 =	vmov s17;
	v3 =	vmov s18  }
.LBB2_1:
0x2d: {  	s14 =	sshrl.u32 s26, $0x3  }
0x2e: {  	[spmem:s14], [sflag:s4] =	dma.local [hbm:s25], $0x30D4  }
0x2f: {  	_ =	swait.ge [sflag:s6], $0x30D4  }
0x30: {  	[sflag:s6] =	ssyncset.done $0x0  }
0x31: {  	[sflag:s6] =	ssyncadd.s32 $0xFFFFCF2C  }
0x32: {  	s15 =	sadd.s32 $0x0, s21;
	[bflag:$0x0] =	sbarrier.arrive $0xFFFF  }
0x33: {  	[tilespmem:s1], [sflag:$0x2] =	stream.linear.gather [hbm4b:s15+s1], $0x50, $0x38;
	[tilespmem:$0x1C8C0] =	vst v63  }
0x34: {  	_ =	swait.ge [sflag:s6], $0x50  }
0x35: {  	[sflag:s6] =	ssyncset.done $0x0  }
0x36: {  	s18 =	sadd.s32 $0x0, s19;
	[sflag:s6] =	ssyncadd.s32 $0xFFFFFFB0  }
0x37: {  	[tilespmem:s7], [sflag:$0x2] =	stream.linear.gather [hbm4b:s18+s1], $0x50, $0x38;
	[tilespmem:$0x1C8C0] =	vst v63  }
0x38: {  	_ =	swait.ge [sflag:s6], $0x50  }
0x39: {  	[sflag:s6] =	ssyncset.done $0x0  }
0x3a: {  	[sflag:s6] =	ssyncadd.s32 $0xFFFFFFB0  }
0x3b: {  	v4 =	vld [tilespmem:$0x40]  }
0x3c: {  	v5 =	vld [tilespmem:$0x20]  }
0x3d: {  	v6 =	vld [tilespmem:$0x30]  }
0x3e: {  	v7 =	vld [tilespmem:$0x10]  }
0x3f: {  	v8 =	vld [tilespmem:$0x0]  }
0x40: {  	v4 =	vadd.s32 v0, v4  }
0x41: {  	v5 =	vadd.s32 v0, v5;
	[tilespmem:$0x40] =	vst v4  }
0x42: {  	[tilespmem:$0x20] =	vst v5;
	v4 =	vadd.s32 v0, v6  }
0x43: {  	v5 =	vadd.s32 v0, v7;
	[tilespmem:$0x30] =	vst v4  }
0x44: {  	v4 =	vadd.s32 v0, v8;
	[tilespmem:$0x10] =	vst v5  }
0x45: {  	[tilespmem:$0x0] =	vst v4  }
0x46: {  	[tilespmem:s8], [sflag:$0x1] =	stream.indirect.gather [hbm4b:s24+s7], $0x50, s1, s7, $0xb8;
	[tilespmem:$0x1C8C0] =	vst v63  }
0x47: {  	_ =	swait.ge [sflag:s9], $0x1900  }
0x48: {  	s15 =	simm.s32 $0xA;
	[sflag:s9] =	ssyncset.done $0x0  }
.LBB2_2:
0x49: {  	p0 =	sne.s32 s15, $0x4D8  }
0x4a: {  	[sflag:s9] =	ssyncadd.s32 $0xFFFFE700;
	s17 =	smov.u32 s15;
	s15 =	sadd.s32 $0xA, s15  }
0x4b: {  	[spmem:s20] =	stream.indirect.scatter.add.f32 [tilespmem:s8], [sflag:$0x2], $0x50, s7, s7, $0xb8;
	[tilespmem:$0x1C8C0] =	vst v63  }
0x4c: {  	_ =	swait.ge [sflag:s6], $0x1900  }
0x4d: {  	[sflag:s6] =	ssyncset.done $0x0  }
0x4e: {  	s18 =	sadd.s32 s17, s21;
	[sflag:s6] =	ssyncadd.s32 $0xFFFFE700  }
0x4f: {  	[tilespmem:s1], [sflag:$0x2] =	stream.linear.gather [hbm4b:s18+s1], $0x50, $0x38;
	[tilespmem:$0x1C8C0] =	vst v63  }
0x50: {  	_ =	swait.ge [sflag:s6], $0x50  }
0x51: {  	[sflag:s6] =	ssyncset.done $0x0  }
0x52: {  	s17 =	sadd.s32 s17, s19;
	[sflag:s6] =	ssyncadd.s32 $0xFFFFFFB0  }
0x53: {  	[tilespmem:s7], [sflag:$0x2] =	stream.linear.gather [hbm4b:s17+s1], $0x50, $0x38;
	[tilespmem:$0x1C8C0] =	vst v63  }
0x54: {  	_ =	swait.ge [sflag:s6], $0x50  }
0x55: {  	[sflag:s6] =	ssyncset.done $0x0  }
0x56: {  	[sflag:s6] =	ssyncadd.s32 $0xFFFFFFB0  }
0x57: {  	v4 =	vld [tilespmem:$0x40]  }
0x58: {  	v5 =	vld [tilespmem:$0x20]  }
0x59: {  	v6 =	vld [tilespmem:$0x30]  }
0x5a: {  	v7 =	vld [tilespmem:$0x10]  }
0x5b: {  	v8 =	vld [tilespmem:$0x0]  }
0x5c: {  	v4 =	vadd.s32 v0, v4  }
0x5d: {  	v5 =	vadd.s32 v0, v5;
	[tilespmem:$0x40] =	vst v4  }
0x5e: {  	[tilespmem:$0x20] =	vst v5;
	v4 =	vadd.s32 v0, v6  }
0x5f: {  	v5 =	vadd.s32 v0, v7;
	[tilespmem:$0x30] =	vst v4  }
.Ltmp0:
0x60: {  	v4 =	vadd.s32 v0, v8;
	[tilespmem:$0x10] =	vst v5;
	(pc) =	sbr.rel @p0 .LBB2_2-.Ltmp0, $4  }
0x61: {  	[tilespmem:$0x0] =	vst v4  }
0x62: {  	[tilespmem:s8], [sflag:$0x1] =	stream.indirect.gather [hbm4b:s24+s7], $0x50, s1, s7, $0xb8;
	[tilespmem:$0x1C8C0] =	vst v63  }
0x63: {  	_ =	swait.ge [sflag:s9], $0x1900  }
0x64: {  	[sflag:s9] =	ssyncset.done $0x0  }
0x65: {  	[sflag:s9] =	ssyncadd.s32 $0xFFFFE700  }
0x66: {  	[spmem:s20] =	stream.indirect.scatter.add.f32 [tilespmem:s8], [sflag:$0x2], $0x50, s7, s7, $0xb8;
	[tilespmem:$0x1C8C0] =	vst v63  }
0x67: {  	_ =	swait.ge [sflag:s6], $0x1900  }
0x68: {  	[sflag:s6] =	ssyncset.done $0x0  }
0x69: {  	[sflag:s6] =	ssyncadd.s32 $0xFFFFE700  }
0x6a: {  	s15 =	simm.s32 $0x0;
	[bflag:$0x0] =	sbarrier.arrive $0xFFFF  }
0x6b: {  	[tilespmem:s10], [sflag:$0x2] =	stream.linear.gather [hbm4b:s28+s15], $0x80, $0x38;
	[tilespmem:$0x1C8C0] =	vst v63  }
0x6c: {  	_ =	swait.ge [sflag:s6], $0x80  }
0x6d: {  	[sflag:s6] =	ssyncset.done $0x0  }
0x6e: {  	[sflag:s6] =	ssyncadd.s32 $0xFFFFFF80  }
0x6f: {  	[tilespmem:s12], [sflag:$0x1] =	stream.indirect.gather [spmem:s20], $0x50, s10, s11, $0xb8;
	[tilespmem:$0x1C8C0] =	vst v63  }
0x70: {  	_ =	swait.ge [sflag:s9], $0x2800  }
0x71: {  	[sflag:s9] =	ssyncset.done $0x0  }
0x72: {  	s17 =	rddreg [dreg:$0x9];
	[sflag:s9] =	ssyncadd.s32 $0xFFFFD800  }
0x73: {  	[hbm4b:s17+s15] =	stream.linear.scatter [tilespmem:s12], [sflag:$0x2], $0x2800, $0x38;
	[tilespmem:$0x1C8C0] =	vst v63  }
0x74: {  	_ =	swait.ge [sflag:s6], $0x2800  }
0x75: {  	[sflag:s6] =	ssyncset.done $0x0  }
0x76: {  	[sflag:s6] =	ssyncadd.s32 $0xFFFFD800  }
0x77: {  	[tilespmem:s10], [sflag:$0x2] =	stream.linear.gather [hbm4b:s29+s15], $0x80, $0x38;
	[tilespmem:$0x1C8C0] =	vst v63  }
0x78: {  	_ =	swait.ge [sflag:s6], $0x80  }
0x79: {  	[sflag:s6] =	ssyncset.done $0x0  }
0x7a: {  	[sflag:s6] =	ssyncadd.s32 $0xFFFFFF80  }
0x7b: {  	[tilespmem:s12], [sflag:$0x1] =	stream.indirect.gather [spmem:s20], $0x50, s10, s11, $0xb8;
	[tilespmem:$0x1C8C0] =	vst v63  }
0x7c: {  	_ =	swait.ge [sflag:s9], $0x2800  }
0x7d: {  	[sflag:s9] =	ssyncset.done $0x0  }
0x7e: {  	s18 =	rddreg [dreg:$0xa];
	[sflag:s9] =	ssyncadd.s32 $0xFFFFD800  }
0x7f: {  	[hbm4b:s18+s15] =	stream.linear.scatter [tilespmem:s12], [sflag:$0x2], $0x2800, $0x38;
	[tilespmem:$0x1C8C0] =	vst v63  }
0x80: {  	_ =	swait.ge [sflag:s6], $0x2800  }
0x81: {  	[sflag:s6] =	ssyncset.done $0x0  }
0x82: {  	[sflag:s6] =	ssyncadd.s32 $0xFFFFD800  }
0x83: {  	[tilespmem:s10], [sflag:$0x2] =	stream.linear.gather [hbm4b:s30+s15], $0x80, $0x38;
	[tilespmem:$0x1C8C0] =	vst v63  }
0x84: {  	_ =	swait.ge [sflag:s6], $0x80  }
0x85: {  	[sflag:s6] =	ssyncset.done $0x0  }
0x86: {  	[sflag:s6] =	ssyncadd.s32 $0xFFFFFF80  }
0x87: {  	[tilespmem:s12], [sflag:$0x1] =	stream.indirect.gather [spmem:s20], $0x50, s10, s11, $0xb8;
	[tilespmem:$0x1C8C0] =	vst v63  }
0x88: {  	_ =	swait.ge [sflag:s9], $0x2800  }
0x89: {  	[sflag:s9] =	ssyncset.done $0x0  }
0x8a: {  	s18 =	rddreg [dreg:$0xb];
	[sflag:s9] =	ssyncadd.s32 $0xFFFFD800  }
0x8b: {  	[hbm4b:s18+s15] =	stream.linear.scatter [tilespmem:s12], [sflag:$0x2], $0x2800, $0x38;
	[tilespmem:$0x1C8C0] =	vst v63  }
0x8c: {  	_ =	swait.ge [sflag:s6], $0x2800  }
0x8d: {  	[sflag:s6] =	ssyncset.done $0x0  }
0x8e: {  	[sflag:s6] =	ssyncadd.s32 $0xFFFFD800  }
0x8f: {  	[tilespmem:s10], [sflag:$0x2] =	stream.linear.gather [hbm4b:s31+s15], $0x80, $0x38;
	[tilespmem:$0x1C8C0] =	vst v63  }
0x90: {  	_ =	swait.ge [sflag:s6], $0x80  }
0x91: {  	[sflag:s6] =	ssyncset.done $0x0  }
0x92: {  	[sflag:s6] =	ssyncadd.s32 $0xFFFFFF80  }
0x93: {  	[tilespmem:s12], [sflag:$0x1] =	stream.indirect.gather [spmem:s20], $0x50, s10, s11, $0xb8;
	[tilespmem:$0x1C8C0] =	vst v63  }
0x94: {  	_ =	swait.ge [sflag:s9], $0x2800  }
0x95: {  	[sflag:s9] =	ssyncset.done $0x0  }
0x96: {  	s18 =	rddreg [dreg:$0xc];
	[sflag:s9] =	ssyncadd.s32 $0xFFFFD800  }
0x97: {  	[hbm4b:s18+s15] =	stream.linear.scatter [tilespmem:s12], [sflag:$0x2], $0x2800, $0x38;
	[tilespmem:$0x1C8C0] =	vst v63  }
0x98: {  	_ =	swait.ge [sflag:s6], $0x2800  }
0x99: {  	[sflag:s6] =	ssyncset.done $0x0  }
0x9a: {  	[sflag:s6] =	ssyncadd.s32 $0xFFFFD800  }
0x9b: {  	[bflag:$0x0] =	sbarrier.arrive $0xFFFF  }
0x9c: {  	[spmem:s14], [sflag:s4] =	dma.local [hbm:s25], $0x30D4  }
0x9d: {  	_ =	swait.ge [sflag:s6], $0x30D4  }
0x9e: {  	[sflag:s6] =	ssyncset.done $0x0  }
0x9f: {  	[sflag:s6] =	ssyncadd.s32 $0xFFFFCF2C  }
0xa0: {  	s17 =	sadd.s32 $0x0, s21;
	[bflag:$0x0] =	sbarrier.arrive $0xFFFF  }
0xa1: {  	[tilespmem:s1], [sflag:$0x2] =	stream.linear.gather [hbm4b:s17+s1], $0x50, $0x38;
	[tilespmem:$0x1C8C0] =	vst v63  }
0xa2: {  	_ =	swait.ge [sflag:s6], $0x50  }
0xa3: {  	[sflag:s6] =	ssyncset.done $0x0  }
0xa4: {  	s18 =	sadd.s32 $0x0, s19;
	[sflag:s6] =	ssyncadd.s32 $0xFFFFFFB0  }
0xa5: {  	[tilespmem:s7], [sflag:$0x2] =	stream.linear.gather [hbm4b:s18+s1], $0x50, $0x38;
	[tilespmem:$0x1C8C0] =	vst v63  }
0xa6: {  	_ =	swait.ge [sflag:s6], $0x50  }
0xa7: {  	[sflag:s6] =	ssyncset.done $0x0  }
0xa8: {  	[sflag:s6] =	ssyncadd.s32 $0xFFFFFFB0  }
0xa9: {  	v4 =	vld [tilespmem:$0x40]  }
0xaa: {  	v5 =	vld [tilespmem:$0x20]  }
0xab: {  	v6 =	vld [tilespmem:$0x30]  }
0xac: {  	v7 =	vld [tilespmem:$0x10]  }
0xad: {  	v8 =	vld [tilespmem:$0x0]  }
0xae: {  	v4 =	vadd.s32 v1, v4  }
0xaf: {  	v5 =	vadd.s32 v1, v5;
	[tilespmem:$0x40] =	vst v4  }
0xb0: {  	[tilespmem:$0x20] =	vst v5;
	v4 =	vadd.s32 v1, v6  }
0xb1: {  	v5 =	vadd.s32 v1, v7;
	[tilespmem:$0x30] =	vst v4  }
0xb2: {  	v4 =	vadd.s32 v1, v8;
	[tilespmem:$0x10] =	vst v5  }
0xb3: {  	[tilespmem:$0x0] =	vst v4  }
0xb4: {  	[tilespmem:s8], [sflag:$0x1] =	stream.indirect.gather [hbm4b:s24+s7], $0x50, s1, s7, $0xb8;
	[tilespmem:$0x1C8C0] =	vst v63  }
0xb5: {  	_ =	swait.ge [sflag:s9], $0x1900  }
0xb6: {  	s15 =	simm.s32 $0xA;
	[sflag:s9] =	ssyncset.done $0x0  }
.LBB2_4:
0xb7: {  	p0 =	sne.s32 s15, $0x4D8  }
0xb8: {  	[sflag:s9] =	ssyncadd.s32 $0xFFFFE700;
	s17 =	smov.u32 s15;
	s15 =	sadd.s32 $0xA, s15  }
0xb9: {  	[spmem:s20] =	stream.indirect.scatter.add.f32 [tilespmem:s8], [sflag:$0x2], $0x50, s7, s7, $0xb8;
	[tilespmem:$0x1C8C0] =	vst v63  }
0xba: {  	_ =	swait.ge [sflag:s6], $0x1900  }
0xbb: {  	[sflag:s6] =	ssyncset.done $0x0  }
0xbc: {  	s18 =	sadd.s32 s17, s21;
	[sflag:s6] =	ssyncadd.s32 $0xFFFFE700  }
0xbd: {  	[tilespmem:s1], [sflag:$0x2] =	stream.linear.gather [hbm4b:s18+s1], $0x50, $0x38;
	[tilespmem:$0x1C8C0] =	vst v63  }
0xbe: {  	_ =	swait.ge [sflag:s6], $0x50  }
0xbf: {  	[sflag:s6] =	ssyncset.done $0x0  }
0xc0: {  	s17 =	sadd.s32 s17, s19;
	[sflag:s6] =	ssyncadd.s32 $0xFFFFFFB0  }
0xc1: {  	[tilespmem:s7], [sflag:$0x2] =	stream.linear.gather [hbm4b:s17+s1], $0x50, $0x38;
	[tilespmem:$0x1C8C0] =	vst v63  }
0xc2: {  	_ =	swait.ge [sflag:s6], $0x50  }
0xc3: {  	[sflag:s6] =	ssyncset.done $0x0  }
0xc4: {  	[sflag:s6] =	ssyncadd.s32 $0xFFFFFFB0  }
0xc5: {  	v4 =	vld [tilespmem:$0x40]  }
0xc6: {  	v5 =	vld [tilespmem:$0x20]  }
0xc7: {  	v6 =	vld [tilespmem:$0x30]  }
0xc8: {  	v7 =	vld [tilespmem:$0x10]  }
0xc9: {  	v8 =	vld [tilespmem:$0x0]  }
0xca: {  	v4 =	vadd.s32 v1, v4  }
0xcb: {  	v5 =	vadd.s32 v1, v5;
	[tilespmem:$0x40] =	vst v4  }
0xcc: {  	[tilespmem:$0x20] =	vst v5;
	v4 =	vadd.s32 v1, v6  }
0xcd: {  	v5 =	vadd.s32 v1, v7;
	[tilespmem:$0x30] =	vst v4  }
.Ltmp1:
0xce: {  	v4 =	vadd.s32 v1, v8;
	[tilespmem:$0x10] =	vst v5;
	(pc) =	sbr.rel @p0 .LBB2_4-.Ltmp1, $4  }
0xcf: {  	[tilespmem:$0x0] =	vst v4  }
0xd0: {  	[tilespmem:s8], [sflag:$0x1] =	stream.indirect.gather [hbm4b:s24+s7], $0x50, s1, s7, $0xb8;
	[tilespmem:$0x1C8C0] =	vst v63  }
0xd1: {  	_ =	swait.ge [sflag:s9], $0x1900  }
0xd2: {  	[sflag:s9] =	ssyncset.done $0x0  }
0xd3: {  	[sflag:s9] =	ssyncadd.s32 $0xFFFFE700  }
0xd4: {  	[spmem:s20] =	stream.indirect.scatter.add.f32 [tilespmem:s8], [sflag:$0x2], $0x50, s7, s7, $0xb8;
	[tilespmem:$0x1C8C0] =	vst v63  }
0xd5: {  	_ =	swait.ge [sflag:s6], $0x1900  }
0xd6: {  	[sflag:s6] =	ssyncset.done $0x0  }
0xd7: {  	[sflag:s6] =	ssyncadd.s32 $0xFFFFE700  }
0xd8: {  	s15 =	simm.s32 $0x0;
	[bflag:$0x0] =	sbarrier.arrive $0xFFFF  }
0xd9: {  	[tilespmem:s10], [sflag:$0x2] =	stream.linear.gather [hbm4b:s28+s15], $0x80, $0x38;
	[tilespmem:$0x1C8C0] =	vst v63  }
0xda: {  	_ =	swait.ge [sflag:s6], $0x80  }
0xdb: {  	[sflag:s6] =	ssyncset.done $0x0  }
0xdc: {  	[sflag:s6] =	ssyncadd.s32 $0xFFFFFF80  }
0xdd: {  	[tilespmem:s12], [sflag:$0x1] =	stream.indirect.gather [spmem:s20], $0x50, s10, s11, $0xb8;
	[tilespmem:$0x1C8C0] =	vst v63  }
0xde: {  	_ =	swait.ge [sflag:s9], $0x2800  }
0xdf: {  	[sflag:s9] =	ssyncset.done $0x0  }
0xe0: {  	s17 =	rddreg [dreg:$0xd];
	[sflag:s9] =	ssyncadd.s32 $0xFFFFD800  }
0xe1: {  	[hbm4b:s17+s15] =	stream.linear.scatter [tilespmem:s12], [sflag:$0x2], $0x2800, $0x38;
	[tilespmem:$0x1C8C0] =	vst v63  }
0xe2: {  	_ =	swait.ge [sflag:s6], $0x2800  }
0xe3: {  	[sflag:s6] =	ssyncset.done $0x0  }
0xe4: {  	[sflag:s6] =	ssyncadd.s32 $0xFFFFD800  }
0xe5: {  	[tilespmem:s10], [sflag:$0x2] =	stream.linear.gather [hbm4b:s29+s15], $0x80, $0x38;
	[tilespmem:$0x1C8C0] =	vst v63  }
0xe6: {  	_ =	swait.ge [sflag:s6], $0x80  }
0xe7: {  	[sflag:s6] =	ssyncset.done $0x0  }
0xe8: {  	[sflag:s6] =	ssyncadd.s32 $0xFFFFFF80  }
0xe9: {  	[tilespmem:s12], [sflag:$0x1] =	stream.indirect.gather [spmem:s20], $0x50, s10, s11, $0xb8;
	[tilespmem:$0x1C8C0] =	vst v63  }
0xea: {  	_ =	swait.ge [sflag:s9], $0x2800  }
0xeb: {  	[sflag:s9] =	ssyncset.done $0x0  }
0xec: {  	s18 =	rddreg [dreg:$0xe];
	[sflag:s9] =	ssyncadd.s32 $0xFFFFD800  }
0xed: {  	[hbm4b:s18+s15] =	stream.linear.scatter [tilespmem:s12], [sflag:$0x2], $0x2800, $0x38;
	[tilespmem:$0x1C8C0] =	vst v63  }
0xee: {  	_ =	swait.ge [sflag:s6], $0x2800  }
0xef: {  	[sflag:s6] =	ssyncset.done $0x0  }
0xf0: {  	[sflag:s6] =	ssyncadd.s32 $0xFFFFD800  }
0xf1: {  	[tilespmem:s10], [sflag:$0x2] =	stream.linear.gather [hbm4b:s30+s15], $0x80, $0x38;
	[tilespmem:$0x1C8C0] =	vst v63  }
0xf2: {  	_ =	swait.ge [sflag:s6], $0x80  }
0xf3: {  	[sflag:s6] =	ssyncset.done $0x0  }
0xf4: {  	[sflag:s6] =	ssyncadd.s32 $0xFFFFFF80  }
0xf5: {  	[tilespmem:s12], [sflag:$0x1] =	stream.indirect.gather [spmem:s20], $0x50, s10, s11, $0xb8;
	[tilespmem:$0x1C8C0] =	vst v63  }
0xf6: {  	_ =	swait.ge [sflag:s9], $0x2800  }
0xf7: {  	[sflag:s9] =	ssyncset.done $0x0  }
0xf8: {  	s18 =	rddreg [dreg:$0xf];
	[sflag:s9] =	ssyncadd.s32 $0xFFFFD800  }
0xf9: {  	[hbm4b:s18+s15] =	stream.linear.scatter [tilespmem:s12], [sflag:$0x2], $0x2800, $0x38;
	[tilespmem:$0x1C8C0] =	vst v63  }
0xfa: {  	_ =	swait.ge [sflag:s6], $0x2800  }
0xfb: {  	[sflag:s6] =	ssyncset.done $0x0  }
0xfc: {  	[sflag:s6] =	ssyncadd.s32 $0xFFFFD800  }
0xfd: {  	[tilespmem:s10], [sflag:$0x2] =	stream.linear.gather [hbm4b:s31+s15], $0x80, $0x38;
	[tilespmem:$0x1C8C0] =	vst v63  }
0xfe: {  	_ =	swait.ge [sflag:s6], $0x80  }
0xff: {  	[sflag:s6] =	ssyncset.done $0x0  }
0x100: {  	[sflag:s6] =	ssyncadd.s32 $0xFFFFFF80  }
0x101: {  	[tilespmem:s12], [sflag:$0x1] =	stream.indirect.gather [spmem:s20], $0x50, s10, s11, $0xb8;
	[tilespmem:$0x1C8C0] =	vst v63  }
0x102: {  	_ =	swait.ge [sflag:s9], $0x2800  }
0x103: {  	[sflag:s9] =	ssyncset.done $0x0  }
0x104: {  	s18 =	rddreg [dreg:$0x10];
	[sflag:s9] =	ssyncadd.s32 $0xFFFFD800  }
0x105: {  	[hbm4b:s18+s15] =	stream.linear.scatter [tilespmem:s12], [sflag:$0x2], $0x2800, $0x38;
	[tilespmem:$0x1C8C0] =	vst v63  }
0x106: {  	_ =	swait.ge [sflag:s6], $0x2800  }
0x107: {  	[sflag:s6] =	ssyncset.done $0x0  }
0x108: {  	[sflag:s6] =	ssyncadd.s32 $0xFFFFD800  }
0x109: {  	[bflag:$0x0] =	sbarrier.arrive $0xFFFF  }
0x10a: {  	[spmem:s14], [sflag:s4] =	dma.local [hbm:s25], $0x30D4  }
0x10b: {  	_ =	swait.ge [sflag:s6], $0x30D4  }
0x10c: {  	[sflag:s6] =	ssyncset.done $0x0  }
0x10d: {  	[sflag:s6] =	ssyncadd.s32 $0xFFFFCF2C  }
0x10e: {  	s17 =	sadd.s32 $0x0, s23;
	[bflag:$0x0] =	sbarrier.arrive $0xFFFF  }
0x10f: {  	[tilespmem:s1], [sflag:$0x2] =	stream.linear.gather [hbm4b:s17+s1], $0x50, $0x38;
	[tilespmem:$0x1C8C0] =	vst v63  }
0x110: {  	_ =	swait.ge [sflag:s6], $0x50  }
0x111: {  	[sflag:s6] =	ssyncset.done $0x0  }
0x112: {  	s18 =	sadd.s32 $0x0, s22;
	[sflag:s6] =	ssyncadd.s32 $0xFFFFFFB0  }
0x113: {  	[tilespmem:s7], [sflag:$0x2] =	stream.linear.gather [hbm4b:s18+s1], $0x50, $0x38;
	[tilespmem:$0x1C8C0] =	vst v63  }
0x114: {  	_ =	swait.ge [sflag:s6], $0x50  }
0x115: {  	[sflag:s6] =	ssyncset.done $0x0  }
0x116: {  	[sflag:s6] =	ssyncadd.s32 $0xFFFFFFB0  }
0x117: {  	v4 =	vld [tilespmem:$0x40]  }
0x118: {  	v5 =	vld [tilespmem:$0x20]  }
0x119: {  	v6 =	vld [tilespmem:$0x30]  }
0x11a: {  	v7 =	vld [tilespmem:$0x10]  }
0x11b: {  	v8 =	vld [tilespmem:$0x0]  }
0x11c: {  	v4 =	vadd.s32 v2, v4  }
0x11d: {  	v5 =	vadd.s32 v2, v5;
	[tilespmem:$0x40] =	vst v4  }
0x11e: {  	[tilespmem:$0x20] =	vst v5;
	v4 =	vadd.s32 v2, v6  }
0x11f: {  	v5 =	vadd.s32 v2, v7;
	[tilespmem:$0x30] =	vst v4  }
0x120: {  	v4 =	vadd.s32 v2, v8;
	[tilespmem:$0x10] =	vst v5  }
0x121: {  	[tilespmem:$0x0] =	vst v4  }
0x122: {  	[tilespmem:s8], [sflag:$0x1] =	stream.indirect.gather [hbm4b:s24+s7], $0x50, s1, s7, $0xb8;
	[tilespmem:$0x1C8C0] =	vst v63  }
0x123: {  	_ =	swait.ge [sflag:s9], $0x1900  }
0x124: {  	s15 =	simm.s32 $0xA;
	[sflag:s9] =	ssyncset.done $0x0  }
.LBB2_6:
0x125: {  	p0 =	sne.s32 s15, $0x4D8  }
0x126: {  	[sflag:s9] =	ssyncadd.s32 $0xFFFFE700;
	s17 =	smov.u32 s15;
	s15 =	sadd.s32 $0xA, s15  }
0x127: {  	[spmem:s20] =	stream.indirect.scatter.add.f32 [tilespmem:s8], [sflag:$0x2], $0x50, s7, s7, $0xb8;
	[tilespmem:$0x1C8C0] =	vst v63  }
0x128: {  	_ =	swait.ge [sflag:s6], $0x1900  }
0x129: {  	[sflag:s6] =	ssyncset.done $0x0  }
0x12a: {  	s18 =	sadd.s32 s17, s23;
	[sflag:s6] =	ssyncadd.s32 $0xFFFFE700  }
0x12b: {  	[tilespmem:s1], [sflag:$0x2] =	stream.linear.gather [hbm4b:s18+s1], $0x50, $0x38;
	[tilespmem:$0x1C8C0] =	vst v63  }
0x12c: {  	_ =	swait.ge [sflag:s6], $0x50  }
0x12d: {  	[sflag:s6] =	ssyncset.done $0x0  }
0x12e: {  	s17 =	sadd.s32 s17, s22;
	[sflag:s6] =	ssyncadd.s32 $0xFFFFFFB0  }
0x12f: {  	[tilespmem:s7], [sflag:$0x2] =	stream.linear.gather [hbm4b:s17+s1], $0x50, $0x38;
	[tilespmem:$0x1C8C0] =	vst v63  }
0x130: {  	_ =	swait.ge [sflag:s6], $0x50  }
0x131: {  	[sflag:s6] =	ssyncset.done $0x0  }
0x132: {  	[sflag:s6] =	ssyncadd.s32 $0xFFFFFFB0  }
0x133: {  	v4 =	vld [tilespmem:$0x40]  }
0x134: {  	v5 =	vld [tilespmem:$0x20]  }
0x135: {  	v6 =	vld [tilespmem:$0x30]  }
0x136: {  	v7 =	vld [tilespmem:$0x10]  }
0x137: {  	v8 =	vld [tilespmem:$0x0]  }
0x138: {  	v4 =	vadd.s32 v2, v4  }
0x139: {  	v5 =	vadd.s32 v2, v5;
	[tilespmem:$0x40] =	vst v4  }
0x13a: {  	[tilespmem:$0x20] =	vst v5;
	v4 =	vadd.s32 v2, v6  }
0x13b: {  	v5 =	vadd.s32 v2, v7;
	[tilespmem:$0x30] =	vst v4  }
.Ltmp2:
0x13c: {  	v4 =	vadd.s32 v2, v8;
	[tilespmem:$0x10] =	vst v5;
	(pc) =	sbr.rel @p0 .LBB2_6-.Ltmp2, $4  }
0x13d: {  	[tilespmem:$0x0] =	vst v4  }
0x13e: {  	[tilespmem:s8], [sflag:$0x1] =	stream.indirect.gather [hbm4b:s24+s7], $0x50, s1, s7, $0xb8;
	[tilespmem:$0x1C8C0] =	vst v63  }
0x13f: {  	_ =	swait.ge [sflag:s9], $0x1900  }
0x140: {  	[sflag:s9] =	ssyncset.done $0x0  }
0x141: {  	[sflag:s9] =	ssyncadd.s32 $0xFFFFE700  }
0x142: {  	[spmem:s20] =	stream.indirect.scatter.add.f32 [tilespmem:s8], [sflag:$0x2], $0x50, s7, s7, $0xb8;
	[tilespmem:$0x1C8C0] =	vst v63  }
0x143: {  	_ =	swait.ge [sflag:s6], $0x1900  }
0x144: {  	[sflag:s6] =	ssyncset.done $0x0  }
0x145: {  	[sflag:s6] =	ssyncadd.s32 $0xFFFFE700  }
0x146: {  	s15 =	simm.s32 $0x0;
	[bflag:$0x0] =	sbarrier.arrive $0xFFFF  }
0x147: {  	[tilespmem:s10], [sflag:$0x2] =	stream.linear.gather [hbm4b:s3+s15], $0x80, $0x38;
	[tilespmem:$0x1C8C0] =	vst v63  }
0x148: {  	_ =	swait.ge [sflag:s6], $0x80  }
0x149: {  	[sflag:s6] =	ssyncset.done $0x0  }
0x14a: {  	[sflag:s6] =	ssyncadd.s32 $0xFFFFFF80  }
0x14b: {  	[tilespmem:s12], [sflag:$0x1] =	stream.indirect.gather [spmem:s20], $0x50, s10, s11, $0xb8;
	[tilespmem:$0x1C8C0] =	vst v63  }
0x14c: {  	_ =	swait.ge [sflag:s9], $0x2800  }
0x14d: {  	[sflag:s9] =	ssyncset.done $0x0  }
0x14e: {  	s17 =	rddreg [dreg:$0x11];
	[sflag:s9] =	ssyncadd.s32 $0xFFFFD800  }
0x14f: {  	[hbm4b:s17+s15] =	stream.linear.scatter [tilespmem:s12], [sflag:$0x2], $0x2800, $0x38;
	[tilespmem:$0x1C8C0] =	vst v63  }
0x150: {  	_ =	swait.ge [sflag:s6], $0x2800  }
0x151: {  	[sflag:s6] =	ssyncset.done $0x0  }
0x152: {  	[sflag:s6] =	ssyncadd.s32 $0xFFFFD800  }
0x153: {  	[tilespmem:s10], [sflag:$0x2] =	stream.linear.gather [hbm4b:s16+s15], $0x80, $0x38;
	[tilespmem:$0x1C8C0] =	vst v63  }
0x154: {  	_ =	swait.ge [sflag:s6], $0x80  }
0x155: {  	[sflag:s6] =	ssyncset.done $0x0  }
0x156: {  	[sflag:s6] =	ssyncadd.s32 $0xFFFFFF80  }
0x157: {  	[tilespmem:s12], [sflag:$0x1] =	stream.indirect.gather [spmem:s20], $0x50, s10, s11, $0xb8;
	[tilespmem:$0x1C8C0] =	vst v63  }
0x158: {  	_ =	swait.ge [sflag:s9], $0x2800  }
0x159: {  	[sflag:s9] =	ssyncset.done $0x0  }
0x15a: {  	s18 =	rddreg [dreg:$0x12];
	[sflag:s9] =	ssyncadd.s32 $0xFFFFD800  }
0x15b: {  	[hbm4b:s18+s15] =	stream.linear.scatter [tilespmem:s12], [sflag:$0x2], $0x2800, $0x38;
	[tilespmem:$0x1C8C0] =	vst v63  }
0x15c: {  	_ =	swait.ge [sflag:s6], $0x2800  }
0x15d: {  	[sflag:s6] =	ssyncset.done $0x0  }
0x15e: {  	[sflag:s6] =	ssyncadd.s32 $0xFFFFD800  }
0x15f: {  	[tilespmem:s10], [sflag:$0x2] =	stream.linear.gather [hbm4b:s0+s15], $0x80, $0x38;
	[tilespmem:$0x1C8C0] =	vst v63  }
0x160: {  	_ =	swait.ge [sflag:s6], $0x80  }
0x161: {  	[sflag:s6] =	ssyncset.done $0x0  }
0x162: {  	[sflag:s6] =	ssyncadd.s32 $0xFFFFFF80  }
0x163: {  	[tilespmem:s12], [sflag:$0x1] =	stream.indirect.gather [spmem:s20], $0x50, s10, s11, $0xb8;
	[tilespmem:$0x1C8C0] =	vst v63  }
0x164: {  	_ =	swait.ge [sflag:s9], $0x2800  }
0x165: {  	[sflag:s9] =	ssyncset.done $0x0  }
0x166: {  	s18 =	rddreg [dreg:$0x13];
	[sflag:s9] =	ssyncadd.s32 $0xFFFFD800  }
0x167: {  	[hbm4b:s18+s15] =	stream.linear.scatter [tilespmem:s12], [sflag:$0x2], $0x2800, $0x38;
	[tilespmem:$0x1C8C0] =	vst v63  }
0x168: {  	_ =	swait.ge [sflag:s6], $0x2800  }
0x169: {  	[sflag:s6] =	ssyncset.done $0x0  }
0x16a: {  	[sflag:s6] =	ssyncadd.s32 $0xFFFFD800  }
0x16b: {  	[tilespmem:s10], [sflag:$0x2] =	stream.linear.gather [hbm4b:s2+s15], $0x80, $0x38;
	[tilespmem:$0x1C8C0] =	vst v63  }
0x16c: {  	_ =	swait.ge [sflag:s6], $0x80  }
0x16d: {  	[sflag:s6] =	ssyncset.done $0x0  }
0x16e: {  	[sflag:s6] =	ssyncadd.s32 $0xFFFFFF80  }
0x16f: {  	[tilespmem:s12], [sflag:$0x1] =	stream.indirect.gather [spmem:s20], $0x50, s10, s11, $0xb8;
	[tilespmem:$0x1C8C0] =	vst v63  }
0x170: {  	_ =	swait.ge [sflag:s9], $0x2800  }
0x171: {  	[sflag:s9] =	ssyncset.done $0x0  }
0x172: {  	s18 =	rddreg [dreg:$0x14];
	[sflag:s9] =	ssyncadd.s32 $0xFFFFD800  }
0x173: {  	[hbm4b:s18+s15] =	stream.linear.scatter [tilespmem:s12], [sflag:$0x2], $0x2800, $0x38;
	[tilespmem:$0x1C8C0] =	vst v63  }
0x174: {  	_ =	swait.ge [sflag:s6], $0x2800  }
0x175: {  	[sflag:s6] =	ssyncset.done $0x0  }
0x176: {  	[sflag:s6] =	ssyncadd.s32 $0xFFFFD800  }
0x177: {  	[bflag:$0x0] =	sbarrier.arrive $0xFFFF  }
0x178: {  	[spmem:s14], [sflag:s4] =	dma.local [hbm:s25], $0x30D4  }
0x179: {  	_ =	swait.ge [sflag:s6], $0x30D4  }
0x17a: {  	[sflag:s6] =	ssyncset.done $0x0  }
0x17b: {  	[sflag:s6] =	ssyncadd.s32 $0xFFFFCF2C  }
0x17c: {  	s17 =	sadd.s32 $0x0, s23;
	[bflag:$0x0] =	sbarrier.arrive $0xFFFF  }
0x17d: {  	[tilespmem:s1], [sflag:$0x2] =	stream.linear.gather [hbm4b:s17+s1], $0x50, $0x38;
	[tilespmem:$0x1C8C0] =	vst v63  }
0x17e: {  	_ =	swait.ge [sflag:s6], $0x50  }
0x17f: {  	[sflag:s6] =	ssyncset.done $0x0  }
0x180: {  	s18 =	sadd.s32 $0x0, s22;
	[sflag:s6] =	ssyncadd.s32 $0xFFFFFFB0  }
0x181: {  	[tilespmem:s7], [sflag:$0x2] =	stream.linear.gather [hbm4b:s18+s1], $0x50, $0x38;
	[tilespmem:$0x1C8C0] =	vst v63  }
0x182: {  	_ =	swait.ge [sflag:s6], $0x50  }
0x183: {  	[sflag:s6] =	ssyncset.done $0x0  }
0x184: {  	[sflag:s6] =	ssyncadd.s32 $0xFFFFFFB0  }
0x185: {  	v4 =	vld [tilespmem:$0x40]  }
0x186: {  	v5 =	vld [tilespmem:$0x20]  }
0x187: {  	v6 =	vld [tilespmem:$0x30]  }
0x188: {  	v7 =	vld [tilespmem:$0x10]  }
0x189: {  	v8 =	vld [tilespmem:$0x0]  }
0x18a: {  	v4 =	vadd.s32 v3, v4  }
0x18b: {  	v5 =	vadd.s32 v3, v5;
	[tilespmem:$0x40] =	vst v4  }
0x18c: {  	[tilespmem:$0x20] =	vst v5;
	v4 =	vadd.s32 v3, v6  }
0x18d: {  	v5 =	vadd.s32 v3, v7;
	[tilespmem:$0x30] =	vst v4  }
0x18e: {  	v4 =	vadd.s32 v3, v8;
	[tilespmem:$0x10] =	vst v5  }
0x18f: {  	[tilespmem:$0x0] =	vst v4  }
0x190: {  	[tilespmem:s8], [sflag:$0x1] =	stream.indirect.gather [hbm4b:s24+s7], $0x50, s1, s7, $0xb8;
	[tilespmem:$0x1C8C0] =	vst v63  }
0x191: {  	_ =	swait.ge [sflag:s9], $0x1900  }
0x192: {  	s14 =	simm.s32 $0xA;
	[sflag:s9] =	ssyncset.done $0x0  }
.LBB2_8:
0x193: {  	p0 =	sne.s32 s14, $0x4D8  }
0x194: {  	[sflag:s9] =	ssyncadd.s32 $0xFFFFE700;
	s15 =	smov.u32 s14;
	s14 =	sadd.s32 $0xA, s14  }
0x195: {  	[spmem:s20] =	stream.indirect.scatter.add.f32 [tilespmem:s8], [sflag:$0x2], $0x50, s7, s7, $0xb8;
	[tilespmem:$0x1C8C0] =	vst v63  }
0x196: {  	_ =	swait.ge [sflag:s6], $0x1900  }
0x197: {  	[sflag:s6] =	ssyncset.done $0x0  }
0x198: {  	s17 =	sadd.s32 s15, s23;
	[sflag:s6] =	ssyncadd.s32 $0xFFFFE700  }
0x199: {  	[tilespmem:s1], [sflag:$0x2] =	stream.linear.gather [hbm4b:s17+s1], $0x50, $0x38;
	[tilespmem:$0x1C8C0] =	vst v63  }
0x19a: {  	_ =	swait.ge [sflag:s6], $0x50  }
0x19b: {  	[sflag:s6] =	ssyncset.done $0x0  }
0x19c: {  	s15 =	sadd.s32 s15, s22;
	[sflag:s6] =	ssyncadd.s32 $0xFFFFFFB0  }
0x19d: {  	[tilespmem:s7], [sflag:$0x2] =	stream.linear.gather [hbm4b:s15+s1], $0x50, $0x38;
	[tilespmem:$0x1C8C0] =	vst v63  }
0x19e: {  	_ =	swait.ge [sflag:s6], $0x50  }
0x19f: {  	[sflag:s6] =	ssyncset.done $0x0  }
0x1a0: {  	[sflag:s6] =	ssyncadd.s32 $0xFFFFFFB0  }
0x1a1: {  	v4 =	vld [tilespmem:$0x40]  }
0x1a2: {  	v5 =	vld [tilespmem:$0x20]  }
0x1a3: {  	v6 =	vld [tilespmem:$0x30]  }
0x1a4: {  	v7 =	vld [tilespmem:$0x10]  }
0x1a5: {  	v8 =	vld [tilespmem:$0x0]  }
0x1a6: {  	v4 =	vadd.s32 v3, v4  }
0x1a7: {  	v5 =	vadd.s32 v3, v5;
	[tilespmem:$0x40] =	vst v4  }
0x1a8: {  	[tilespmem:$0x20] =	vst v5;
	v4 =	vadd.s32 v3, v6  }
0x1a9: {  	v5 =	vadd.s32 v3, v7;
	[tilespmem:$0x30] =	vst v4  }
.Ltmp3:
0x1aa: {  	v4 =	vadd.s32 v3, v8;
	[tilespmem:$0x10] =	vst v5;
	(pc) =	sbr.rel @p0 .LBB2_8-.Ltmp3, $4  }
0x1ab: {  	[tilespmem:$0x0] =	vst v4  }
0x1ac: {  	[tilespmem:s8], [sflag:$0x1] =	stream.indirect.gather [hbm4b:s24+s7], $0x50, s1, s7, $0xb8;
	[tilespmem:$0x1C8C0] =	vst v63  }
0x1ad: {  	_ =	swait.ge [sflag:s9], $0x1900  }
0x1ae: {  	[sflag:s9] =	ssyncset.done $0x0  }
0x1af: {  	[sflag:s9] =	ssyncadd.s32 $0xFFFFE700  }
0x1b0: {  	[spmem:s20] =	stream.indirect.scatter.add.f32 [tilespmem:s8], [sflag:$0x2], $0x50, s7, s7, $0xb8;
	[tilespmem:$0x1C8C0] =	vst v63  }
0x1b1: {  	_ =	swait.ge [sflag:s6], $0x1900  }
0x1b2: {  	[sflag:s6] =	ssyncset.done $0x0  }
0x1b3: {  	[sflag:s6] =	ssyncadd.s32 $0xFFFFE700  }
0x1b4: {  	[bflag:$0x0] =	sbarrier.arrive $0xFFFF  }
0x1b5: {  	[tilespmem:s10], [sflag:$0x2] =	stream.linear.gather [hbm4b:s3+s1], $0x80, $0x38;
	[tilespmem:$0x1C8C0] =	vst v63  }
0x1b6: {  	_ =	swait.ge [sflag:s6], $0x80  }
0x1b7: {  	[sflag:s6] =	ssyncset.done $0x0  }
0x1b8: {  	[sflag:s6] =	ssyncadd.s32 $0xFFFFFF80  }
0x1b9: {  	[tilespmem:s12], [sflag:$0x1] =	stream.indirect.gather [spmem:s20], $0x50, s10, s11, $0xb8;
	[tilespmem:$0x1C8C0] =	vst v63  }
0x1ba: {  	_ =	swait.ge [sflag:s9], $0x2800  }
0x1bb: {  	[sflag:s9] =	ssyncset.done $0x0  }
0x1bc: {  	s14 =	rddreg [dreg:$0x15];
	[sflag:s9] =	ssyncadd.s32 $0xFFFFD800  }
0x1bd: {  	[hbm4b:s14+s1] =	stream.linear.scatter [tilespmem:s12], [sflag:$0x2], $0x2800, $0x38;
	[tilespmem:$0x1C8C0] =	vst v63  }
0x1be: {  	_ =	swait.ge [sflag:s6], $0x2800  }
0x1bf: {  	[sflag:s6] =	ssyncset.done $0x0  }
0x1c0: {  	[sflag:s6] =	ssyncadd.s32 $0xFFFFD800  }
0x1c1: {  	[tilespmem:s10], [sflag:$0x2] =	stream.linear.gather [hbm4b:s16+s1], $0x80, $0x38;
	[tilespmem:$0x1C8C0] =	vst v63  }
0x1c2: {  	_ =	swait.ge [sflag:s6], $0x80  }
0x1c3: {  	[sflag:s6] =	ssyncset.done $0x0  }
0x1c4: {  	[sflag:s6] =	ssyncadd.s32 $0xFFFFFF80  }
0x1c5: {  	[tilespmem:s12], [sflag:$0x1] =	stream.indirect.gather [spmem:s20], $0x50, s10, s11, $0xb8;
	[tilespmem:$0x1C8C0] =	vst v63  }
0x1c6: {  	_ =	swait.ge [sflag:s9], $0x2800  }
0x1c7: {  	[sflag:s9] =	ssyncset.done $0x0  }
0x1c8: {  	s15 =	rddreg [dreg:$0x16];
	[sflag:s9] =	ssyncadd.s32 $0xFFFFD800  }
0x1c9: {  	[hbm4b:s15+s1] =	stream.linear.scatter [tilespmem:s12], [sflag:$0x2], $0x2800, $0x38;
	[tilespmem:$0x1C8C0] =	vst v63  }
0x1ca: {  	_ =	swait.ge [sflag:s6], $0x2800  }
0x1cb: {  	[sflag:s6] =	ssyncset.done $0x0  }
0x1cc: {  	[sflag:s6] =	ssyncadd.s32 $0xFFFFD800  }
0x1cd: {  	[tilespmem:s10], [sflag:$0x2] =	stream.linear.gather [hbm4b:s0+s1], $0x80, $0x38;
	[tilespmem:$0x1C8C0] =	vst v63  }
0x1ce: {  	_ =	swait.ge [sflag:s6], $0x80  }
0x1cf: {  	[sflag:s6] =	ssyncset.done $0x0  }
0x1d0: {  	[sflag:s6] =	ssyncadd.s32 $0xFFFFFF80  }
0x1d1: {  	[tilespmem:s12], [sflag:$0x1] =	stream.indirect.gather [spmem:s20], $0x50, s10, s11, $0xb8;
	[tilespmem:$0x1C8C0] =	vst v63  }
0x1d2: {  	_ =	swait.ge [sflag:s9], $0x2800  }
0x1d3: {  	[sflag:s9] =	ssyncset.done $0x0  }
0x1d4: {  	s17 =	rddreg [dreg:$0x17];
	[sflag:s9] =	ssyncadd.s32 $0xFFFFD800  }
0x1d5: {  	[hbm4b:s17+s1] =	stream.linear.scatter [tilespmem:s12], [sflag:$0x2], $0x2800, $0x38;
	[tilespmem:$0x1C8C0] =	vst v63  }
0x1d6: {  	_ =	swait.ge [sflag:s6], $0x2800  }
0x1d7: {  	[sflag:s6] =	ssyncset.done $0x0  }
0x1d8: {  	[sflag:s6] =	ssyncadd.s32 $0xFFFFD800  }
0x1d9: {  	[tilespmem:s10], [sflag:$0x2] =	stream.linear.gather [hbm4b:s2+s1], $0x80, $0x38;
	[tilespmem:$0x1C8C0] =	vst v63  }
0x1da: {  	_ =	swait.ge [sflag:s6], $0x80  }
0x1db: {  	[sflag:s6] =	ssyncset.done $0x0  }
0x1dc: {  	[sflag:s6] =	ssyncadd.s32 $0xFFFFFF80  }
0x1dd: {  	[tilespmem:s12], [sflag:$0x1] =	stream.indirect.gather [spmem:s20], $0x50, s10, s11, $0xb8;
	[tilespmem:$0x1C8C0] =	vst v63  }
0x1de: {  	_ =	swait.ge [sflag:s9], $0x2800  }
0x1df: {  	s13 =	sadd.s32 $0x1, s13;
	[sflag:s9] =	ssyncset.done $0x0  }
0x1e0: {  	p0 =	sne.s32 s13, s5;
	s18 =	rddreg [dreg:$0x18];
	[sflag:s9] =	ssyncadd.s32 $0xFFFFD800  }
0x1e1: {  	[hbm4b:s18+s1] =	stream.linear.scatter [tilespmem:s12], [sflag:$0x2], $0x2800, $0x38;
	[tilespmem:$0x1C8C0] =	vst v63  }
.Ltmp4:
0x1e2: {  	_ =	swait.ge [sflag:s6], $0x2800;
	(pc) =	sbr.rel @p0 .LBB2_1-.Ltmp4, $3  }
0x1e3: {  	[sflag:s6] =	ssyncset.done $0x0  }
0x1e4: {  	[sflag:s6] =	ssyncadd.s32 $0xFFFFD800  }
0x1e5: {  	[bflag:$0x0] =	sbarrier.arrive $0xFFFF;
	_ =	sdelay $0x1  }
0x1e6: {  	_ =	sfence.sel $0x180000  }
0x1e7: {  	[bflag:$0x0] =	sbarrier.arrive $0xFFFF  }
0x1e8: {  	_ =	strace $0x90000047  }
0x1e9: {  	s0 =	stileid.u32;
	[bflag:$0x2] =	sbarrier.arrive $0xFFFF  }
0x1ea: {  	p0 =	sne.s32 s0, $0x0;
	s0 =	rddreg [dreg:$0x8]  }
0x1eb: {  	s0 =	sadd.s32 @!p0 $0x100000, s0  }
0x1ec: {  	[sflag:s0] =	ssyncadd.tile.s32 @!p0 $0x1;
	_ =	shalt  }
.Lfunc_end2:
_tile_overlayer_lowered:
.L_overlay_start_2:
0x1ed: {  	(tag) =	ssettag $0x2  }
0x1ee: {  	s0 =	rddreg [dreg:$0x0];
	s2 =	stileid.u32  }
0x1ef: {  	s1 =	rddreg [dreg:$0x1];
	p0 =	sne.s32 s2, $0x0  }
0x1f0: {  	s3 =	rddreg [dreg:$0x2];
	[bflag:$0x3] =	sbarrier.arrive $0xFFFF;
	s2 =	simm.s32 @!p0 $0x1C02  }
0x1f1: {  	[timem:s3], [sflag:s2] =	dma.local @!p0 [hbm:s0], s1  }
0x1f2: {  	s0 =	simm.s32 @!p0 $0x2  }
0x1f3: {  	_ =	swait.ge @!p0 [sflag:s0], s1  }
0x1f4: {  	s1 =	ssub.s32 @!p0 $0x0, s1;
	[sflag:s0] =	ssyncset.done @!p0 $0x0  }
0x1f5: {  	[sflag:s0] =	ssyncadd.s32 @!p0 s1  }
0x1f6: {  	[bflag:$0x3] =	sbarrier.arrive $0xFFFF  }
0x1f7: {  	_ =	shalt  }

</sc_bundles>
